<compile_context>
chip_gen: v7x
topology: tpu7x:2x2x1
jax: 0.10.2.dev20260603
libtpu: 0.0.44.dev20260713+nightly
codegen_flags: <defaults>
</compile_context>

<pallas_src>
import functools

import jax
import jax.numpy as jnp
from jax import lax
from jax.experimental import pallas as pl
from jax.experimental.pallas import tpu as pltpu
from jax.experimental.pallas import tpu_sc as plsc

N = 100000
E = 1600000
NP = 100352
RPT = NP // 16
HID = 64
MLP_HID = 128
K = 15

EBA = 1000
EBB = 400
EBC = 800
BN3 = 2000
BN1 = 6272

_MESH = dict(core_axis_name="c", subcore_axis_name="s")
_SC_PARAMS = dict(
    compiler_params=pltpu.CompilerParams(use_tc_tiling_on_sc=False,
                                         skip_device_barrier=True))


def _deg_body(edge_hbm, zeros_hbm, out_hbm, dst0, dst1, ones_v, acc_sh,
              s0, s1):
    c = lax.axis_index("c")
    s = lax.axis_index("s")

    def fill(j, carry):
        ones_v[pl.ds(j * 16, 16)] = jnp.full((16,), 1.0, jnp.float32)
        return carry

    lax.fori_loop(0, EBA // 16, fill, 0)
    pltpu.sync_copy(zeros_hbm.at[pl.ds(s * RPT, RPT)],
                    acc_sh.at[pl.ds(s * RPT, RPT)])
    plsc.subcore_barrier()
    wid = c * 16 + s
    ept = E // 32
    nblk = ept // EBA
    base0 = wid * ept
    bufs = (dst0, dst1)
    sems = (s0, s1)

    pltpu.async_copy(edge_hbm.at[1, pl.ds(base0, EBA)], dst0, s0)

    def blk(i, carry):
        def one(b):
            @pl.when(i + 1 < nblk)
            def _():
                pltpu.async_copy(
                    edge_hbm.at[1, pl.ds(base0 + (i + 1) * EBA, EBA)],
                    bufs[1 - b], sems[1 - b])

            pltpu.make_async_copy(
                edge_hbm.at[1, pl.ds(base0, EBA)], bufs[b], sems[b]).wait()
            pltpu.sync_copy(ones_v, acc_sh.at[bufs[b]], add=True)

        lax.cond(i % 2 == 0, lambda: one(0), lambda: one(1))
        return carry

    lax.fori_loop(0, nblk, blk, 0)
    plsc.subcore_barrier()
    pltpu.sync_copy(acc_sh.at[pl.ds(s * RPT, RPT)],
                    out_hbm.at[c, pl.ds(s * RPT, RPT)])


def _sc_deg(edge_index, zeros1):
    fn = pl.kernel(
        _deg_body,
        out_type=jax.ShapeDtypeStruct((2, NP), jnp.float32),
        mesh=plsc.VectorSubcoreMesh(**_MESH),
        scratch_types=[
            pltpu.VMEM((EBA,), jnp.int32),
            pltpu.VMEM((EBA,), jnp.int32),
            pltpu.VMEM((EBA,), jnp.float32),
            pltpu.VMEM_SHARED((NP,), jnp.float32),
            pltpu.SemaphoreType.DMA,
            pltpu.SemaphoreType.DMA,
        ],
        **_SC_PARAMS,
    )
    return fn(edge_index, zeros1)


def _edge_loop(EB, nblk, base0, idx_mul, idx_off, edge_hbm, tab_hbm,
               srcb, dstb, rowsb, isems, gsems, acc_sh, db=True):
    def issue_idx(i, b):
        pltpu.async_copy(edge_hbm.at[0, pl.ds(base0 + i * EB, EB)], srcb[b],
                         isems[b])
        pltpu.async_copy(edge_hbm.at[1, pl.ds(base0 + i * EB, EB)], dstb[b],
                         isems[b])

    def wait_idx(b):
        pltpu.make_async_copy(edge_hbm.at[0, pl.ds(base0, EB)], srcb[b],
                              isems[b]).wait()
        pltpu.make_async_copy(edge_hbm.at[1, pl.ds(base0, EB)], dstb[b],
                              isems[b]).wait()

    def adjust(b):
        if idx_mul == 1 and idx_off is None:
            return

        def adj(j, carry):
            v = srcb[b][pl.ds(j * 16, 16)]
            if idx_mul != 1:
                v = v * idx_mul
            if idx_off is not None:
                v = v + jnp.full((16,), 1, jnp.int32) * idx_off
            srcb[b][pl.ds(j * 16, 16)] = v
            return carry

        lax.fori_loop(0, EB // 16, adj, 0)

    def issue_gather(b):
        pltpu.async_copy(tab_hbm.at[srcb[b]], rowsb[b], gsems[b])

    def wait_gather(b):
        pltpu.make_async_copy(tab_hbm.at[srcb[b]], rowsb[b], gsems[b]).wait()

    def issue_idx_dyn(i2, b):
        pltpu.async_copy(edge_hbm.at[0, pl.ds(base0 + i2 * EB, EB)], srcb[b],
                         isems[b])
        pltpu.async_copy(edge_hbm.at[1, pl.ds(base0 + i2 * EB, EB)], dstb[b],
                         isems[b])

    if not db:
        def sblk(i, carry):
            issue_idx_dyn(i, 0)
            wait_idx(0)
            adjust(0)
            issue_gather(0)
            wait_gather(0)
            pltpu.sync_copy(rowsb[0], acc_sh.at[dstb[0]], add=True)
            return carry

        lax.fori_loop(0, nblk, sblk, 0)
        return

    issue_idx(0, 0)
    wait_idx(0)
    adjust(0)
    issue_gather(0)
    if nblk > 1:
        issue_idx(1, 1)

    def blk(i, carry):
        def one(b):
            nb = 1 - b

            @pl.when(i + 1 < nblk)
            def _():
                wait_idx(nb)
                adjust(nb)

            wait_gather(b)

            @pl.when(i + 1 < nblk)
            def _():
                issue_gather(nb)

            pltpu.sync_copy(rowsb[b], acc_sh.at[dstb[b]], add=True)

            @pl.when(i + 2 < nblk)
            def _():
                issue_idx_dyn(i + 2, b)

        lax.cond(i % 2 == 0, lambda: one(0), lambda: one(1))
        return carry

    lax.fori_loop(0, nblk, blk, 0)


def _agg1_body(edge_hbm, xd_hbm, zeros_hbm, out_hbm,
               src0, src1, dst0, dst1, rows0, rows1, acc_sh,
               i0, i1, g0, g1):
    c = lax.axis_index("c")
    s = lax.axis_index("s")
    pltpu.sync_copy(zeros_hbm.at[pl.ds(s * RPT, RPT)],
                    acc_sh.at[pl.ds(s * RPT, RPT)])
    plsc.subcore_barrier()
    wid = c * 16 + s
    ept = E // 32
    _edge_loop(EBB, ept // EBB, wid * ept, 1, None, edge_hbm, xd_hbm,
               (src0, src1), (dst0, dst1), (rows0, rows1),
               (i0, i1), (g0, g1), acc_sh, db=True)
    plsc.subcore_barrier()
    pltpu.sync_copy(acc_sh.at[pl.ds(s * RPT, RPT)],
                    out_hbm.at[c, pl.ds(s * RPT, RPT)])


def _sc_agg1(edge_index, xd, zeros16):
    fn = pl.kernel(
        _agg1_body,
        out_type=jax.ShapeDtypeStruct((2, NP, 16), jnp.float32),
        mesh=plsc.VectorSubcoreMesh(**_MESH),
        scratch_types=[
            pltpu.VMEM((EBB,), jnp.int32),
            pltpu.VMEM((EBB,), jnp.int32),
            pltpu.VMEM((EBB,), jnp.int32),
            pltpu.VMEM((EBB,), jnp.int32),
            pltpu.VMEM((EBB, 16), jnp.float32),
            pltpu.VMEM((EBB, 16), jnp.float32),
            pltpu.VMEM_SHARED((NP, 16), jnp.float32),
            pltpu.SemaphoreType.DMA,
            pltpu.SemaphoreType.DMA,
            pltpu.SemaphoreType.DMA,
            pltpu.SemaphoreType.DMA,
        ],
        **_SC_PARAMS,
    )
    return fn(edge_index, xd, zeros16)


def _agg2_body(edge_hbm, u_hbm, zeros_hbm, out_hbm,
               src0, src1, dst0, dst1, rows0, rows1, acc_sh,
               i0, i1, g0, g1):
    c = lax.axis_index("c")
    s = lax.axis_index("s")
    ept = E // 16

    for p in range(2):
        chunk = c * 2 + p
        pltpu.sync_copy(zeros_hbm.at[pl.ds(s * RPT, RPT)],
                        acc_sh.at[pl.ds(s * RPT, RPT)])
        plsc.subcore_barrier()
        _edge_loop(EBC, ept // EBC, s * ept, 4, chunk, edge_hbm,
                   u_hbm, (src0, src1), (dst0, dst1), (rows0, rows1),
                   (i0, i1), (g0, g1), acc_sh)
        plsc.subcore_barrier()
        pltpu.sync_copy(acc_sh.at[pl.ds(s * RPT, RPT)],
                        out_hbm.at[chunk, pl.ds(s * RPT, RPT)])
        plsc.subcore_barrier()


def _sc_agg2(edge_index, u_flat, zeros16):
    fn = pl.kernel(
        _agg2_body,
        out_type=jax.ShapeDtypeStruct((4, NP, 16), jnp.float32),
        mesh=plsc.VectorSubcoreMesh(**_MESH),
        scratch_types=[
            pltpu.VMEM((EBC,), jnp.int32),
            pltpu.VMEM((EBC,), jnp.int32),
            pltpu.VMEM((EBC,), jnp.int32),
            pltpu.VMEM((EBC,), jnp.int32),
            pltpu.VMEM((EBC, 16), jnp.float32),
            pltpu.VMEM((EBC, 16), jnp.float32),
            pltpu.VMEM_SHARED((NP, 16), jnp.float32),
            pltpu.SemaphoreType.DMA,
            pltpu.SemaphoreType.DMA,
            pltpu.SemaphoreType.DMA,
            pltpu.SemaphoreType.DMA,
        ],
        **_SC_PARAMS,
    )
    return fn(edge_index, u_flat, zeros16)


def _tc1_body(degp_ref, x_ref, out_ref):
    d = degp_ref[0] + degp_ref[1] + 1.0
    dinv = lax.rsqrt(d)
    xb = x_ref[...]
    out_ref[...] = jnp.concatenate(
        [xb * dinv, dinv, jnp.zeros((BN1, 12), jnp.float32)], axis=1)


def _tc1(degp, x_pad):
    return pl.pallas_call(
        _tc1_body,
        grid=(NP // BN1,),
        in_specs=[
            pl.BlockSpec((2, BN1, 1), lambda i: (0, i, 0)),
            pl.BlockSpec((BN1, 3), lambda i: (i, 0)),
        ],
        out_specs=pl.BlockSpec((BN1, 16), lambda i: (i, 0)),
        out_shape=jax.ShapeDtypeStruct((NP, 16), jnp.float32),
    )(degp.reshape(2, NP, 1), x_pad)


def _tc2_body(xd_ref, aggp_ref, w1_ref, b1_ref, out_ref):
    xb = xd_ref[...]
    ag = aggp_ref[0] + aggp_ref[1] + xb
    dinv = xb[:, 3:4]
    z = jnp.dot(ag * dinv, w1_ref[...], preferred_element_type=jnp.float32)
    z = z + b1_ref[...]
    h1 = jnp.where(z > 0, z, jnp.exp(z) - 1.0)
    out_ref[...] = h1 * dinv


def _tc2(xd, agg1p, W1p, b1):
    return pl.pallas_call(
        _tc2_body,
        grid=(NP // BN1,),
        in_specs=[
            pl.BlockSpec((BN1, 16), lambda i: (i, 0)),
            pl.BlockSpec((2, BN1, 16), lambda i: (0, i, 0)),
            pl.BlockSpec((16, HID), lambda i: (0, 0)),
            pl.BlockSpec((1, HID), lambda i: (0, 0)),
        ],
        out_specs=pl.BlockSpec((BN1, HID), lambda i: (i, 0)),
        out_shape=jax.ShapeDtypeStruct((NP, HID), jnp.float32),
    )(xd, agg1p, W1p, b1.reshape(1, HID))


def _tc3_body(agg2_ref, u_ref, xd_ref, w2_ref, b2_ref, wm1_ref, bm1_ref,
              wm2_ref, bm2_ref, out_ref):
    u = u_ref[...]
    dinv = xd_ref[:, 3:4]
    z2 = jnp.dot(u * dinv, w2_ref[...], preferred_element_type=jnp.float32)
    for c0 in range(4):
        z2 = z2 + jnp.dot(agg2_ref[c0] * dinv,
                          w2_ref[16 * c0:16 * (c0 + 1), :],
                          preferred_element_type=jnp.float32)
    z2 = z2 + b2_ref[...]
    h2 = jnp.where(z2 > 0, z2, jnp.exp(z2) - 1.0)
    zm = jnp.dot(h2, wm1_ref[...], preferred_element_type=jnp.float32)
    zm = zm + bm1_ref[...]
    hm = jnp.where(zm > 0, zm, jnp.exp(zm) - 1.0)
    H = jnp.dot(hm, wm2_ref[...], preferred_element_type=jnp.float32)
    H = H + bm2_ref[...]
    m = jnp.max(H, axis=1, keepdims=True)
    e = jnp.exp(H - m)
    S = e / jnp.sum(e, axis=1, keepdims=True)
    out_ref[...] = S[:, :K]


def _tc3(agg2, u, xd, W2, b2, Wm1, bm1, Wm2p, bm2p):
    return pl.pallas_call(
        _tc3_body,
        grid=(N // BN3,),
        in_specs=[
            pl.BlockSpec((4, BN3, 16), lambda i: (0, i, 0)),
            pl.BlockSpec((BN3, HID), lambda i: (i, 0)),
            pl.BlockSpec((BN3, 16), lambda i: (i, 0)),
            pl.BlockSpec((HID, HID), lambda i: (0, 0)),
            pl.BlockSpec((1, HID), lambda i: (0, 0)),
            pl.BlockSpec((HID, MLP_HID), lambda i: (0, 0)),
            pl.BlockSpec((1, MLP_HID), lambda i: (0, 0)),
            pl.BlockSpec((MLP_HID, 16), lambda i: (0, 0)),
            pl.BlockSpec((1, 16), lambda i: (0, 0)),
        ],
        out_specs=pl.BlockSpec((BN3, K), lambda i: (i, 0)),
        out_shape=jax.ShapeDtypeStruct((N, K), jnp.float32),
    )(agg2, u, xd, W2, b2.reshape(1, HID), Wm1, bm1.reshape(1, MLP_HID),
      Wm2p, bm2p.reshape(1, 16))


def kernel(x, edge_index, W1, b1, W2, b2, Wm1, bm1, Wm2, bm2):
    x_pad = jnp.zeros((NP, 3), jnp.float32).at[:N].set(x)
    W1p = jnp.zeros((16, HID), jnp.float32).at[:3].set(W1)
    Wm2p = jnp.zeros((MLP_HID, 16), jnp.float32).at[:, :K].set(Wm2)
    bm2p = jnp.concatenate([bm2, jnp.full((1,), -1e30, jnp.float32)])
    zeros1 = jnp.zeros((NP,), jnp.float32)
    zeros16 = jnp.zeros((NP, 16), jnp.float32)
    degp = _sc_deg(edge_index, zeros1)
    xd = _tc1(degp, x_pad)
    agg1p = _sc_agg1(edge_index, xd, zeros16)
    u = _tc2(xd, agg1p, W1p, b1)
    agg2 = _sc_agg2(edge_index, u.reshape(4 * NP, 16), zeros16)
    return _tc3(agg2, u, xd, W2, b2, Wm1, bm1, Wm2p, bm2p)

# --- scband reference (transcript-rebuilt; emitter-appended) ---
"""Pipeline reference for scband-gnnpool-65274912965021 (READ-ONLY COPY).

The authoritative reference and input builder live on the scoring server;
editing this copy changes nothing except your own understanding.
"""

import jax, jax.numpy as jnp
import numpy as np

N = 100000
E = 1600000
IN_DIM = 3
HID = 64
MLP_HID = 128
K = 15


def setup_inputs(seed: int = 0) -> dict:
    key = jax.random.key(seed)
    ks = jax.random.split(key, 12)
    x = jax.random.normal(ks[0], (N, IN_DIM), dtype=jnp.float32)
    edge_index = jax.random.randint(ks[1], (2, E), 0, N, dtype=jnp.int32)
    def glorot(k, fan_in, fan_out):
        lim = float(np.sqrt(6.0 / (fan_in + fan_out)))
        return jax.random.uniform(k, (fan_in, fan_out), dtype=jnp.float32, minval=-lim, maxval=lim)
    W1 = glorot(ks[2], IN_DIM, HID)
    b1 = jnp.zeros((HID,), dtype=jnp.float32)
    W2 = glorot(ks[3], HID, HID)
    b2 = jnp.zeros((HID,), dtype=jnp.float32)
    Wm1 = glorot(ks[4], HID, MLP_HID)
    bm1 = jnp.zeros((MLP_HID,), dtype=jnp.float32)
    Wm2 = glorot(ks[5], MLP_HID, K)
    bm2 = jnp.zeros((K,), dtype=jnp.float32)
    return {"x": x, "edge_index": edge_index, "W1": W1, "b1": b1, "W2": W2, "b2": b2,
            "Wm1": Wm1, "bm1": bm1, "Wm2": Wm2, "bm2": bm2}


def reference(x, edge_index, W1, b1, W2, b2, Wm1, bm1, Wm2, bm2):
    # GCNConv (PyG semantics): add self-loops, symmetric normalization
    loops = jnp.arange(N, dtype=edge_index.dtype)
    src = jnp.concatenate([edge_index[0], loops])
    dst = jnp.concatenate([edge_index[1], loops])
    deg = jax.ops.segment_sum(jnp.ones_like(dst, dtype=jnp.float32), dst, num_segments=N)
    deg_inv_sqrt = jnp.where(deg > 0, deg ** -0.5, 0.0)
    norm = deg_inv_sqrt[src] * deg_inv_sqrt[dst]

    def gcn_conv(h, W, b):
        hw = h @ W
        msg = jnp.take(hw, src, axis=0) * norm[:, None]
        out = jax.ops.segment_sum(msg, dst, num_segments=N)
        return out + b

    h = jax.nn.elu(gcn_conv(x, W1, b1))
    h = jax.nn.elu(gcn_conv(h, W2, b2))
    # MLP (dropout is identity in eval mode)
    Hm = jax.nn.elu(h @ Wm1 + bm1)
    H = Hm @ Wm2 + bm2
    S = jax.nn.softmax(H, axis=1)
    return S

if __name__ == "__main__":
    import jax
    _d = setup_inputs()
    print(jax.jit(kernel)(*tuple(_d.values())))

</pallas_src>

<mosaic_0001>
#map = affine_map<(d0, d1) -> (0, 0)>
#map1 = affine_map<(d0, d1) -> (0, 0, 0)>
module attributes {stable_mosaic.version = 14 : i64} {
  func.func @_agg2_body(%arg0: i32, %arg1: i32, %arg2: memref<2x1600000xi32, #tpu.memory_space<hbm>>, %arg3: memref<401408x16xf32, #tpu.memory_space<hbm>>, %arg4: memref<100352x16xf32, #tpu.memory_space<hbm>>, %arg5: memref<4x100352x16xf32, #tpu.memory_space<hbm>>, %arg6: memref<800xi32, #tpu.memory_space<vmem>>, %arg7: memref<800xi32, #tpu.memory_space<vmem>>, %arg8: memref<800xi32, #tpu.memory_space<vmem>>, %arg9: memref<800xi32, #tpu.memory_space<vmem>>, %arg10: memref<800x16xf32, #tpu.memory_space<vmem>>, %arg11: memref<800x16xf32, #tpu.memory_space<vmem>>, %arg12: memref<100352x16xf32, #tpu.memory_space<vmem_shared>>, %arg13: memref<!tpu.dma_semaphore, #tpu.memory_space<semaphore_mem>>, %arg14: memref<!tpu.dma_semaphore, #tpu.memory_space<semaphore_mem>>, %arg15: memref<!tpu.dma_semaphore, #tpu.memory_space<semaphore_mem>>, %arg16: memref<!tpu.dma_semaphore, #tpu.memory_space<semaphore_mem>>) attributes {dimension_semantics = [#tpu.dimension_semantics<core_parallel>, #tpu.dimension_semantics<subcore_parallel>], iteration_bounds = array<i64: 2, 16>, scalar_prefetch = 0 : i64, scratch_operands = 11 : i64, tpu.core_type = #tpu.core_type<sc_vector_subcore>, window_params = [{transform_indices = #map}, {transform_indices = #map}, {transform_indices = #map}, {transform_indices = #map1}]} {
    %mul3A = arith.constant 2 : i32
    %mul3A_0 = arith.muli %arg0, %mul3A : i32
    %add3A = arith.constant 0 : i32
    %add3A_1 = arith.addi %mul3A_0, %add3A : i32
    %mul3A_2 = arith.constant 6272 : i32
    %mul3A_3 = arith.muli %arg1, %mul3A_2 : i32
    %mul3A_4 = arith.constant 6272 : i32
    %mul3A_5 = arith.muli %arg1, %mul3A_4 : i32
    "tpu.region"() ({
      %run_scoped3A = tpu.sem_alloc : memref<!tpu.dma_semaphore, #tpu.memory_space<semaphore_mem>>
      %dma_start3A_134 = arith.constant 0 : i32
      %dma_start3A_135 = tpu.memref_slice %arg12[%mul3A_5, %dma_start3A_134] : memref<100352x16xf32, #tpu.memory_space<vmem_shared>> -> memref<6272x16xf32, #tpu.memory_space<vmem_shared>>
      %dma_start3A_136 = arith.constant 0 : i32
      %dma_start3A_137 = tpu.memref_slice %arg4[%mul3A_3, %dma_start3A_136] : memref<100352x16xf32, #tpu.memory_space<hbm>> -> memref<6272x16xf32, #tpu.memory_space<hbm>>
      tpu.enqueue_dma source(%dma_start3A_137 : memref<6272x16xf32, #tpu.memory_space<hbm>>) target(%dma_start3A_135 : memref<6272x16xf32, #tpu.memory_space<vmem_shared>>) target_semaphore(%run_scoped3A : memref<!tpu.dma_semaphore, #tpu.memory_space<semaphore_mem>>)
      %dma_wait3A_138 = arith.constant 0 : i32
      %dma_wait3A_139 = tpu.memref_slice %arg12[%mul3A_5, %dma_wait3A_138] : memref<100352x16xf32, #tpu.memory_space<vmem_shared>> -> memref<6272x16xf32, #tpu.memory_space<vmem_shared>>
      %dma_wait3A_140 = arith.constant 0 : i32
      %dma_wait3A_141 = tpu.memref_slice %arg4[%mul3A_3, %dma_wait3A_140] : memref<100352x16xf32, #tpu.memory_space<hbm>> -> memref<6272x16xf32, #tpu.memory_space<hbm>>
      tpu.wait_dma2 semaphore(%run_scoped3A : memref<!tpu.dma_semaphore, #tpu.memory_space<semaphore_mem>>) src(%dma_wait3A_141 : memref<6272x16xf32, #tpu.memory_space<hbm>>) dst(%dma_wait3A_139 : memref<6272x16xf32, #tpu.memory_space<vmem_shared>>)
      tpu.yield
    }) : () -> ()
    %barrier3A = arith.constant 0 : index
    tpu.barrier barrier_id(%barrier3A)
    %mul3A_6 = arith.constant 100000 : i32
    %mul3A_7 = arith.muli %arg1, %mul3A_6 : i32
    %add3A_8 = arith.constant 0 : i32
    %add3A_9 = arith.addi %mul3A_7, %add3A_8 : i32
    %dma_start3A = arith.constant 0 : i32
    %dma_start3A_10 = tpu.memref_slice %arg2[%dma_start3A, %add3A_9] : memref<2x1600000xi32, #tpu.memory_space<hbm>> -> memref<1x800xi32, #tpu.memory_space<hbm>>
    %dma_start3A_11 = tpu.memref_squeeze %dma_start3A_10 : memref<1x800xi32, #tpu.memory_space<hbm>> -> memref<800xi32, #tpu.memory_space<hbm>>
    %dma_start3A_12 = tpu.memref_slice %arg2[%dma_start3A, %add3A_9] : memref<2x1600000xi32, #tpu.memory_space<hbm>> -> memref<1x800xi32, #tpu.memory_space<hbm>>
    %dma_start3A_13 = tpu.memref_squeeze %dma_start3A_12 : memref<1x800xi32, #tpu.memory_space<hbm>> -> memref<800xi32, #tpu.memory_space<hbm>>
    tpu.enqueue_dma source(%dma_start3A_13 : memref<800xi32, #tpu.memory_space<hbm>>) target(%arg6 : memref<800xi32, #tpu.memory_space<vmem>>) target_semaphore(%arg13 : memref<!tpu.dma_semaphore, #tpu.memory_space<semaphore_mem>>)
    %add3A_14 = arith.constant 0 : i32
    %add3A_15 = arith.addi %mul3A_7, %add3A_14 : i32
    %dma_start3A_16 = arith.constant 1 : i32
    %dma_start3A_17 = tpu.memref_slice %arg2[%dma_start3A_16, %add3A_15] : memref<2x1600000xi32, #tpu.memory_space<hbm>> -> memref<1x800xi32, #tpu.memory_space<hbm>>
    %dma_start3A_18 = tpu.memref_squeeze %dma_start3A_17 : memref<1x800xi32, #tpu.memory_space<hbm>> -> memref<800xi32, #tpu.memory_space<hbm>>
    %dma_start3A_19 = tpu.memref_slice %arg2[%dma_start3A_16, %add3A_15] : memref<2x1600000xi32, #tpu.memory_space<hbm>> -> memref<1x800xi32, #tpu.memory_space<hbm>>
    %dma_start3A_20 = tpu.memref_squeeze %dma_start3A_19 : memref<1x800xi32, #tpu.memory_space<hbm>> -> memref<800xi32, #tpu.memory_space<hbm>>
    tpu.enqueue_dma source(%dma_start3A_20 : memref<800xi32, #tpu.memory_space<hbm>>) target(%arg8 : memref<800xi32, #tpu.memory_space<vmem>>) target_semaphore(%arg13 : memref<!tpu.dma_semaphore, #tpu.memory_space<semaphore_mem>>)
    %dma_wait3A = arith.constant 0 : i32
    %dma_wait3A_21 = tpu.memref_slice %arg2[%dma_wait3A, %mul3A_7] : memref<2x1600000xi32, #tpu.memory_space<hbm>> -> memref<1x800xi32, #tpu.memory_space<hbm>>
    %dma_wait3A_22 = tpu.memref_squeeze %dma_wait3A_21 : memref<1x800xi32, #tpu.memory_space<hbm>> -> memref<800xi32, #tpu.memory_space<hbm>>
    %dma_wait3A_23 = tpu.memref_slice %arg2[%dma_wait3A, %mul3A_7] : memref<2x1600000xi32, #tpu.memory_space<hbm>> -> memref<1x800xi32, #tpu.memory_space<hbm>>
    %dma_wait3A_24 = tpu.memref_squeeze %dma_wait3A_23 : memref<1x800xi32, #tpu.memory_space<hbm>> -> memref<800xi32, #tpu.memory_space<hbm>>
    tpu.wait_dma2 semaphore(%arg13 : memref<!tpu.dma_semaphore, #tpu.memory_space<semaphore_mem>>) src(%dma_wait3A_24 : memref<800xi32, #tpu.memory_space<hbm>>) dst(%arg6 : memref<800xi32, #tpu.memory_space<vmem>>)
    %dma_wait3A_25 = arith.constant 1 : i32
    %dma_wait3A_26 = tpu.memref_slice %arg2[%dma_wait3A_25, %mul3A_7] : memref<2x1600000xi32, #tpu.memory_space<hbm>> -> memref<1x800xi32, #tpu.memory_space<hbm>>
    %dma_wait3A_27 = tpu.memref_squeeze %dma_wait3A_26 : memref<1x800xi32, #tpu.memory_space<hbm>> -> memref<800xi32, #tpu.memory_space<hbm>>
    %dma_wait3A_28 = tpu.memref_slice %arg2[%dma_wait3A_25, %mul3A_7] : memref<2x1600000xi32, #tpu.memory_space<hbm>> -> memref<1x800xi32, #tpu.memory_space<hbm>>
    %dma_wait3A_29 = tpu.memref_squeeze %dma_wait3A_28 : memref<1x800xi32, #tpu.memory_space<hbm>> -> memref<800xi32, #tpu.memory_space<hbm>>
    tpu.wait_dma2 semaphore(%arg13 : memref<!tpu.dma_semaphore, #tpu.memory_space<semaphore_mem>>) src(%dma_wait3A_29 : memref<800xi32, #tpu.memory_space<hbm>>) dst(%arg8 : memref<800xi32, #tpu.memory_space<vmem>>)
    %scan3A = arith.constant 0 : i32
    %scan3A_30 = arith.constant 0 : i32
    %scan3A_31 = arith.constant 50 : i32
    %scan3A_32 = arith.addi %scan3A_30, %scan3A_31 : i32
    %scan3A_33 = arith.constant 1 : i32
    scf.for %scan3A_134 = %scan3A_30 to %scan3A_32 step %scan3A_33  : i32 {
      %mul3A_135 = arith.constant 16 : i32
      %mul3A_136 = arith.muli %scan3A_134, %mul3A_135 : i32
      %get3A = arith.index_cast %mul3A_136 : i32 to index
      %get3A_137 = tpu.vector_load %arg6[%get3A] {strides = array<i32>} : memref<800xi32, #tpu.memory_space<vmem>>, vector<16xi32>,
      %get3A_138 = vector.shape_cast %get3A_137 : vector<16xi32> to vector<16xi32>
      %mul3A_139 = arith.constant 4 : i32
      %mul3A_140 = vector.broadcast %mul3A_139 : i32 to vector<16xi32>
      %mul3A_141 = arith.muli %get3A_138, %mul3A_140 : vector<16xi32>
      %broadcast_in_dim3A = arith.constant 1 : i32
      %broadcast_in_dim3A_142 = vector.broadcast %broadcast_in_dim3A : i32 to vector<16xi32>
      %mul3A_143 = vector.broadcast %add3A_1 : i32 to vector<16xi32>
      %mul3A_144 = arith.muli %broadcast_in_dim3A_142, %mul3A_143 : vector<16xi32>
      %add3A_145 = arith.addi %mul3A_141, %mul3A_144 : vector<16xi32>
      %mul3A_146 = arith.constant 16 : i32
      %mul3A_147 = arith.muli %scan3A_134, %mul3A_146 : i32
      %swap3A = arith.index_cast %mul3A_147 : i32 to index
      %swap3A_148 = tpu.vector_load %arg6[%swap3A] {strides = array<i32>} : memref<800xi32, #tpu.memory_space<vmem>>, vector<16xi32>,
      %swap3A_149 = vector.shape_cast %swap3A_148 : vector<16xi32> to vector<16xi32>
      %swap3A_150 = vector.shape_cast %add3A_145 : vector<16xi32> to vector<16xi32>
      tpu.vector_store %arg6[%swap3A], %swap3A_150 {strides = array<i32>} : memref<800xi32, #tpu.memory_space<vmem>>, vector<16xi32>,
    }
    %scan3A_34 = arith.constant 50 : i32
    %dma_start3A_35 = arith.constant 0 : i32
    %dma_start3A_36 = arith.constant 0 : i32
    %dma_start3A_37 = tpu.memref_slice %arg3[%dma_start3A_35, %dma_start3A_36] : memref<401408x16xf32, #tpu.memory_space<hbm>> -> memref<401408x16xf32, #tpu.memory_space<hbm>>
    tpu.enqueue_indirect_dma source(%dma_start3A_37 : memref<401408x16xf32, #tpu.memory_space<hbm>>) target(%arg10 : memref<800x16xf32, #tpu.memory_space<vmem>>) offsets(%arg6 : memref<800xi32, #tpu.memory_space<vmem>>) semaphore(%arg15 : memref<!tpu.dma_semaphore, #tpu.memory_space<semaphore_mem>>)
    %add3A_38 = arith.constant 800 : i32
    %add3A_39 = arith.addi %mul3A_7, %add3A_38 : i32
    %dma_start3A_40 = arith.constant 0 : i32
    %dma_start3A_41 = tpu.memref_slice %arg2[%dma_start3A_40, %add3A_39] : memref<2x1600000xi32, #tpu.memory_space<hbm>> -> memref<1x800xi32, #tpu.memory_space<hbm>>
    %dma_start3A_42 = tpu.memref_squeeze %dma_start3A_41 : memref<1x800xi32, #tpu.memory_space<hbm>> -> memref<800xi32, #tpu.memory_space<hbm>>
    %dma_start3A_43 = tpu.memref_slice %arg2[%dma_start3A_40, %add3A_39] : memref<2x1600000xi32, #tpu.memory_space<hbm>> -> memref<1x800xi32, #tpu.memory_space<hbm>>
    %dma_start3A_44 = tpu.memref_squeeze %dma_start3A_43 : memref<1x800xi32, #tpu.memory_space<hbm>> -> memref<800xi32, #tpu.memory_space<hbm>>
    tpu.enqueue_dma source(%dma_start3A_44 : memref<800xi32, #tpu.memory_space<hbm>>) target(%arg7 : memref<800xi32, #tpu.memory_space<vmem>>) target_semaphore(%arg14 : memref<!tpu.dma_semaphore, #tpu.memory_space<semaphore_mem>>)
    %add3A_45 = arith.constant 800 : i32
    %add3A_46 = arith.addi %mul3A_7, %add3A_45 : i32
    %dma_start3A_47 = arith.constant 1 : i32
    %dma_start3A_48 = tpu.memref_slice %arg2[%dma_start3A_47, %add3A_46] : memref<2x1600000xi32, #tpu.memory_space<hbm>> -> memref<1x800xi32, #tpu.memory_space<hbm>>
    %dma_start3A_49 = tpu.memref_squeeze %dma_start3A_48 : memref<1x800xi32, #tpu.memory_space<hbm>> -> memref<800xi32, #tpu.memory_space<hbm>>
    %dma_start3A_50 = tpu.memref_slice %arg2[%dma_start3A_47, %add3A_46] : memref<2x1600000xi32, #tpu.memory_space<hbm>> -> memref<1x800xi32, #tpu.memory_space<hbm>>
    %dma_start3A_51 = tpu.memref_squeeze %dma_start3A_50 : memref<1x800xi32, #tpu.memory_space<hbm>> -> memref<800xi32, #tpu.memory_space<hbm>>
    tpu.enqueue_dma source(%dma_start3A_51 : memref<800xi32, #tpu.memory_space<hbm>>) target(%arg9 : memref<800xi32, #tpu.memory_space<vmem>>) target_semaphore(%arg14 : memref<!tpu.dma_semaphore, #tpu.memory_space<semaphore_mem>>)
    %scan3A_52 = arith.constant 0 : i32
    %scan3A_53 = arith.constant 0 : i32
    %scan3A_54 = arith.constant 125 : i32
    %scan3A_55 = arith.addi %scan3A_53, %scan3A_54 : i32
    %scan3A_56 = arith.constant 1 : i32
    scf.for %scan3A_134 = %scan3A_53 to %scan3A_55 step %scan3A_56  : i32 {
      %jit3A = arith.constant 2 : i32
      %eq3A = arith.constant 0 : i32
      %eq3A_135 = arith.cmpi eq, %jit3A, %eq3A : i32
      %jit3A_136 = arith.constant 1 : i32
      %select_n3A = arith.select %eq3A_135, %jit3A_136, %jit3A : i32
      %rem3A = arith.remsi %scan3A_134, %select_n3A : i32
      %ne3A = arith.constant 0 : i32
      %ne3A_137 = arith.cmpi ne, %rem3A, %ne3A : i32
      %lt3A = arith.constant 0 : i32
      %lt3A_138 = arith.cmpi slt, %rem3A, %lt3A : i32
      %lt3A_139 = arith.constant 0 : i32
      %lt3A_140 = arith.cmpi slt, %select_n3A, %lt3A_139 : i32
      %ne3A_141 = arith.xori %lt3A_138, %lt3A_140 : i1
      %and3A = arith.andi %ne3A_141, %ne3A_137 : i1
      %add3A_142 = arith.addi %rem3A, %select_n3A : i32
      %select_n3A_143 = arith.select %and3A, %add3A_142, %rem3A : i32
      %eq3A_144 = arith.constant 0 : i32
      %eq3A_145 = arith.cmpi eq, %select_n3A_143, %eq3A_144 : i32
      %convert_element_type3A = arith.extui %eq3A_145 : i1 to i32
      %cond3A = arith.constant 0 : i32
      %cond3A_146 = arith.cmpi ne, %convert_element_type3A, %cond3A : i32
      scf.if %cond3A_146 {
        %add3A_147 = arith.constant 1 : i32
        %add3A_148 = arith.addi %scan3A_134, %add3A_147 : i32
        %lt3A_149 = arith.constant 125 : i32
        %lt3A_150 = arith.cmpi slt, %add3A_148, %lt3A_149 : i32
        %convert_element_type3A_151 = arith.extui %lt3A_150 : i1 to i32
        %cond3A_152 = arith.constant 0 : i32
        %cond3A_153 = arith.cmpi ne, %convert_element_type3A_151, %cond3A_152 : i32
        scf.if %cond3A_153 {
          %dma_wait3A_171 = arith.constant 0 : i32
          %dma_wait3A_172 = tpu.memref_slice %arg2[%dma_wait3A_171, %mul3A_7] : memref<2x1600000xi32, #tpu.memory_space<hbm>> -> memref<1x800xi32, #tpu.memory_space<hbm>>
          %dma_wait3A_173 = tpu.memref_squeeze %dma_wait3A_172 : memref<1x800xi32, #tpu.memory_space<hbm>> -> memref<800xi32, #tpu.memory_space<hbm>>
          %dma_wait3A_174 = tpu.memref_slice %arg2[%dma_wait3A_171, %mul3A_7] : memref<2x1600000xi32, #tpu.memory_space<hbm>> -> memref<1x800xi32, #tpu.memory_space<hbm>>
          %dma_wait3A_175 = tpu.memref_squeeze %dma_wait3A_174 : memref<1x800xi32, #tpu.memory_space<hbm>> -> memref<800xi32, #tpu.memory_space<hbm>>
          tpu.wait_dma2 semaphore(%arg14 : memref<!tpu.dma_semaphore, #tpu.memory_space<semaphore_mem>>) src(%dma_wait3A_175 : memref<800xi32, #tpu.memory_space<hbm>>) dst(%arg7 : memref<800xi32, #tpu.memory_space<vmem>>)
          %dma_wait3A_176 = arith.constant 1 : i32
          %dma_wait3A_177 = tpu.memref_slice %arg2[%dma_wait3A_176, %mul3A_7] : memref<2x1600000xi32, #tpu.memory_space<hbm>> -> memref<1x800xi32, #tpu.memory_space<hbm>>
          %dma_wait3A_178 = tpu.memref_squeeze %dma_wait3A_177 : memref<1x800xi32, #tpu.memory_space<hbm>> -> memref<800xi32, #tpu.memory_space<hbm>>
          %dma_wait3A_179 = tpu.memref_slice %arg2[%dma_wait3A_176, %mul3A_7] : memref<2x1600000xi32, #tpu.memory_space<hbm>> -> memref<1x800xi32, #tpu.memory_space<hbm>>
          %dma_wait3A_180 = tpu.memref_squeeze %dma_wait3A_179 : memref<1x800xi32, #tpu.memory_space<hbm>> -> memref<800xi32, #tpu.memory_space<hbm>>
          tpu.wait_dma2 semaphore(%arg14 : memref<!tpu.dma_semaphore, #tpu.memory_space<semaphore_mem>>) src(%dma_wait3A_180 : memref<800xi32, #tpu.memory_space<hbm>>) dst(%arg9 : memref<800xi32, #tpu.memory_space<vmem>>)
          %scan3A_181 = arith.constant 0 : i32
          %scan3A_182 = arith.constant 0 : i32
          %scan3A_183 = arith.constant 50 : i32
          %scan3A_184 = arith.addi %scan3A_182, %scan3A_183 : i32
          %scan3A_185 = arith.constant 1 : i32
          scf.for %scan3A_187 = %scan3A_182 to %scan3A_184 step %scan3A_185  : i32 {
            %mul3A_188 = arith.constant 16 : i32
            %mul3A_189 = arith.muli %scan3A_187, %mul3A_188 : i32
            %get3A = arith.index_cast %mul3A_189 : i32 to index
            %get3A_190 = tpu.vector_load %arg7[%get3A] {strides = array<i32>} : memref<800xi32, #tpu.memory_space<vmem>>, vector<16xi32>,
            %get3A_191 = vector.shape_cast %get3A_190 : vector<16xi32> to vector<16xi32>
            %mul3A_192 = arith.constant 4 : i32
            %mul3A_193 = vector.broadcast %mul3A_192 : i32 to vector<16xi32>
            %mul3A_194 = arith.muli %get3A_191, %mul3A_193 : vector<16xi32>
            %broadcast_in_dim3A = arith.constant 1 : i32
            %broadcast_in_dim3A_195 = vector.broadcast %broadcast_in_dim3A : i32 to vector<16xi32>
            %mul3A_196 = vector.broadcast %add3A_1 : i32 to vector<16xi32>
            %mul3A_197 = arith.muli %broadcast_in_dim3A_195, %mul3A_196 : vector<16xi32>
            %add3A_198 = arith.addi %mul3A_194, %mul3A_197 : vector<16xi32>
            %mul3A_199 = arith.constant 16 : i32
            %mul3A_200 = arith.muli %scan3A_187, %mul3A_199 : i32
            %swap3A = arith.index_cast %mul3A_200 : i32 to index
            %swap3A_201 = tpu.vector_load %arg7[%swap3A] {strides = array<i32>} : memref<800xi32, #tpu.memory_space<vmem>>, vector<16xi32>,
            %swap3A_202 = vector.shape_cast %swap3A_201 : vector<16xi32> to vector<16xi32>
            %swap3A_203 = vector.shape_cast %add3A_198 : vector<16xi32> to vector<16xi32>
            tpu.vector_store %arg7[%swap3A], %swap3A_203 {strides = array<i32>} : memref<800xi32, #tpu.memory_space<vmem>>, vector<16xi32>,
          }
          %scan3A_186 = arith.constant 50 : i32
        } else {
        }
        %dma_wait3A_154 = arith.constant 0 : i32
        %dma_wait3A_155 = arith.constant 0 : i32
        %dma_wait3A_156 = tpu.memref_slice %arg3[%dma_wait3A_154, %dma_wait3A_155] : memref<401408x16xf32, #tpu.memory_space<hbm>> -> memref<401408x16xf32, #tpu.memory_space<hbm>>
        tpu.wait_indirect_dma semaphore(%arg15 : memref<!tpu.dma_semaphore, #tpu.memory_space<semaphore_mem>>) src(%dma_wait3A_156 : memref<401408x16xf32, #tpu.memory_space<hbm>>) dst(%arg10 : memref<800x16xf32, #tpu.memory_space<vmem>>)
        %add3A_157 = arith.constant 1 : i32
        %add3A_158 = arith.addi %scan3A_134, %add3A_157 : i32
        %lt3A_159 = arith.constant 125 : i32
        %lt3A_160 = arith.cmpi slt, %add3A_158, %lt3A_159 : i32
        %convert_element_type3A_161 = arith.extui %lt3A_160 : i1 to i32
        %cond3A_162 = arith.constant 0 : i32
        %cond3A_163 = arith.cmpi ne, %convert_element_type3A_161, %cond3A_162 : i32
        scf.if %cond3A_163 {
          %dma_start3A_171 = arith.constant 0 : i32
          %dma_start3A_172 = arith.constant 0 : i32
          %dma_start3A_173 = tpu.memref_slice %arg3[%dma_start3A_171, %dma_start3A_172] : memref<401408x16xf32, #tpu.memory_space<hbm>> -> memref<401408x16xf32, #tpu.memory_space<hbm>>
          tpu.enqueue_indirect_dma source(%dma_start3A_173 : memref<401408x16xf32, #tpu.memory_space<hbm>>) target(%arg11 : memref<800x16xf32, #tpu.memory_space<vmem>>) offsets(%arg7 : memref<800xi32, #tpu.memory_space<vmem>>) semaphore(%arg16 : memref<!tpu.dma_semaphore, #tpu.memory_space<semaphore_mem>>)
        } else {
        }
        "tpu.region"() ({
          %run_scoped3A = tpu.sem_alloc : memref<!tpu.dma_semaphore, #tpu.memory_space<semaphore_mem>>
          %dma_start3A_171 = arith.constant 0 : i32
          %dma_start3A_172 = arith.constant 0 : i32
          %dma_start3A_173 = tpu.memref_slice %arg12[%dma_start3A_171, %dma_start3A_172] : memref<100352x16xf32, #tpu.memory_space<vmem_shared>> -> memref<100352x16xf32, #tpu.memory_space<vmem_shared>>
          tpu.enqueue_indirect_dma source(%arg10 : memref<800x16xf32, #tpu.memory_space<vmem>>) target(%dma_start3A_173 : memref<100352x16xf32, #tpu.memory_space<vmem_shared>>) offsets(%arg8 : memref<800xi32, #tpu.memory_space<vmem>>) semaphore(%run_scoped3A : memref<!tpu.dma_semaphore, #tpu.memory_space<semaphore_mem>>) {add = true}
          %dma_wait3A_174 = arith.constant 0 : i32
          %dma_wait3A_175 = arith.constant 0 : i32
          %dma_wait3A_176 = tpu.memref_slice %arg12[%dma_wait3A_174, %dma_wait3A_175] : memref<100352x16xf32, #tpu.memory_space<vmem_shared>> -> memref<100352x16xf32, #tpu.memory_space<vmem_shared>>
          tpu.wait_indirect_dma semaphore(%run_scoped3A : memref<!tpu.dma_semaphore, #tpu.memory_space<semaphore_mem>>) src(%arg10 : memref<800x16xf32, #tpu.memory_space<vmem>>) dst(%dma_wait3A_176 : memref<100352x16xf32, #tpu.memory_space<vmem_shared>>)
          tpu.yield
        }) : () -> ()
        %add3A_164 = arith.constant 2 : i32
        %add3A_165 = arith.addi %scan3A_134, %add3A_164 : i32
        %lt3A_166 = arith.constant 125 : i32
        %lt3A_167 = arith.cmpi slt, %add3A_165, %lt3A_166 : i32
        %convert_element_type3A_168 = arith.extui %lt3A_167 : i1 to i32
        %cond3A_169 = arith.constant 0 : i32
        %cond3A_170 = arith.cmpi ne, %convert_element_type3A_168, %cond3A_169 : i32
        scf.if %cond3A_170 {
          %add3A_171 = arith.constant 2 : i32
          %add3A_172 = arith.addi %scan3A_134, %add3A_171 : i32
          %mul3A_173 = arith.constant 800 : i32
          %mul3A_174 = arith.muli %add3A_172, %mul3A_173 : i32
          %add3A_175 = arith.addi %mul3A_7, %mul3A_174 : i32
          %dma_start3A_176 = arith.constant 0 : i32
          %dma_start3A_177 = tpu.memref_slice %arg2[%dma_start3A_176, %add3A_175] : memref<2x1600000xi32, #tpu.memory_space<hbm>> -> memref<1x800xi32, #tpu.memory_space<hbm>>
          %dma_start3A_178 = tpu.memref_squeeze %dma_start3A_177 : memref<1x800xi32, #tpu.memory_space<hbm>> -> memref<800xi32, #tpu.memory_space<hbm>>
          %dma_start3A_179 = tpu.memref_slice %arg2[%dma_start3A_176, %add3A_175] : memref<2x1600000xi32, #tpu.memory_space<hbm>> -> memref<1x800xi32, #tpu.memory_space<hbm>>
          %dma_start3A_180 = tpu.memref_squeeze %dma_start3A_179 : memref<1x800xi32, #tpu.memory_space<hbm>> -> memref<800xi32, #tpu.memory_space<hbm>>
          tpu.enqueue_dma source(%dma_start3A_180 : memref<800xi32, #tpu.memory_space<hbm>>) target(%arg6 : memref<800xi32, #tpu.memory_space<vmem>>) target_semaphore(%arg13 : memref<!tpu.dma_semaphore, #tpu.memory_space<semaphore_mem>>)
          %mul3A_181 = arith.constant 800 : i32
          %mul3A_182 = arith.muli %add3A_172, %mul3A_181 : i32
          %add3A_183 = arith.addi %mul3A_7, %mul3A_182 : i32
          %dma_start3A_184 = arith.constant 1 : i32
          %dma_start3A_185 = tpu.memref_slice %arg2[%dma_start3A_184, %add3A_183] : memref<2x1600000xi32, #tpu.memory_space<hbm>> -> memref<1x800xi32, #tpu.memory_space<hbm>>
          %dma_start3A_186 = tpu.memref_squeeze %dma_start3A_185 : memref<1x800xi32, #tpu.memory_space<hbm>> -> memref<800xi32, #tpu.memory_space<hbm>>
          %dma_start3A_187 = tpu.memref_slice %arg2[%dma_start3A_184, %add3A_183] : memref<2x1600000xi32, #tpu.memory_space<hbm>> -> memref<1x800xi32, #tpu.memory_space<hbm>>
          %dma_start3A_188 = tpu.memref_squeeze %dma_start3A_187 : memref<1x800xi32, #tpu.memory_space<hbm>> -> memref<800xi32, #tpu.memory_space<hbm>>
          tpu.enqueue_dma source(%dma_start3A_188 : memref<800xi32, #tpu.memory_space<hbm>>) target(%arg8 : memref<800xi32, #tpu.memory_space<vmem>>) target_semaphore(%arg13 : memref<!tpu.dma_semaphore, #tpu.memory_space<semaphore_mem>>)
        } else {
        }
      } else {
        %add3A_147 = arith.constant 1 : i32
        %add3A_148 = arith.addi %scan3A_134, %add3A_147 : i32
        %lt3A_149 = arith.constant 125 : i32
        %lt3A_150 = arith.cmpi slt, %add3A_148, %lt3A_149 : i32
        %convert_element_type3A_151 = arith.extui %lt3A_150 : i1 to i32
        %cond3A_152 = arith.constant 0 : i32
        %cond3A_153 = arith.cmpi ne, %convert_element_type3A_151, %cond3A_152 : i32
        scf.if %cond3A_153 {
          %dma_wait3A_171 = arith.constant 0 : i32
          %dma_wait3A_172 = tpu.memref_slice %arg2[%dma_wait3A_171, %mul3A_7] : memref<2x1600000xi32, #tpu.memory_space<hbm>> -> memref<1x800xi32, #tpu.memory_space<hbm>>
          %dma_wait3A_173 = tpu.memref_squeeze %dma_wait3A_172 : memref<1x800xi32, #tpu.memory_space<hbm>> -> memref<800xi32, #tpu.memory_space<hbm>>
          %dma_wait3A_174 = tpu.memref_slice %arg2[%dma_wait3A_171, %mul3A_7] : memref<2x1600000xi32, #tpu.memory_space<hbm>> -> memref<1x800xi32, #tpu.memory_space<hbm>>
          %dma_wait3A_175 = tpu.memref_squeeze %dma_wait3A_174 : memref<1x800xi32, #tpu.memory_space<hbm>> -> memref<800xi32, #tpu.memory_space<hbm>>
          tpu.wait_dma2 semaphore(%arg13 : memref<!tpu.dma_semaphore, #tpu.memory_space<semaphore_mem>>) src(%dma_wait3A_175 : memref<800xi32, #tpu.memory_space<hbm>>) dst(%arg6 : memref<800xi32, #tpu.memory_space<vmem>>)
          %dma_wait3A_176 = arith.constant 1 : i32
          %dma_wait3A_177 = tpu.memref_slice %arg2[%dma_wait3A_176, %mul3A_7] : memref<2x1600000xi32, #tpu.memory_space<hbm>> -> memref<1x800xi32, #tpu.memory_space<hbm>>
          %dma_wait3A_178 = tpu.memref_squeeze %dma_wait3A_177 : memref<1x800xi32, #tpu.memory_space<hbm>> -> memref<800xi32, #tpu.memory_space<hbm>>
          %dma_wait3A_179 = tpu.memref_slice %arg2[%dma_wait3A_176, %mul3A_7] : memref<2x1600000xi32, #tpu.memory_space<hbm>> -> memref<1x800xi32, #tpu.memory_space<hbm>>
          %dma_wait3A_180 = tpu.memref_squeeze %dma_wait3A_179 : memref<1x800xi32, #tpu.memory_space<hbm>> -> memref<800xi32, #tpu.memory_space<hbm>>
          tpu.wait_dma2 semaphore(%arg13 : memref<!tpu.dma_semaphore, #tpu.memory_space<semaphore_mem>>) src(%dma_wait3A_180 : memref<800xi32, #tpu.memory_space<hbm>>) dst(%arg8 : memref<800xi32, #tpu.memory_space<vmem>>)
          %scan3A_181 = arith.constant 0 : i32
          %scan3A_182 = arith.constant 0 : i32
          %scan3A_183 = arith.constant 50 : i32
          %scan3A_184 = arith.addi %scan3A_182, %scan3A_183 : i32
          %scan3A_185 = arith.constant 1 : i32
          scf.for %scan3A_187 = %scan3A_182 to %scan3A_184 step %scan3A_185  : i32 {
            %mul3A_188 = arith.constant 16 : i32
            %mul3A_189 = arith.muli %scan3A_187, %mul3A_188 : i32
            %get3A = arith.index_cast %mul3A_189 : i32 to index
            %get3A_190 = tpu.vector_load %arg6[%get3A] {strides = array<i32>} : memref<800xi32, #tpu.memory_space<vmem>>, vector<16xi32>,
            %get3A_191 = vector.shape_cast %get3A_190 : vector<16xi32> to vector<16xi32>
            %mul3A_192 = arith.constant 4 : i32
            %mul3A_193 = vector.broadcast %mul3A_192 : i32 to vector<16xi32>
            %mul3A_194 = arith.muli %get3A_191, %mul3A_193 : vector<16xi32>
            %broadcast_in_dim3A = arith.constant 1 : i32
            %broadcast_in_dim3A_195 = vector.broadcast %broadcast_in_dim3A : i32 to vector<16xi32>
            %mul3A_196 = vector.broadcast %add3A_1 : i32 to vector<16xi32>
            %mul3A_197 = arith.muli %broadcast_in_dim3A_195, %mul3A_196 : vector<16xi32>
            %add3A_198 = arith.addi %mul3A_194, %mul3A_197 : vector<16xi32>
            %mul3A_199 = arith.constant 16 : i32
            %mul3A_200 = arith.muli %scan3A_187, %mul3A_199 : i32
            %swap3A = arith.index_cast %mul3A_200 : i32 to index
            %swap3A_201 = tpu.vector_load %arg6[%swap3A] {strides = array<i32>} : memref<800xi32, #tpu.memory_space<vmem>>, vector<16xi32>,
            %swap3A_202 = vector.shape_cast %swap3A_201 : vector<16xi32> to vector<16xi32>
            %swap3A_203 = vector.shape_cast %add3A_198 : vector<16xi32> to vector<16xi32>
            tpu.vector_store %arg6[%swap3A], %swap3A_203 {strides = array<i32>} : memref<800xi32, #tpu.memory_space<vmem>>, vector<16xi32>,
          }
          %scan3A_186 = arith.constant 50 : i32
        } else {
        }
        %dma_wait3A_154 = arith.constant 0 : i32
        %dma_wait3A_155 = arith.constant 0 : i32
        %dma_wait3A_156 = tpu.memref_slice %arg3[%dma_wait3A_154, %dma_wait3A_155] : memref<401408x16xf32, #tpu.memory_space<hbm>> -> memref<401408x16xf32, #tpu.memory_space<hbm>>
        tpu.wait_indirect_dma semaphore(%arg16 : memref<!tpu.dma_semaphore, #tpu.memory_space<semaphore_mem>>) src(%dma_wait3A_156 : memref<401408x16xf32, #tpu.memory_space<hbm>>) dst(%arg11 : memref<800x16xf32, #tpu.memory_space<vmem>>)
        %add3A_157 = arith.constant 1 : i32
        %add3A_158 = arith.addi %scan3A_134, %add3A_157 : i32
        %lt3A_159 = arith.constant 125 : i32
        %lt3A_160 = arith.cmpi slt, %add3A_158, %lt3A_159 : i32
        %convert_element_type3A_161 = arith.extui %lt3A_160 : i1 to i32
        %cond3A_162 = arith.constant 0 : i32
        %cond3A_163 = arith.cmpi ne, %convert_element_type3A_161, %cond3A_162 : i32
        scf.if %cond3A_163 {
          %dma_start3A_171 = arith.constant 0 : i32
          %dma_start3A_172 = arith.constant 0 : i32
          %dma_start3A_173 = tpu.memref_slice %arg3[%dma_start3A_171, %dma_start3A_172] : memref<401408x16xf32, #tpu.memory_space<hbm>> -> memref<401408x16xf32, #tpu.memory_space<hbm>>
          tpu.enqueue_indirect_dma source(%dma_start3A_173 : memref<401408x16xf32, #tpu.memory_space<hbm>>) target(%arg10 : memref<800x16xf32, #tpu.memory_space<vmem>>) offsets(%arg6 : memref<800xi32, #tpu.memory_space<vmem>>) semaphore(%arg15 : memref<!tpu.dma_semaphore, #tpu.memory_space<semaphore_mem>>)
        } else {
        }
        "tpu.region"() ({
          %run_scoped3A = tpu.sem_alloc : memref<!tpu.dma_semaphore, #tpu.memory_space<semaphore_mem>>
          %dma_start3A_171 = arith.constant 0 : i32
          %dma_start3A_172 = arith.constant 0 : i32
          %dma_start3A_173 = tpu.memref_slice %arg12[%dma_start3A_171, %dma_start3A_172] : memref<100352x16xf32, #tpu.memory_space<vmem_shared>> -> memref<100352x16xf32, #tpu.memory_space<vmem_shared>>
          tpu.enqueue_indirect_dma source(%arg11 : memref<800x16xf32, #tpu.memory_space<vmem>>) target(%dma_start3A_173 : memref<100352x16xf32, #tpu.memory_space<vmem_shared>>) offsets(%arg9 : memref<800xi32, #tpu.memory_space<vmem>>) semaphore(%run_scoped3A : memref<!tpu.dma_semaphore, #tpu.memory_space<semaphore_mem>>) {add = true}
          %dma_wait3A_174 = arith.constant 0 : i32
          %dma_wait3A_175 = arith.constant 0 : i32
          %dma_wait3A_176 = tpu.memref_slice %arg12[%dma_wait3A_174, %dma_wait3A_175] : memref<100352x16xf32, #tpu.memory_space<vmem_shared>> -> memref<100352x16xf32, #tpu.memory_space<vmem_shared>>
          tpu.wait_indirect_dma semaphore(%run_scoped3A : memref<!tpu.dma_semaphore, #tpu.memory_space<semaphore_mem>>) src(%arg11 : memref<800x16xf32, #tpu.memory_space<vmem>>) dst(%dma_wait3A_176 : memref<100352x16xf32, #tpu.memory_space<vmem_shared>>)
          tpu.yield
        }) : () -> ()
        %add3A_164 = arith.constant 2 : i32
        %add3A_165 = arith.addi %scan3A_134, %add3A_164 : i32
        %lt3A_166 = arith.constant 125 : i32
        %lt3A_167 = arith.cmpi slt, %add3A_165, %lt3A_166 : i32
        %convert_element_type3A_168 = arith.extui %lt3A_167 : i1 to i32
        %cond3A_169 = arith.constant 0 : i32
        %cond3A_170 = arith.cmpi ne, %convert_element_type3A_168, %cond3A_169 : i32
        scf.if %cond3A_170 {
          %add3A_171 = arith.constant 2 : i32
          %add3A_172 = arith.addi %scan3A_134, %add3A_171 : i32
          %mul3A_173 = arith.constant 800 : i32
          %mul3A_174 = arith.muli %add3A_172, %mul3A_173 : i32
          %add3A_175 = arith.addi %mul3A_7, %mul3A_174 : i32
          %dma_start3A_176 = arith.constant 0 : i32
          %dma_start3A_177 = tpu.memref_slice %arg2[%dma_start3A_176, %add3A_175] : memref<2x1600000xi32, #tpu.memory_space<hbm>> -> memref<1x800xi32, #tpu.memory_space<hbm>>
          %dma_start3A_178 = tpu.memref_squeeze %dma_start3A_177 : memref<1x800xi32, #tpu.memory_space<hbm>> -> memref<800xi32, #tpu.memory_space<hbm>>
          %dma_start3A_179 = tpu.memref_slice %arg2[%dma_start3A_176, %add3A_175] : memref<2x1600000xi32, #tpu.memory_space<hbm>> -> memref<1x800xi32, #tpu.memory_space<hbm>>
          %dma_start3A_180 = tpu.memref_squeeze %dma_start3A_179 : memref<1x800xi32, #tpu.memory_space<hbm>> -> memref<800xi32, #tpu.memory_space<hbm>>
          tpu.enqueue_dma source(%dma_start3A_180 : memref<800xi32, #tpu.memory_space<hbm>>) target(%arg7 : memref<800xi32, #tpu.memory_space<vmem>>) target_semaphore(%arg14 : memref<!tpu.dma_semaphore, #tpu.memory_space<semaphore_mem>>)
          %mul3A_181 = arith.constant 800 : i32
          %mul3A_182 = arith.muli %add3A_172, %mul3A_181 : i32
          %add3A_183 = arith.addi %mul3A_7, %mul3A_182 : i32
          %dma_start3A_184 = arith.constant 1 : i32
          %dma_start3A_185 = tpu.memref_slice %arg2[%dma_start3A_184, %add3A_183] : memref<2x1600000xi32, #tpu.memory_space<hbm>> -> memref<1x800xi32, #tpu.memory_space<hbm>>
          %dma_start3A_186 = tpu.memref_squeeze %dma_start3A_185 : memref<1x800xi32, #tpu.memory_space<hbm>> -> memref<800xi32, #tpu.memory_space<hbm>>
          %dma_start3A_187 = tpu.memref_slice %arg2[%dma_start3A_184, %add3A_183] : memref<2x1600000xi32, #tpu.memory_space<hbm>> -> memref<1x800xi32, #tpu.memory_space<hbm>>
          %dma_start3A_188 = tpu.memref_squeeze %dma_start3A_187 : memref<1x800xi32, #tpu.memory_space<hbm>> -> memref<800xi32, #tpu.memory_space<hbm>>
          tpu.enqueue_dma source(%dma_start3A_188 : memref<800xi32, #tpu.memory_space<hbm>>) target(%arg9 : memref<800xi32, #tpu.memory_space<vmem>>) target_semaphore(%arg14 : memref<!tpu.dma_semaphore, #tpu.memory_space<semaphore_mem>>)
        } else {
        }
      }
    }
    %scan3A_57 = arith.constant 125 : i32
    %barrier3A_58 = arith.constant 0 : index
    tpu.barrier barrier_id(%barrier3A_58)
    %mul3A_59 = arith.constant 6272 : i32
    %mul3A_60 = arith.muli %arg1, %mul3A_59 : i32
    %mul3A_61 = arith.constant 6272 : i32
    %mul3A_62 = arith.muli %arg1, %mul3A_61 : i32
    "tpu.region"() ({
      %run_scoped3A = tpu.sem_alloc : memref<!tpu.dma_semaphore, #tpu.memory_space<semaphore_mem>>
      %dma_start3A_134 = arith.constant 0 : i32
      %dma_start3A_135 = tpu.memref_slice %arg5[%add3A_1, %mul3A_62, %dma_start3A_134] : memref<4x100352x16xf32, #tpu.memory_space<hbm>> -> memref<1x6272x16xf32, #tpu.memory_space<hbm>>
      %dma_start3A_136 = tpu.memref_squeeze %dma_start3A_135 : memref<1x6272x16xf32, #tpu.memory_space<hbm>> -> memref<6272x16xf32, #tpu.memory_space<hbm>>
      %dma_start3A_137 = arith.constant 0 : i32
      %dma_start3A_138 = tpu.memref_slice %arg12[%mul3A_60, %dma_start3A_137] : memref<100352x16xf32, #tpu.memory_space<vmem_shared>> -> memref<6272x16xf32, #tpu.memory_space<vmem_shared>>
      tpu.enqueue_dma source(%dma_start3A_138 : memref<6272x16xf32, #tpu.memory_space<vmem_shared>>) target(%dma_start3A_136 : memref<6272x16xf32, #tpu.memory_space<hbm>>) target_semaphore(%run_scoped3A : memref<!tpu.dma_semaphore, #tpu.memory_space<semaphore_mem>>)
      %dma_wait3A_139 = arith.constant 0 : i32
      %dma_wait3A_140 = tpu.memref_slice %arg5[%add3A_1, %mul3A_62, %dma_wait3A_139] : memref<4x100352x16xf32, #tpu.memory_space<hbm>> -> memref<1x6272x16xf32, #tpu.memory_space<hbm>>
      %dma_wait3A_141 = tpu.memref_squeeze %dma_wait3A_140 : memref<1x6272x16xf32, #tpu.memory_space<hbm>> -> memref<6272x16xf32, #tpu.memory_space<hbm>>
      %dma_wait3A_142 = arith.constant 0 : i32
      %dma_wait3A_143 = tpu.memref_slice %arg12[%mul3A_60, %dma_wait3A_142] : memref<100352x16xf32, #tpu.memory_space<vmem_shared>> -> memref<6272x16xf32, #tpu.memory_space<vmem_shared>>
      tpu.wait_dma2 semaphore(%run_scoped3A : memref<!tpu.dma_semaphore, #tpu.memory_space<semaphore_mem>>) src(%dma_wait3A_143 : memref<6272x16xf32, #tpu.memory_space<vmem_shared>>) dst(%dma_wait3A_141 : memref<6272x16xf32, #tpu.memory_space<hbm>>)
      tpu.yield
    }) : () -> ()
    %barrier3A_63 = arith.constant 0 : index
    tpu.barrier barrier_id(%barrier3A_63)
    %mul3A_64 = arith.constant 2 : i32
    %mul3A_65 = arith.muli %arg0, %mul3A_64 : i32
    %add3A_66 = arith.constant 1 : i32
    %add3A_67 = arith.addi %mul3A_65, %add3A_66 : i32
    %mul3A_68 = arith.constant 6272 : i32
    %mul3A_69 = arith.muli %arg1, %mul3A_68 : i32
    %mul3A_70 = arith.constant 6272 : i32
    %mul3A_71 = arith.muli %arg1, %mul3A_70 : i32
    "tpu.region"() ({
      %run_scoped3A = tpu.sem_alloc : memref<!tpu.dma_semaphore, #tpu.memory_space<semaphore_mem>>
      %dma_start3A_134 = arith.constant 0 : i32
      %dma_start3A_135 = tpu.memref_slice %arg12[%mul3A_71, %dma_start3A_134] : memref<100352x16xf32, #tpu.memory_space<vmem_shared>> -> memref<6272x16xf32, #tpu.memory_space<vmem_shared>>
      %dma_start3A_136 = arith.constant 0 : i32
      %dma_start3A_137 = tpu.memref_slice %arg4[%mul3A_69, %dma_start3A_136] : memref<100352x16xf32, #tpu.memory_space<hbm>> -> memref<6272x16xf32, #tpu.memory_space<hbm>>
      tpu.enqueue_dma source(%dma_start3A_137 : memref<6272x16xf32, #tpu.memory_space<hbm>>) target(%dma_start3A_135 : memref<6272x16xf32, #tpu.memory_space<vmem_shared>>) target_semaphore(%run_scoped3A : memref<!tpu.dma_semaphore, #tpu.memory_space<semaphore_mem>>)
      %dma_wait3A_138 = arith.constant 0 : i32
      %dma_wait3A_139 = tpu.memref_slice %arg12[%mul3A_71, %dma_wait3A_138] : memref<100352x16xf32, #tpu.memory_space<vmem_shared>> -> memref<6272x16xf32, #tpu.memory_space<vmem_shared>>
      %dma_wait3A_140 = arith.constant 0 : i32
      %dma_wait3A_141 = tpu.memref_slice %arg4[%mul3A_69, %dma_wait3A_140] : memref<100352x16xf32, #tpu.memory_space<hbm>> -> memref<6272x16xf32, #tpu.memory_space<hbm>>
      tpu.wait_dma2 semaphore(%run_scoped3A : memref<!tpu.dma_semaphore, #tpu.memory_space<semaphore_mem>>) src(%dma_wait3A_141 : memref<6272x16xf32, #tpu.memory_space<hbm>>) dst(%dma_wait3A_139 : memref<6272x16xf32, #tpu.memory_space<vmem_shared>>)
      tpu.yield
    }) : () -> ()
    %barrier3A_72 = arith.constant 0 : index
    tpu.barrier barrier_id(%barrier3A_72)
    %mul3A_73 = arith.constant 100000 : i32
    %mul3A_74 = arith.muli %arg1, %mul3A_73 : i32
    %add3A_75 = arith.constant 0 : i32
    %add3A_76 = arith.addi %mul3A_74, %add3A_75 : i32
    %dma_start3A_77 = arith.constant 0 : i32
    %dma_start3A_78 = tpu.memref_slice %arg2[%dma_start3A_77, %add3A_76] : memref<2x1600000xi32, #tpu.memory_space<hbm>> -> memref<1x800xi32, #tpu.memory_space<hbm>>
    %dma_start3A_79 = tpu.memref_squeeze %dma_start3A_78 : memref<1x800xi32, #tpu.memory_space<hbm>> -> memref<800xi32, #tpu.memory_space<hbm>>
    %dma_start3A_80 = tpu.memref_slice %arg2[%dma_start3A_77, %add3A_76] : memref<2x1600000xi32, #tpu.memory_space<hbm>> -> memref<1x800xi32, #tpu.memory_space<hbm>>
    %dma_start3A_81 = tpu.memref_squeeze %dma_start3A_80 : memref<1x800xi32, #tpu.memory_space<hbm>> -> memref<800xi32, #tpu.memory_space<hbm>>
    tpu.enqueue_dma source(%dma_start3A_81 : memref<800xi32, #tpu.memory_space<hbm>>) target(%arg6 : memref<800xi32, #tpu.memory_space<vmem>>) target_semaphore(%arg13 : memref<!tpu.dma_semaphore, #tpu.memory_space<semaphore_mem>>)
    %add3A_82 = arith.constant 0 : i32
    %add3A_83 = arith.addi %mul3A_74, %add3A_82 : i32
    %dma_start3A_84 = arith.constant 1 : i32
    %dma_start3A_85 = tpu.memref_slice %arg2[%dma_start3A_84, %add3A_83] : memref<2x1600000xi32, #tpu.memory_space<hbm>> -> memref<1x800xi32, #tpu.memory_space<hbm>>
    %dma_start3A_86 = tpu.memref_squeeze %dma_start3A_85 : memref<1x800xi32, #tpu.memory_space<hbm>> -> memref<800xi32, #tpu.memory_space<hbm>>
    %dma_start3A_87 = tpu.memref_slice %arg2[%dma_start3A_84, %add3A_83] : memref<2x1600000xi32, #tpu.memory_space<hbm>> -> memref<1x800xi32, #tpu.memory_space<hbm>>
    %dma_start3A_88 = tpu.memref_squeeze %dma_start3A_87 : memref<1x800xi32, #tpu.memory_space<hbm>> -> memref<800xi32, #tpu.memory_space<hbm>>
    tpu.enqueue_dma source(%dma_start3A_88 : memref<800xi32, #tpu.memory_space<hbm>>) target(%arg8 : memref<800xi32, #tpu.memory_space<vmem>>) target_semaphore(%arg13 : memref<!tpu.dma_semaphore, #tpu.memory_space<semaphore_mem>>)
    %dma_wait3A_89 = arith.constant 0 : i32
    %dma_wait3A_90 = tpu.memref_slice %arg2[%dma_wait3A_89, %mul3A_74] : memref<2x1600000xi32, #tpu.memory_space<hbm>> -> memref<1x800xi32, #tpu.memory_space<hbm>>
    %dma_wait3A_91 = tpu.memref_squeeze %dma_wait3A_90 : memref<1x800xi32, #tpu.memory_space<hbm>> -> memref<800xi32, #tpu.memory_space<hbm>>
    %dma_wait3A_92 = tpu.memref_slice %arg2[%dma_wait3A_89, %mul3A_74] : memref<2x1600000xi32, #tpu.memory_space<hbm>> -> memref<1x800xi32, #tpu.memory_space<hbm>>
    %dma_wait3A_93 = tpu.memref_squeeze %dma_wait3A_92 : memref<1x800xi32, #tpu.memory_space<hbm>> -> memref<800xi32, #tpu.memory_space<hbm>>
    tpu.wait_dma2 semaphore(%arg13 : memref<!tpu.dma_semaphore, #tpu.memory_space<semaphore_mem>>) src(%dma_wait3A_93 : memref<800xi32, #tpu.memory_space<hbm>>) dst(%arg6 : memref<800xi32, #tpu.memory_space<vmem>>)
    %dma_wait3A_94 = arith.constant 1 : i32
    %dma_wait3A_95 = tpu.memref_slice %arg2[%dma_wait3A_94, %mul3A_74] : memref<2x1600000xi32, #tpu.memory_space<hbm>> -> memref<1x800xi32, #tpu.memory_space<hbm>>
    %dma_wait3A_96 = tpu.memref_squeeze %dma_wait3A_95 : memref<1x800xi32, #tpu.memory_space<hbm>> -> memref<800xi32, #tpu.memory_space<hbm>>
    %dma_wait3A_97 = tpu.memref_slice %arg2[%dma_wait3A_94, %mul3A_74] : memref<2x1600000xi32, #tpu.memory_space<hbm>> -> memref<1x800xi32, #tpu.memory_space<hbm>>
    %dma_wait3A_98 = tpu.memref_squeeze %dma_wait3A_97 : memref<1x800xi32, #tpu.memory_space<hbm>> -> memref<800xi32, #tpu.memory_space<hbm>>
    tpu.wait_dma2 semaphore(%arg13 : memref<!tpu.dma_semaphore, #tpu.memory_space<semaphore_mem>>) src(%dma_wait3A_98 : memref<800xi32, #tpu.memory_space<hbm>>) dst(%arg8 : memref<800xi32, #tpu.memory_space<vmem>>)
    %scan3A_99 = arith.constant 0 : i32
    %scan3A_100 = arith.constant 0 : i32
    %scan3A_101 = arith.constant 50 : i32
    %scan3A_102 = arith.addi %scan3A_100, %scan3A_101 : i32
    %scan3A_103 = arith.constant 1 : i32
    scf.for %scan3A_134 = %scan3A_100 to %scan3A_102 step %scan3A_103  : i32 {
      %mul3A_135 = arith.constant 16 : i32
      %mul3A_136 = arith.muli %scan3A_134, %mul3A_135 : i32
      %get3A = arith.index_cast %mul3A_136 : i32 to index
      %get3A_137 = tpu.vector_load %arg6[%get3A] {strides = array<i32>} : memref<800xi32, #tpu.memory_space<vmem>>, vector<16xi32>,
      %get3A_138 = vector.shape_cast %get3A_137 : vector<16xi32> to vector<16xi32>
      %mul3A_139 = arith.constant 4 : i32
      %mul3A_140 = vector.broadcast %mul3A_139 : i32 to vector<16xi32>
      %mul3A_141 = arith.muli %get3A_138, %mul3A_140 : vector<16xi32>
      %broadcast_in_dim3A = arith.constant 1 : i32
      %broadcast_in_dim3A_142 = vector.broadcast %broadcast_in_dim3A : i32 to vector<16xi32>
      %mul3A_143 = vector.broadcast %add3A_67 : i32 to vector<16xi32>
      %mul3A_144 = arith.muli %broadcast_in_dim3A_142, %mul3A_143 : vector<16xi32>
      %add3A_145 = arith.addi %mul3A_141, %mul3A_144 : vector<16xi32>
      %mul3A_146 = arith.constant 16 : i32
      %mul3A_147 = arith.muli %scan3A_134, %mul3A_146 : i32
      %swap3A = arith.index_cast %mul3A_147 : i32 to index
      %swap3A_148 = tpu.vector_load %arg6[%swap3A] {strides = array<i32>} : memref<800xi32, #tpu.memory_space<vmem>>, vector<16xi32>,
      %swap3A_149 = vector.shape_cast %swap3A_148 : vector<16xi32> to vector<16xi32>
      %swap3A_150 = vector.shape_cast %add3A_145 : vector<16xi32> to vector<16xi32>
      tpu.vector_store %arg6[%swap3A], %swap3A_150 {strides = array<i32>} : memref<800xi32, #tpu.memory_space<vmem>>, vector<16xi32>,
    }
    %scan3A_104 = arith.constant 50 : i32
    %dma_start3A_105 = arith.constant 0 : i32
    %dma_start3A_106 = arith.constant 0 : i32
    %dma_start3A_107 = tpu.memref_slice %arg3[%dma_start3A_105, %dma_start3A_106] : memref<401408x16xf32, #tpu.memory_space<hbm>> -> memref<401408x16xf32, #tpu.memory_space<hbm>>
    tpu.enqueue_indirect_dma source(%dma_start3A_107 : memref<401408x16xf32, #tpu.memory_space<hbm>>) target(%arg10 : memref<800x16xf32, #tpu.memory_space<vmem>>) offsets(%arg6 : memref<800xi32, #tpu.memory_space<vmem>>) semaphore(%arg15 : memref<!tpu.dma_semaphore, #tpu.memory_space<semaphore_mem>>)
    %add3A_108 = arith.constant 800 : i32
    %add3A_109 = arith.addi %mul3A_74, %add3A_108 : i32
    %dma_start3A_110 = arith.constant 0 : i32
    %dma_start3A_111 = tpu.memref_slice %arg2[%dma_start3A_110, %add3A_109] : memref<2x1600000xi32, #tpu.memory_space<hbm>> -> memref<1x800xi32, #tpu.memory_space<hbm>>
    %dma_start3A_112 = tpu.memref_squeeze %dma_start3A_111 : memref<1x800xi32, #tpu.memory_space<hbm>> -> memref<800xi32, #tpu.memory_space<hbm>>
    %dma_start3A_113 = tpu.memref_slice %arg2[%dma_start3A_110, %add3A_109] : memref<2x1600000xi32, #tpu.memory_space<hbm>> -> memref<1x800xi32, #tpu.memory_space<hbm>>
    %dma_start3A_114 = tpu.memref_squeeze %dma_start3A_113 : memref<1x800xi32, #tpu.memory_space<hbm>> -> memref<800xi32, #tpu.memory_space<hbm>>
    tpu.enqueue_dma source(%dma_start3A_114 : memref<800xi32, #tpu.memory_space<hbm>>) target(%arg7 : memref<800xi32, #tpu.memory_space<vmem>>) target_semaphore(%arg14 : memref<!tpu.dma_semaphore, #tpu.memory_space<semaphore_mem>>)
    %add3A_115 = arith.constant 800 : i32
    %add3A_116 = arith.addi %mul3A_74, %add3A_115 : i32
    %dma_start3A_117 = arith.constant 1 : i32
    %dma_start3A_118 = tpu.memref_slice %arg2[%dma_start3A_117, %add3A_116] : memref<2x1600000xi32, #tpu.memory_space<hbm>> -> memref<1x800xi32, #tpu.memory_space<hbm>>
    %dma_start3A_119 = tpu.memref_squeeze %dma_start3A_118 : memref<1x800xi32, #tpu.memory_space<hbm>> -> memref<800xi32, #tpu.memory_space<hbm>>
    %dma_start3A_120 = tpu.memref_slice %arg2[%dma_start3A_117, %add3A_116] : memref<2x1600000xi32, #tpu.memory_space<hbm>> -> memref<1x800xi32, #tpu.memory_space<hbm>>
    %dma_start3A_121 = tpu.memref_squeeze %dma_start3A_120 : memref<1x800xi32, #tpu.memory_space<hbm>> -> memref<800xi32, #tpu.memory_space<hbm>>
    tpu.enqueue_dma source(%dma_start3A_121 : memref<800xi32, #tpu.memory_space<hbm>>) target(%arg9 : memref<800xi32, #tpu.memory_space<vmem>>) target_semaphore(%arg14 : memref<!tpu.dma_semaphore, #tpu.memory_space<semaphore_mem>>)
    %scan3A_122 = arith.constant 0 : i32
    %scan3A_123 = arith.constant 0 : i32
    %scan3A_124 = arith.constant 125 : i32
    %scan3A_125 = arith.addi %scan3A_123, %scan3A_124 : i32
    %scan3A_126 = arith.constant 1 : i32
    scf.for %scan3A_134 = %scan3A_123 to %scan3A_125 step %scan3A_126  : i32 {
      %jit3A = arith.constant 2 : i32
      %eq3A = arith.constant 0 : i32
      %eq3A_135 = arith.cmpi eq, %jit3A, %eq3A : i32
      %jit3A_136 = arith.constant 1 : i32
      %select_n3A = arith.select %eq3A_135, %jit3A_136, %jit3A : i32
      %rem3A = arith.remsi %scan3A_134, %select_n3A : i32
      %ne3A = arith.constant 0 : i32
      %ne3A_137 = arith.cmpi ne, %rem3A, %ne3A : i32
      %lt3A = arith.constant 0 : i32
      %lt3A_138 = arith.cmpi slt, %rem3A, %lt3A : i32
      %lt3A_139 = arith.constant 0 : i32
      %lt3A_140 = arith.cmpi slt, %select_n3A, %lt3A_139 : i32
      %ne3A_141 = arith.xori %lt3A_138, %lt3A_140 : i1
      %and3A = arith.andi %ne3A_141, %ne3A_137 : i1
      %add3A_142 = arith.addi %rem3A, %select_n3A : i32
      %select_n3A_143 = arith.select %and3A, %add3A_142, %rem3A : i32
      %eq3A_144 = arith.constant 0 : i32
      %eq3A_145 = arith.cmpi eq, %select_n3A_143, %eq3A_144 : i32
      %convert_element_type3A = arith.extui %eq3A_145 : i1 to i32
      %cond3A = arith.constant 0 : i32
      %cond3A_146 = arith.cmpi ne, %convert_element_type3A, %cond3A : i32
      scf.if %cond3A_146 {
        %add3A_147 = arith.constant 1 : i32
        %add3A_148 = arith.addi %scan3A_134, %add3A_147 : i32
        %lt3A_149 = arith.constant 125 : i32
        %lt3A_150 = arith.cmpi slt, %add3A_148, %lt3A_149 : i32
        %convert_element_type3A_151 = arith.extui %lt3A_150 : i1 to i32
        %cond3A_152 = arith.constant 0 : i32
        %cond3A_153 = arith.cmpi ne, %convert_element_type3A_151, %cond3A_152 : i32
        scf.if %cond3A_153 {
          %dma_wait3A_171 = arith.constant 0 : i32
          %dma_wait3A_172 = tpu.memref_slice %arg2[%dma_wait3A_171, %mul3A_74] : memref<2x1600000xi32, #tpu.memory_space<hbm>> -> memref<1x800xi32, #tpu.memory_space<hbm>>
          %dma_wait3A_173 = tpu.memref_squeeze %dma_wait3A_172 : memref<1x800xi32, #tpu.memory_space<hbm>> -> memref<800xi32, #tpu.memory_space<hbm>>
          %dma_wait3A_174 = tpu.memref_slice %arg2[%dma_wait3A_171, %mul3A_74] : memref<2x1600000xi32, #tpu.memory_space<hbm>> -> memref<1x800xi32, #tpu.memory_space<hbm>>
          %dma_wait3A_175 = tpu.memref_squeeze %dma_wait3A_174 : memref<1x800xi32, #tpu.memory_space<hbm>> -> memref<800xi32, #tpu.memory_space<hbm>>
          tpu.wait_dma2 semaphore(%arg14 : memref<!tpu.dma_semaphore, #tpu.memory_space<semaphore_mem>>) src(%dma_wait3A_175 : memref<800xi32, #tpu.memory_space<hbm>>) dst(%arg7 : memref<800xi32, #tpu.memory_space<vmem>>)
          %dma_wait3A_176 = arith.constant 1 : i32
          %dma_wait3A_177 = tpu.memref_slice %arg2[%dma_wait3A_176, %mul3A_74] : memref<2x1600000xi32, #tpu.memory_space<hbm>> -> memref<1x800xi32, #tpu.memory_space<hbm>>
          %dma_wait3A_178 = tpu.memref_squeeze %dma_wait3A_177 : memref<1x800xi32, #tpu.memory_space<hbm>> -> memref<800xi32, #tpu.memory_space<hbm>>
          %dma_wait3A_179 = tpu.memref_slice %arg2[%dma_wait3A_176, %mul3A_74] : memref<2x1600000xi32, #tpu.memory_space<hbm>> -> memref<1x800xi32, #tpu.memory_space<hbm>>
          %dma_wait3A_180 = tpu.memref_squeeze %dma_wait3A_179 : memref<1x800xi32, #tpu.memory_space<hbm>> -> memref<800xi32, #tpu.memory_space<hbm>>
          tpu.wait_dma2 semaphore(%arg14 : memref<!tpu.dma_semaphore, #tpu.memory_space<semaphore_mem>>) src(%dma_wait3A_180 : memref<800xi32, #tpu.memory_space<hbm>>) dst(%arg9 : memref<800xi32, #tpu.memory_space<vmem>>)
          %scan3A_181 = arith.constant 0 : i32
          %scan3A_182 = arith.constant 0 : i32
          %scan3A_183 = arith.constant 50 : i32
          %scan3A_184 = arith.addi %scan3A_182, %scan3A_183 : i32
          %scan3A_185 = arith.constant 1 : i32
          scf.for %scan3A_187 = %scan3A_182 to %scan3A_184 step %scan3A_185  : i32 {
            %mul3A_188 = arith.constant 16 : i32
            %mul3A_189 = arith.muli %scan3A_187, %mul3A_188 : i32
            %get3A = arith.index_cast %mul3A_189 : i32 to index
            %get3A_190 = tpu.vector_load %arg7[%get3A] {strides = array<i32>} : memref<800xi32, #tpu.memory_space<vmem>>, vector<16xi32>,
            %get3A_191 = vector.shape_cast %get3A_190 : vector<16xi32> to vector<16xi32>
            %mul3A_192 = arith.constant 4 : i32
            %mul3A_193 = vector.broadcast %mul3A_192 : i32 to vector<16xi32>
            %mul3A_194 = arith.muli %get3A_191, %mul3A_193 : vector<16xi32>
            %broadcast_in_dim3A = arith.constant 1 : i32
            %broadcast_in_dim3A_195 = vector.broadcast %broadcast_in_dim3A : i32 to vector<16xi32>
            %mul3A_196 = vector.broadcast %add3A_67 : i32 to vector<16xi32>
            %mul3A_197 = arith.muli %broadcast_in_dim3A_195, %mul3A_196 : vector<16xi32>
            %add3A_198 = arith.addi %mul3A_194, %mul3A_197 : vector<16xi32>
            %mul3A_199 = arith.constant 16 : i32
            %mul3A_200 = arith.muli %scan3A_187, %mul3A_199 : i32
            %swap3A = arith.index_cast %mul3A_200 : i32 to index
            %swap3A_201 = tpu.vector_load %arg7[%swap3A] {strides = array<i32>} : memref<800xi32, #tpu.memory_space<vmem>>, vector<16xi32>,
            %swap3A_202 = vector.shape_cast %swap3A_201 : vector<16xi32> to vector<16xi32>
            %swap3A_203 = vector.shape_cast %add3A_198 : vector<16xi32> to vector<16xi32>
            tpu.vector_store %arg7[%swap3A], %swap3A_203 {strides = array<i32>} : memref<800xi32, #tpu.memory_space<vmem>>, vector<16xi32>,
          }
          %scan3A_186 = arith.constant 50 : i32
        } else {
        }
        %dma_wait3A_154 = arith.constant 0 : i32
        %dma_wait3A_155 = arith.constant 0 : i32
        %dma_wait3A_156 = tpu.memref_slice %arg3[%dma_wait3A_154, %dma_wait3A_155] : memref<401408x16xf32, #tpu.memory_space<hbm>> -> memref<401408x16xf32, #tpu.memory_space<hbm>>
        tpu.wait_indirect_dma semaphore(%arg15 : memref<!tpu.dma_semaphore, #tpu.memory_space<semaphore_mem>>) src(%dma_wait3A_156 : memref<401408x16xf32, #tpu.memory_space<hbm>>) dst(%arg10 : memref<800x16xf32, #tpu.memory_space<vmem>>)
        %add3A_157 = arith.constant 1 : i32
        %add3A_158 = arith.addi %scan3A_134, %add3A_157 : i32
        %lt3A_159 = arith.constant 125 : i32
        %lt3A_160 = arith.cmpi slt, %add3A_158, %lt3A_159 : i32
        %convert_element_type3A_161 = arith.extui %lt3A_160 : i1 to i32
        %cond3A_162 = arith.constant 0 : i32
        %cond3A_163 = arith.cmpi ne, %convert_element_type3A_161, %cond3A_162 : i32
        scf.if %cond3A_163 {
          %dma_start3A_171 = arith.constant 0 : i32
          %dma_start3A_172 = arith.constant 0 : i32
          %dma_start3A_173 = tpu.memref_slice %arg3[%dma_start3A_171, %dma_start3A_172] : memref<401408x16xf32, #tpu.memory_space<hbm>> -> memref<401408x16xf32, #tpu.memory_space<hbm>>
          tpu.enqueue_indirect_dma source(%dma_start3A_173 : memref<401408x16xf32, #tpu.memory_space<hbm>>) target(%arg11 : memref<800x16xf32, #tpu.memory_space<vmem>>) offsets(%arg7 : memref<800xi32, #tpu.memory_space<vmem>>) semaphore(%arg16 : memref<!tpu.dma_semaphore, #tpu.memory_space<semaphore_mem>>)
        } else {
        }
        "tpu.region"() ({
          %run_scoped3A = tpu.sem_alloc : memref<!tpu.dma_semaphore, #tpu.memory_space<semaphore_mem>>
          %dma_start3A_171 = arith.constant 0 : i32
          %dma_start3A_172 = arith.constant 0 : i32
          %dma_start3A_173 = tpu.memref_slice %arg12[%dma_start3A_171, %dma_start3A_172] : memref<100352x16xf32, #tpu.memory_space<vmem_shared>> -> memref<100352x16xf32, #tpu.memory_space<vmem_shared>>
          tpu.enqueue_indirect_dma source(%arg10 : memref<800x16xf32, #tpu.memory_space<vmem>>) target(%dma_start3A_173 : memref<100352x16xf32, #tpu.memory_space<vmem_shared>>) offsets(%arg8 : memref<800xi32, #tpu.memory_space<vmem>>) semaphore(%run_scoped3A : memref<!tpu.dma_semaphore, #tpu.memory_space<semaphore_mem>>) {add = true}
          %dma_wait3A_174 = arith.constant 0 : i32
          %dma_wait3A_175 = arith.constant 0 : i32
          %dma_wait3A_176 = tpu.memref_slice %arg12[%dma_wait3A_174, %dma_wait3A_175] : memref<100352x16xf32, #tpu.memory_space<vmem_shared>> -> memref<100352x16xf32, #tpu.memory_space<vmem_shared>>
          tpu.wait_indirect_dma semaphore(%run_scoped3A : memref<!tpu.dma_semaphore, #tpu.memory_space<semaphore_mem>>) src(%arg10 : memref<800x16xf32, #tpu.memory_space<vmem>>) dst(%dma_wait3A_176 : memref<100352x16xf32, #tpu.memory_space<vmem_shared>>)
          tpu.yield
        }) : () -> ()
        %add3A_164 = arith.constant 2 : i32
        %add3A_165 = arith.addi %scan3A_134, %add3A_164 : i32
        %lt3A_166 = arith.constant 125 : i32
        %lt3A_167 = arith.cmpi slt, %add3A_165, %lt3A_166 : i32
        %convert_element_type3A_168 = arith.extui %lt3A_167 : i1 to i32
        %cond3A_169 = arith.constant 0 : i32
        %cond3A_170 = arith.cmpi ne, %convert_element_type3A_168, %cond3A_169 : i32
        scf.if %cond3A_170 {
          %add3A_171 = arith.constant 2 : i32
          %add3A_172 = arith.addi %scan3A_134, %add3A_171 : i32
          %mul3A_173 = arith.constant 800 : i32
          %mul3A_174 = arith.muli %add3A_172, %mul3A_173 : i32
          %add3A_175 = arith.addi %mul3A_74, %mul3A_174 : i32
          %dma_start3A_176 = arith.constant 0 : i32
          %dma_start3A_177 = tpu.memref_slice %arg2[%dma_start3A_176, %add3A_175] : memref<2x1600000xi32, #tpu.memory_space<hbm>> -> memref<1x800xi32, #tpu.memory_space<hbm>>
          %dma_start3A_178 = tpu.memref_squeeze %dma_start3A_177 : memref<1x800xi32, #tpu.memory_space<hbm>> -> memref<800xi32, #tpu.memory_space<hbm>>
          %dma_start3A_179 = tpu.memref_slice %arg2[%dma_start3A_176, %add3A_175] : memref<2x1600000xi32, #tpu.memory_space<hbm>> -> memref<1x800xi32, #tpu.memory_space<hbm>>
          %dma_start3A_180 = tpu.memref_squeeze %dma_start3A_179 : memref<1x800xi32, #tpu.memory_space<hbm>> -> memref<800xi32, #tpu.memory_space<hbm>>
          tpu.enqueue_dma source(%dma_start3A_180 : memref<800xi32, #tpu.memory_space<hbm>>) target(%arg6 : memref<800xi32, #tpu.memory_space<vmem>>) target_semaphore(%arg13 : memref<!tpu.dma_semaphore, #tpu.memory_space<semaphore_mem>>)
          %mul3A_181 = arith.constant 800 : i32
          %mul3A_182 = arith.muli %add3A_172, %mul3A_181 : i32
          %add3A_183 = arith.addi %mul3A_74, %mul3A_182 : i32
          %dma_start3A_184 = arith.constant 1 : i32
          %dma_start3A_185 = tpu.memref_slice %arg2[%dma_start3A_184, %add3A_183] : memref<2x1600000xi32, #tpu.memory_space<hbm>> -> memref<1x800xi32, #tpu.memory_space<hbm>>
          %dma_start3A_186 = tpu.memref_squeeze %dma_start3A_185 : memref<1x800xi32, #tpu.memory_space<hbm>> -> memref<800xi32, #tpu.memory_space<hbm>>
          %dma_start3A_187 = tpu.memref_slice %arg2[%dma_start3A_184, %add3A_183] : memref<2x1600000xi32, #tpu.memory_space<hbm>> -> memref<1x800xi32, #tpu.memory_space<hbm>>
          %dma_start3A_188 = tpu.memref_squeeze %dma_start3A_187 : memref<1x800xi32, #tpu.memory_space<hbm>> -> memref<800xi32, #tpu.memory_space<hbm>>
          tpu.enqueue_dma source(%dma_start3A_188 : memref<800xi32, #tpu.memory_space<hbm>>) target(%arg8 : memref<800xi32, #tpu.memory_space<vmem>>) target_semaphore(%arg13 : memref<!tpu.dma_semaphore, #tpu.memory_space<semaphore_mem>>)
        } else {
        }
      } else {
        %add3A_147 = arith.constant 1 : i32
        %add3A_148 = arith.addi %scan3A_134, %add3A_147 : i32
        %lt3A_149 = arith.constant 125 : i32
        %lt3A_150 = arith.cmpi slt, %add3A_148, %lt3A_149 : i32
        %convert_element_type3A_151 = arith.extui %lt3A_150 : i1 to i32
        %cond3A_152 = arith.constant 0 : i32
        %cond3A_153 = arith.cmpi ne, %convert_element_type3A_151, %cond3A_152 : i32
        scf.if %cond3A_153 {
          %dma_wait3A_171 = arith.constant 0 : i32
          %dma_wait3A_172 = tpu.memref_slice %arg2[%dma_wait3A_171, %mul3A_74] : memref<2x1600000xi32, #tpu.memory_space<hbm>> -> memref<1x800xi32, #tpu.memory_space<hbm>>
          %dma_wait3A_173 = tpu.memref_squeeze %dma_wait3A_172 : memref<1x800xi32, #tpu.memory_space<hbm>> -> memref<800xi32, #tpu.memory_space<hbm>>
          %dma_wait3A_174 = tpu.memref_slice %arg2[%dma_wait3A_171, %mul3A_74] : memref<2x1600000xi32, #tpu.memory_space<hbm>> -> memref<1x800xi32, #tpu.memory_space<hbm>>
          %dma_wait3A_175 = tpu.memref_squeeze %dma_wait3A_174 : memref<1x800xi32, #tpu.memory_space<hbm>> -> memref<800xi32, #tpu.memory_space<hbm>>
          tpu.wait_dma2 semaphore(%arg13 : memref<!tpu.dma_semaphore, #tpu.memory_space<semaphore_mem>>) src(%dma_wait3A_175 : memref<800xi32, #tpu.memory_space<hbm>>) dst(%arg6 : memref<800xi32, #tpu.memory_space<vmem>>)
          %dma_wait3A_176 = arith.constant 1 : i32
          %dma_wait3A_177 = tpu.memref_slice %arg2[%dma_wait3A_176, %mul3A_74] : memref<2x1600000xi32, #tpu.memory_space<hbm>> -> memref<1x800xi32, #tpu.memory_space<hbm>>
          %dma_wait3A_178 = tpu.memref_squeeze %dma_wait3A_177 : memref<1x800xi32, #tpu.memory_space<hbm>> -> memref<800xi32, #tpu.memory_space<hbm>>
          %dma_wait3A_179 = tpu.memref_slice %arg2[%dma_wait3A_176, %mul3A_74] : memref<2x1600000xi32, #tpu.memory_space<hbm>> -> memref<1x800xi32, #tpu.memory_space<hbm>>
          %dma_wait3A_180 = tpu.memref_squeeze %dma_wait3A_179 : memref<1x800xi32, #tpu.memory_space<hbm>> -> memref<800xi32, #tpu.memory_space<hbm>>
          tpu.wait_dma2 semaphore(%arg13 : memref<!tpu.dma_semaphore, #tpu.memory_space<semaphore_mem>>) src(%dma_wait3A_180 : memref<800xi32, #tpu.memory_space<hbm>>) dst(%arg8 : memref<800xi32, #tpu.memory_space<vmem>>)
          %scan3A_181 = arith.constant 0 : i32
          %scan3A_182 = arith.constant 0 : i32
          %scan3A_183 = arith.constant 50 : i32
          %scan3A_184 = arith.addi %scan3A_182, %scan3A_183 : i32
          %scan3A_185 = arith.constant 1 : i32
          scf.for %scan3A_187 = %scan3A_182 to %scan3A_184 step %scan3A_185  : i32 {
            %mul3A_188 = arith.constant 16 : i32
            %mul3A_189 = arith.muli %scan3A_187, %mul3A_188 : i32
            %get3A = arith.index_cast %mul3A_189 : i32 to index
            %get3A_190 = tpu.vector_load %arg6[%get3A] {strides = array<i32>} : memref<800xi32, #tpu.memory_space<vmem>>, vector<16xi32>,
            %get3A_191 = vector.shape_cast %get3A_190 : vector<16xi32> to vector<16xi32>
            %mul3A_192 = arith.constant 4 : i32
            %mul3A_193 = vector.broadcast %mul3A_192 : i32 to vector<16xi32>
            %mul3A_194 = arith.muli %get3A_191, %mul3A_193 : vector<16xi32>
            %broadcast_in_dim3A = arith.constant 1 : i32
            %broadcast_in_dim3A_195 = vector.broadcast %broadcast_in_dim3A : i32 to vector<16xi32>
            %mul3A_196 = vector.broadcast %add3A_67 : i32 to vector<16xi32>
            %mul3A_197 = arith.muli %broadcast_in_dim3A_195, %mul3A_196 : vector<16xi32>
            %add3A_198 = arith.addi %mul3A_194, %mul3A_197 : vector<16xi32>
            %mul3A_199 = arith.constant 16 : i32
            %mul3A_200 = arith.muli %scan3A_187, %mul3A_199 : i32
            %swap3A = arith.index_cast %mul3A_200 : i32 to index
            %swap3A_201 = tpu.vector_load %arg6[%swap3A] {strides = array<i32>} : memref<800xi32, #tpu.memory_space<vmem>>, vector<16xi32>,
            %swap3A_202 = vector.shape_cast %swap3A_201 : vector<16xi32> to vector<16xi32>
            %swap3A_203 = vector.shape_cast %add3A_198 : vector<16xi32> to vector<16xi32>
            tpu.vector_store %arg6[%swap3A], %swap3A_203 {strides = array<i32>} : memref<800xi32, #tpu.memory_space<vmem>>, vector<16xi32>,
          }
          %scan3A_186 = arith.constant 50 : i32
        } else {
        }
        %dma_wait3A_154 = arith.constant 0 : i32
        %dma_wait3A_155 = arith.constant 0 : i32
        %dma_wait3A_156 = tpu.memref_slice %arg3[%dma_wait3A_154, %dma_wait3A_155] : memref<401408x16xf32, #tpu.memory_space<hbm>> -> memref<401408x16xf32, #tpu.memory_space<hbm>>
        tpu.wait_indirect_dma semaphore(%arg16 : memref<!tpu.dma_semaphore, #tpu.memory_space<semaphore_mem>>) src(%dma_wait3A_156 : memref<401408x16xf32, #tpu.memory_space<hbm>>) dst(%arg11 : memref<800x16xf32, #tpu.memory_space<vmem>>)
        %add3A_157 = arith.constant 1 : i32
        %add3A_158 = arith.addi %scan3A_134, %add3A_157 : i32
        %lt3A_159 = arith.constant 125 : i32
        %lt3A_160 = arith.cmpi slt, %add3A_158, %lt3A_159 : i32
        %convert_element_type3A_161 = arith.extui %lt3A_160 : i1 to i32
        %cond3A_162 = arith.constant 0 : i32
        %cond3A_163 = arith.cmpi ne, %convert_element_type3A_161, %cond3A_162 : i32
        scf.if %cond3A_163 {
          %dma_start3A_171 = arith.constant 0 : i32
          %dma_start3A_172 = arith.constant 0 : i32
          %dma_start3A_173 = tpu.memref_slice %arg3[%dma_start3A_171, %dma_start3A_172] : memref<401408x16xf32, #tpu.memory_space<hbm>> -> memref<401408x16xf32, #tpu.memory_space<hbm>>
          tpu.enqueue_indirect_dma source(%dma_start3A_173 : memref<401408x16xf32, #tpu.memory_space<hbm>>) target(%arg10 : memref<800x16xf32, #tpu.memory_space<vmem>>) offsets(%arg6 : memref<800xi32, #tpu.memory_space<vmem>>) semaphore(%arg15 : memref<!tpu.dma_semaphore, #tpu.memory_space<semaphore_mem>>)
        } else {
        }
        "tpu.region"() ({
          %run_scoped3A = tpu.sem_alloc : memref<!tpu.dma_semaphore, #tpu.memory_space<semaphore_mem>>
          %dma_start3A_171 = arith.constant 0 : i32
          %dma_start3A_172 = arith.constant 0 : i32
          %dma_start3A_173 = tpu.memref_slice %arg12[%dma_start3A_171, %dma_start3A_172] : memref<100352x16xf32, #tpu.memory_space<vmem_shared>> -> memref<100352x16xf32, #tpu.memory_space<vmem_shared>>
          tpu.enqueue_indirect_dma source(%arg11 : memref<800x16xf32, #tpu.memory_space<vmem>>) target(%dma_start3A_173 : memref<100352x16xf32, #tpu.memory_space<vmem_shared>>) offsets(%arg9 : memref<800xi32, #tpu.memory_space<vmem>>) semaphore(%run_scoped3A : memref<!tpu.dma_semaphore, #tpu.memory_space<semaphore_mem>>) {add = true}
          %dma_wait3A_174 = arith.constant 0 : i32
          %dma_wait3A_175 = arith.constant 0 : i32
          %dma_wait3A_176 = tpu.memref_slice %arg12[%dma_wait3A_174, %dma_wait3A_175] : memref<100352x16xf32, #tpu.memory_space<vmem_shared>> -> memref<100352x16xf32, #tpu.memory_space<vmem_shared>>
          tpu.wait_indirect_dma semaphore(%run_scoped3A : memref<!tpu.dma_semaphore, #tpu.memory_space<semaphore_mem>>) src(%arg11 : memref<800x16xf32, #tpu.memory_space<vmem>>) dst(%dma_wait3A_176 : memref<100352x16xf32, #tpu.memory_space<vmem_shared>>)
          tpu.yield
        }) : () -> ()
        %add3A_164 = arith.constant 2 : i32
        %add3A_165 = arith.addi %scan3A_134, %add3A_164 : i32
        %lt3A_166 = arith.constant 125 : i32
        %lt3A_167 = arith.cmpi slt, %add3A_165, %lt3A_166 : i32
        %convert_element_type3A_168 = arith.extui %lt3A_167 : i1 to i32
        %cond3A_169 = arith.constant 0 : i32
        %cond3A_170 = arith.cmpi ne, %convert_element_type3A_168, %cond3A_169 : i32
        scf.if %cond3A_170 {
          %add3A_171 = arith.constant 2 : i32
          %add3A_172 = arith.addi %scan3A_134, %add3A_171 : i32
          %mul3A_173 = arith.constant 800 : i32
          %mul3A_174 = arith.muli %add3A_172, %mul3A_173 : i32
          %add3A_175 = arith.addi %mul3A_74, %mul3A_174 : i32
          %dma_start3A_176 = arith.constant 0 : i32
          %dma_start3A_177 = tpu.memref_slice %arg2[%dma_start3A_176, %add3A_175] : memref<2x1600000xi32, #tpu.memory_space<hbm>> -> memref<1x800xi32, #tpu.memory_space<hbm>>
          %dma_start3A_178 = tpu.memref_squeeze %dma_start3A_177 : memref<1x800xi32, #tpu.memory_space<hbm>> -> memref<800xi32, #tpu.memory_space<hbm>>
          %dma_start3A_179 = tpu.memref_slice %arg2[%dma_start3A_176, %add3A_175] : memref<2x1600000xi32, #tpu.memory_space<hbm>> -> memref<1x800xi32, #tpu.memory_space<hbm>>
          %dma_start3A_180 = tpu.memref_squeeze %dma_start3A_179 : memref<1x800xi32, #tpu.memory_space<hbm>> -> memref<800xi32, #tpu.memory_space<hbm>>
          tpu.enqueue_dma source(%dma_start3A_180 : memref<800xi32, #tpu.memory_space<hbm>>) target(%arg7 : memref<800xi32, #tpu.memory_space<vmem>>) target_semaphore(%arg14 : memref<!tpu.dma_semaphore, #tpu.memory_space<semaphore_mem>>)
          %mul3A_181 = arith.constant 800 : i32
          %mul3A_182 = arith.muli %add3A_172, %mul3A_181 : i32
          %add3A_183 = arith.addi %mul3A_74, %mul3A_182 : i32
          %dma_start3A_184 = arith.constant 1 : i32
          %dma_start3A_185 = tpu.memref_slice %arg2[%dma_start3A_184, %add3A_183] : memref<2x1600000xi32, #tpu.memory_space<hbm>> -> memref<1x800xi32, #tpu.memory_space<hbm>>
          %dma_start3A_186 = tpu.memref_squeeze %dma_start3A_185 : memref<1x800xi32, #tpu.memory_space<hbm>> -> memref<800xi32, #tpu.memory_space<hbm>>
          %dma_start3A_187 = tpu.memref_slice %arg2[%dma_start3A_184, %add3A_183] : memref<2x1600000xi32, #tpu.memory_space<hbm>> -> memref<1x800xi32, #tpu.memory_space<hbm>>
          %dma_start3A_188 = tpu.memref_squeeze %dma_start3A_187 : memref<1x800xi32, #tpu.memory_space<hbm>> -> memref<800xi32, #tpu.memory_space<hbm>>
          tpu.enqueue_dma source(%dma_start3A_188 : memref<800xi32, #tpu.memory_space<hbm>>) target(%arg9 : memref<800xi32, #tpu.memory_space<vmem>>) target_semaphore(%arg14 : memref<!tpu.dma_semaphore, #tpu.memory_space<semaphore_mem>>)
        } else {
        }
      }
    }
    %scan3A_127 = arith.constant 125 : i32
    %barrier3A_128 = arith.constant 0 : index
    tpu.barrier barrier_id(%barrier3A_128)
    %mul3A_129 = arith.constant 6272 : i32
    %mul3A_130 = arith.muli %arg1, %mul3A_129 : i32
    %mul3A_131 = arith.constant 6272 : i32
    %mul3A_132 = arith.muli %arg1, %mul3A_131 : i32
    "tpu.region"() ({
      %run_scoped3A = tpu.sem_alloc : memref<!tpu.dma_semaphore, #tpu.memory_space<semaphore_mem>>
      %dma_start3A_134 = arith.constant 0 : i32
      %dma_start3A_135 = tpu.memref_slice %arg5[%add3A_67, %mul3A_132, %dma_start3A_134] : memref<4x100352x16xf32, #tpu.memory_space<hbm>> -> memref<1x6272x16xf32, #tpu.memory_space<hbm>>
      %dma_start3A_136 = tpu.memref_squeeze %dma_start3A_135 : memref<1x6272x16xf32, #tpu.memory_space<hbm>> -> memref<6272x16xf32, #tpu.memory_space<hbm>>
      %dma_start3A_137 = arith.constant 0 : i32
      %dma_start3A_138 = tpu.memref_slice %arg12[%mul3A_130, %dma_start3A_137] : memref<100352x16xf32, #tpu.memory_space<vmem_shared>> -> memref<6272x16xf32, #tpu.memory_space<vmem_shared>>
      tpu.enqueue_dma source(%dma_start3A_138 : memref<6272x16xf32, #tpu.memory_space<vmem_shared>>) target(%dma_start3A_136 : memref<6272x16xf32, #tpu.memory_space<hbm>>) target_semaphore(%run_scoped3A : memref<!tpu.dma_semaphore, #tpu.memory_space<semaphore_mem>>)
      %dma_wait3A_139 = arith.constant 0 : i32
      %dma_wait3A_140 = tpu.memref_slice %arg5[%add3A_67, %mul3A_132, %dma_wait3A_139] : memref<4x100352x16xf32, #tpu.memory_space<hbm>> -> memref<1x6272x16xf32, #tpu.memory_space<hbm>>
      %dma_wait3A_141 = tpu.memref_squeeze %dma_wait3A_140 : memref<1x6272x16xf32, #tpu.memory_space<hbm>> -> memref<6272x16xf32, #tpu.memory_space<hbm>>
      %dma_wait3A_142 = arith.constant 0 : i32
      %dma_wait3A_143 = tpu.memref_slice %arg12[%mul3A_130, %dma_wait3A_142] : memref<100352x16xf32, #tpu.memory_space<vmem_shared>> -> memref<6272x16xf32, #tpu.memory_space<vmem_shared>>
      tpu.wait_dma2 semaphore(%run_scoped3A : memref<!tpu.dma_semaphore, #tpu.memory_space<semaphore_mem>>) src(%dma_wait3A_143 : memref<6272x16xf32, #tpu.memory_space<vmem_shared>>) dst(%dma_wait3A_141 : memref<6272x16xf32, #tpu.memory_space<hbm>>)
      tpu.yield
    }) : () -> ()
    %barrier3A_133 = arith.constant 0 : index
    tpu.barrier barrier_id(%barrier3A_133)
    return
  }
}

#map = affine_map<(d0, d1) -> (0, 0)>
#map1 = affine_map<(d0, d1) -> (0, 0, 0)>
module attributes {stable_mosaic.version = 14 : i64} {
  func.func @_agg1_body(%arg0: i32, %arg1: i32, %arg2: memref<2x1600000xi32, #tpu.memory_space<hbm>>, %arg3: memref<100352x16xf32, #tpu.memory_space<hbm>>, %arg4: memref<100352x16xf32, #tpu.memory_space<hbm>>, %arg5: memref<2x100352x16xf32, #tpu.memory_space<hbm>>, %arg6: memref<400xi32, #tpu.memory_space<vmem>>, %arg7: memref<400xi32, #tpu.memory_space<vmem>>, %arg8: memref<400xi32, #tpu.memory_space<vmem>>, %arg9: memref<400xi32, #tpu.memory_space<vmem>>, %arg10: memref<400x16xf32, #tpu.memory_space<vmem>>, %arg11: memref<400x16xf32, #tpu.memory_space<vmem>>, %arg12: memref<100352x16xf32, #tpu.memory_space<vmem_shared>>, %arg13: memref<!tpu.dma_semaphore, #tpu.memory_space<semaphore_mem>>, %arg14: memref<!tpu.dma_semaphore, #tpu.memory_space<semaphore_mem>>, %arg15: memref<!tpu.dma_semaphore, #tpu.memory_space<semaphore_mem>>, %arg16: memref<!tpu.dma_semaphore, #tpu.memory_space<semaphore_mem>>) attributes {dimension_semantics = [#tpu.dimension_semantics<core_parallel>, #tpu.dimension_semantics<subcore_parallel>], iteration_bounds = array<i64: 2, 16>, scalar_prefetch = 0 : i64, scratch_operands = 11 : i64, tpu.core_type = #tpu.core_type<sc_vector_subcore>, window_params = [{transform_indices = #map}, {transform_indices = #map}, {transform_indices = #map}, {transform_indices = #map1}]} {
    %mul3A = arith.constant 6272 : i32
    %mul3A_0 = arith.muli %arg1, %mul3A : i32
    %mul3A_1 = arith.constant 6272 : i32
    %mul3A_2 = arith.muli %arg1, %mul3A_1 : i32
    "tpu.region"() ({
      %run_scoped3A = tpu.sem_alloc : memref<!tpu.dma_semaphore, #tpu.memory_space<semaphore_mem>>
      %dma_start3A_56 = arith.constant 0 : i32
      %dma_start3A_57 = tpu.memref_slice %arg12[%mul3A_2, %dma_start3A_56] : memref<100352x16xf32, #tpu.memory_space<vmem_shared>> -> memref<6272x16xf32, #tpu.memory_space<vmem_shared>>
      %dma_start3A_58 = arith.constant 0 : i32
      %dma_start3A_59 = tpu.memref_slice %arg4[%mul3A_0, %dma_start3A_58] : memref<100352x16xf32, #tpu.memory_space<hbm>> -> memref<6272x16xf32, #tpu.memory_space<hbm>>
      tpu.enqueue_dma source(%dma_start3A_59 : memref<6272x16xf32, #tpu.memory_space<hbm>>) target(%dma_start3A_57 : memref<6272x16xf32, #tpu.memory_space<vmem_shared>>) target_semaphore(%run_scoped3A : memref<!tpu.dma_semaphore, #tpu.memory_space<semaphore_mem>>)
      %dma_wait3A_60 = arith.constant 0 : i32
      %dma_wait3A_61 = tpu.memref_slice %arg12[%mul3A_2, %dma_wait3A_60] : memref<100352x16xf32, #tpu.memory_space<vmem_shared>> -> memref<6272x16xf32, #tpu.memory_space<vmem_shared>>
      %dma_wait3A_62 = arith.constant 0 : i32
      %dma_wait3A_63 = tpu.memref_slice %arg4[%mul3A_0, %dma_wait3A_62] : memref<100352x16xf32, #tpu.memory_space<hbm>> -> memref<6272x16xf32, #tpu.memory_space<hbm>>
      tpu.wait_dma2 semaphore(%run_scoped3A : memref<!tpu.dma_semaphore, #tpu.memory_space<semaphore_mem>>) src(%dma_wait3A_63 : memref<6272x16xf32, #tpu.memory_space<hbm>>) dst(%dma_wait3A_61 : memref<6272x16xf32, #tpu.memory_space<vmem_shared>>)
      tpu.yield
    }) : () -> ()
    %barrier3A = arith.constant 0 : index
    tpu.barrier barrier_id(%barrier3A)
    %mul3A_3 = arith.constant 16 : i32
    %mul3A_4 = arith.muli %arg0, %mul3A_3 : i32
    %add3A = arith.addi %mul3A_4, %arg1 : i32
    %mul3A_5 = arith.constant 50000 : i32
    %mul3A_6 = arith.muli %add3A, %mul3A_5 : i32
    %add3A_7 = arith.constant 0 : i32
    %add3A_8 = arith.addi %mul3A_6, %add3A_7 : i32
    %dma_start3A = arith.constant 0 : i32
    %dma_start3A_9 = tpu.memref_slice %arg2[%dma_start3A, %add3A_8] : memref<2x1600000xi32, #tpu.memory_space<hbm>> -> memref<1x400xi32, #tpu.memory_space<hbm>>
    %dma_start3A_10 = tpu.memref_squeeze %dma_start3A_9 : memref<1x400xi32, #tpu.memory_space<hbm>> -> memref<400xi32, #tpu.memory_space<hbm>>
    %dma_start3A_11 = tpu.memref_slice %arg2[%dma_start3A, %add3A_8] : memref<2x1600000xi32, #tpu.memory_space<hbm>> -> memref<1x400xi32, #tpu.memory_space<hbm>>
    %dma_start3A_12 = tpu.memref_squeeze %dma_start3A_11 : memref<1x400xi32, #tpu.memory_space<hbm>> -> memref<400xi32, #tpu.memory_space<hbm>>
    tpu.enqueue_dma source(%dma_start3A_12 : memref<400xi32, #tpu.memory_space<hbm>>) target(%arg6 : memref<400xi32, #tpu.memory_space<vmem>>) target_semaphore(%arg13 : memref<!tpu.dma_semaphore, #tpu.memory_space<semaphore_mem>>)
    %add3A_13 = arith.constant 0 : i32
    %add3A_14 = arith.addi %mul3A_6, %add3A_13 : i32
    %dma_start3A_15 = arith.constant 1 : i32
    %dma_start3A_16 = tpu.memref_slice %arg2[%dma_start3A_15, %add3A_14] : memref<2x1600000xi32, #tpu.memory_space<hbm>> -> memref<1x400xi32, #tpu.memory_space<hbm>>
    %dma_start3A_17 = tpu.memref_squeeze %dma_start3A_16 : memref<1x400xi32, #tpu.memory_space<hbm>> -> memref<400xi32, #tpu.memory_space<hbm>>
    %dma_start3A_18 = tpu.memref_slice %arg2[%dma_start3A_15, %add3A_14] : memref<2x1600000xi32, #tpu.memory_space<hbm>> -> memref<1x400xi32, #tpu.memory_space<hbm>>
    %dma_start3A_19 = tpu.memref_squeeze %dma_start3A_18 : memref<1x400xi32, #tpu.memory_space<hbm>> -> memref<400xi32, #tpu.memory_space<hbm>>
    tpu.enqueue_dma source(%dma_start3A_19 : memref<400xi32, #tpu.memory_space<hbm>>) target(%arg8 : memref<400xi32, #tpu.memory_space<vmem>>) target_semaphore(%arg13 : memref<!tpu.dma_semaphore, #tpu.memory_space<semaphore_mem>>)
    %dma_wait3A = arith.constant 0 : i32
    %dma_wait3A_20 = tpu.memref_slice %arg2[%dma_wait3A, %mul3A_6] : memref<2x1600000xi32, #tpu.memory_space<hbm>> -> memref<1x400xi32, #tpu.memory_space<hbm>>
    %dma_wait3A_21 = tpu.memref_squeeze %dma_wait3A_20 : memref<1x400xi32, #tpu.memory_space<hbm>> -> memref<400xi32, #tpu.memory_space<hbm>>
    %dma_wait3A_22 = tpu.memref_slice %arg2[%dma_wait3A, %mul3A_6] : memref<2x1600000xi32, #tpu.memory_space<hbm>> -> memref<1x400xi32, #tpu.memory_space<hbm>>
    %dma_wait3A_23 = tpu.memref_squeeze %dma_wait3A_22 : memref<1x400xi32, #tpu.memory_space<hbm>> -> memref<400xi32, #tpu.memory_space<hbm>>
    tpu.wait_dma2 semaphore(%arg13 : memref<!tpu.dma_semaphore, #tpu.memory_space<semaphore_mem>>) src(%dma_wait3A_23 : memref<400xi32, #tpu.memory_space<hbm>>) dst(%arg6 : memref<400xi32, #tpu.memory_space<vmem>>)
    %dma_wait3A_24 = arith.constant 1 : i32
    %dma_wait3A_25 = tpu.memref_slice %arg2[%dma_wait3A_24, %mul3A_6] : memref<2x1600000xi32, #tpu.memory_space<hbm>> -> memref<1x400xi32, #tpu.memory_space<hbm>>
    %dma_wait3A_26 = tpu.memref_squeeze %dma_wait3A_25 : memref<1x400xi32, #tpu.memory_space<hbm>> -> memref<400xi32, #tpu.memory_space<hbm>>
    %dma_wait3A_27 = tpu.memref_slice %arg2[%dma_wait3A_24, %mul3A_6] : memref<2x1600000xi32, #tpu.memory_space<hbm>> -> memref<1x400xi32, #tpu.memory_space<hbm>>
    %dma_wait3A_28 = tpu.memref_squeeze %dma_wait3A_27 : memref<1x400xi32, #tpu.memory_space<hbm>> -> memref<400xi32, #tpu.memory_space<hbm>>
    tpu.wait_dma2 semaphore(%arg13 : memref<!tpu.dma_semaphore, #tpu.memory_space<semaphore_mem>>) src(%dma_wait3A_28 : memref<400xi32, #tpu.memory_space<hbm>>) dst(%arg8 : memref<400xi32, #tpu.memory_space<vmem>>)
    %dma_start3A_29 = arith.constant 0 : i32
    %dma_start3A_30 = arith.constant 0 : i32
    %dma_start3A_31 = tpu.memref_slice %arg3[%dma_start3A_29, %dma_start3A_30] : memref<100352x16xf32, #tpu.memory_space<hbm>> -> memref<100352x16xf32, #tpu.memory_space<hbm>>
    tpu.enqueue_indirect_dma source(%dma_start3A_31 : memref<100352x16xf32, #tpu.memory_space<hbm>>) target(%arg10 : memref<400x16xf32, #tpu.memory_space<vmem>>) offsets(%arg6 : memref<400xi32, #tpu.memory_space<vmem>>) semaphore(%arg15 : memref<!tpu.dma_semaphore, #tpu.memory_space<semaphore_mem>>)
    %add3A_32 = arith.constant 400 : i32
    %add3A_33 = arith.addi %mul3A_6, %add3A_32 : i32
    %dma_start3A_34 = arith.constant 0 : i32
    %dma_start3A_35 = tpu.memref_slice %arg2[%dma_start3A_34, %add3A_33] : memref<2x1600000xi32, #tpu.memory_space<hbm>> -> memref<1x400xi32, #tpu.memory_space<hbm>>
    %dma_start3A_36 = tpu.memref_squeeze %dma_start3A_35 : memref<1x400xi32, #tpu.memory_space<hbm>> -> memref<400xi32, #tpu.memory_space<hbm>>
    %dma_start3A_37 = tpu.memref_slice %arg2[%dma_start3A_34, %add3A_33] : memref<2x1600000xi32, #tpu.memory_space<hbm>> -> memref<1x400xi32, #tpu.memory_space<hbm>>
    %dma_start3A_38 = tpu.memref_squeeze %dma_start3A_37 : memref<1x400xi32, #tpu.memory_space<hbm>> -> memref<400xi32, #tpu.memory_space<hbm>>
    tpu.enqueue_dma source(%dma_start3A_38 : memref<400xi32, #tpu.memory_space<hbm>>) target(%arg7 : memref<400xi32, #tpu.memory_space<vmem>>) target_semaphore(%arg14 : memref<!tpu.dma_semaphore, #tpu.memory_space<semaphore_mem>>)
    %add3A_39 = arith.constant 400 : i32
    %add3A_40 = arith.addi %mul3A_6, %add3A_39 : i32
    %dma_start3A_41 = arith.constant 1 : i32
    %dma_start3A_42 = tpu.memref_slice %arg2[%dma_start3A_41, %add3A_40] : memref<2x1600000xi32, #tpu.memory_space<hbm>> -> memref<1x400xi32, #tpu.memory_space<hbm>>
    %dma_start3A_43 = tpu.memref_squeeze %dma_start3A_42 : memref<1x400xi32, #tpu.memory_space<hbm>> -> memref<400xi32, #tpu.memory_space<hbm>>
    %dma_start3A_44 = tpu.memref_slice %arg2[%dma_start3A_41, %add3A_40] : memref<2x1600000xi32, #tpu.memory_space<hbm>> -> memref<1x400xi32, #tpu.memory_space<hbm>>
    %dma_start3A_45 = tpu.memref_squeeze %dma_start3A_44 : memref<1x400xi32, #tpu.memory_space<hbm>> -> memref<400xi32, #tpu.memory_space<hbm>>
    tpu.enqueue_dma source(%dma_start3A_45 : memref<400xi32, #tpu.memory_space<hbm>>) target(%arg9 : memref<400xi32, #tpu.memory_space<vmem>>) target_semaphore(%arg14 : memref<!tpu.dma_semaphore, #tpu.memory_space<semaphore_mem>>)
    %scan3A = arith.constant 0 : i32
    %scan3A_46 = arith.constant 0 : i32
    %scan3A_47 = arith.constant 125 : i32
    %scan3A_48 = arith.addi %scan3A_46, %scan3A_47 : i32
    %scan3A_49 = arith.constant 1 : i32
    scf.for %scan3A_56 = %scan3A_46 to %scan3A_48 step %scan3A_49  : i32 {
      %jit3A = arith.constant 2 : i32
      %eq3A = arith.constant 0 : i32
      %eq3A_57 = arith.cmpi eq, %jit3A, %eq3A : i32
      %jit3A_58 = arith.constant 1 : i32
      %select_n3A = arith.select %eq3A_57, %jit3A_58, %jit3A : i32
      %rem3A = arith.remsi %scan3A_56, %select_n3A : i32
      %ne3A = arith.constant 0 : i32
      %ne3A_59 = arith.cmpi ne, %rem3A, %ne3A : i32
      %lt3A = arith.constant 0 : i32
      %lt3A_60 = arith.cmpi slt, %rem3A, %lt3A : i32
      %lt3A_61 = arith.constant 0 : i32
      %lt3A_62 = arith.cmpi slt, %select_n3A, %lt3A_61 : i32
      %ne3A_63 = arith.xori %lt3A_60, %lt3A_62 : i1
      %and3A = arith.andi %ne3A_63, %ne3A_59 : i1
      %add3A_64 = arith.addi %rem3A, %select_n3A : i32
      %select_n3A_65 = arith.select %and3A, %add3A_64, %rem3A : i32
      %eq3A_66 = arith.constant 0 : i32
      %eq3A_67 = arith.cmpi eq, %select_n3A_65, %eq3A_66 : i32
      %convert_element_type3A = arith.extui %eq3A_67 : i1 to i32
      %cond3A = arith.constant 0 : i32
      %cond3A_68 = arith.cmpi ne, %convert_element_type3A, %cond3A : i32
      scf.if %cond3A_68 {
        %add3A_69 = arith.constant 1 : i32
        %add3A_70 = arith.addi %scan3A_56, %add3A_69 : i32
        %lt3A_71 = arith.constant 125 : i32
        %lt3A_72 = arith.cmpi slt, %add3A_70, %lt3A_71 : i32
        %convert_element_type3A_73 = arith.extui %lt3A_72 : i1 to i32
        %cond3A_74 = arith.constant 0 : i32
        %cond3A_75 = arith.cmpi ne, %convert_element_type3A_73, %cond3A_74 : i32
        scf.if %cond3A_75 {
          %dma_wait3A_93 = arith.constant 0 : i32
          %dma_wait3A_94 = tpu.memref_slice %arg2[%dma_wait3A_93, %mul3A_6] : memref<2x1600000xi32, #tpu.memory_space<hbm>> -> memref<1x400xi32, #tpu.memory_space<hbm>>
          %dma_wait3A_95 = tpu.memref_squeeze %dma_wait3A_94 : memref<1x400xi32, #tpu.memory_space<hbm>> -> memref<400xi32, #tpu.memory_space<hbm>>
          %dma_wait3A_96 = tpu.memref_slice %arg2[%dma_wait3A_93, %mul3A_6] : memref<2x1600000xi32, #tpu.memory_space<hbm>> -> memref<1x400xi32, #tpu.memory_space<hbm>>
          %dma_wait3A_97 = tpu.memref_squeeze %dma_wait3A_96 : memref<1x400xi32, #tpu.memory_space<hbm>> -> memref<400xi32, #tpu.memory_space<hbm>>
          tpu.wait_dma2 semaphore(%arg14 : memref<!tpu.dma_semaphore, #tpu.memory_space<semaphore_mem>>) src(%dma_wait3A_97 : memref<400xi32, #tpu.memory_space<hbm>>) dst(%arg7 : memref<400xi32, #tpu.memory_space<vmem>>)
          %dma_wait3A_98 = arith.constant 1 : i32
          %dma_wait3A_99 = tpu.memref_slice %arg2[%dma_wait3A_98, %mul3A_6] : memref<2x1600000xi32, #tpu.memory_space<hbm>> -> memref<1x400xi32, #tpu.memory_space<hbm>>
          %dma_wait3A_100 = tpu.memref_squeeze %dma_wait3A_99 : memref<1x400xi32, #tpu.memory_space<hbm>> -> memref<400xi32, #tpu.memory_space<hbm>>
          %dma_wait3A_101 = tpu.memref_slice %arg2[%dma_wait3A_98, %mul3A_6] : memref<2x1600000xi32, #tpu.memory_space<hbm>> -> memref<1x400xi32, #tpu.memory_space<hbm>>
          %dma_wait3A_102 = tpu.memref_squeeze %dma_wait3A_101 : memref<1x400xi32, #tpu.memory_space<hbm>> -> memref<400xi32, #tpu.memory_space<hbm>>
          tpu.wait_dma2 semaphore(%arg14 : memref<!tpu.dma_semaphore, #tpu.memory_space<semaphore_mem>>) src(%dma_wait3A_102 : memref<400xi32, #tpu.memory_space<hbm>>) dst(%arg9 : memref<400xi32, #tpu.memory_space<vmem>>)
        } else {
        }
        %dma_wait3A_76 = arith.constant 0 : i32
        %dma_wait3A_77 = arith.constant 0 : i32
        %dma_wait3A_78 = tpu.memref_slice %arg3[%dma_wait3A_76, %dma_wait3A_77] : memref<100352x16xf32, #tpu.memory_space<hbm>> -> memref<100352x16xf32, #tpu.memory_space<hbm>>
        tpu.wait_indirect_dma semaphore(%arg15 : memref<!tpu.dma_semaphore, #tpu.memory_space<semaphore_mem>>) src(%dma_wait3A_78 : memref<100352x16xf32, #tpu.memory_space<hbm>>) dst(%arg10 : memref<400x16xf32, #tpu.memory_space<vmem>>)
        %add3A_79 = arith.constant 1 : i32
        %add3A_80 = arith.addi %scan3A_56, %add3A_79 : i32
        %lt3A_81 = arith.constant 125 : i32
        %lt3A_82 = arith.cmpi slt, %add3A_80, %lt3A_81 : i32
        %convert_element_type3A_83 = arith.extui %lt3A_82 : i1 to i32
        %cond3A_84 = arith.constant 0 : i32
        %cond3A_85 = arith.cmpi ne, %convert_element_type3A_83, %cond3A_84 : i32
        scf.if %cond3A_85 {
          %dma_start3A_93 = arith.constant 0 : i32
          %dma_start3A_94 = arith.constant 0 : i32
          %dma_start3A_95 = tpu.memref_slice %arg3[%dma_start3A_93, %dma_start3A_94] : memref<100352x16xf32, #tpu.memory_space<hbm>> -> memref<100352x16xf32, #tpu.memory_space<hbm>>
          tpu.enqueue_indirect_dma source(%dma_start3A_95 : memref<100352x16xf32, #tpu.memory_space<hbm>>) target(%arg11 : memref<400x16xf32, #tpu.memory_space<vmem>>) offsets(%arg7 : memref<400xi32, #tpu.memory_space<vmem>>) semaphore(%arg16 : memref<!tpu.dma_semaphore, #tpu.memory_space<semaphore_mem>>)
        } else {
        }
        "tpu.region"() ({
          %run_scoped3A = tpu.sem_alloc : memref<!tpu.dma_semaphore, #tpu.memory_space<semaphore_mem>>
          %dma_start3A_93 = arith.constant 0 : i32
          %dma_start3A_94 = arith.constant 0 : i32
          %dma_start3A_95 = tpu.memref_slice %arg12[%dma_start3A_93, %dma_start3A_94] : memref<100352x16xf32, #tpu.memory_space<vmem_shared>> -> memref<100352x16xf32, #tpu.memory_space<vmem_shared>>
          tpu.enqueue_indirect_dma source(%arg10 : memref<400x16xf32, #tpu.memory_space<vmem>>) target(%dma_start3A_95 : memref<100352x16xf32, #tpu.memory_space<vmem_shared>>) offsets(%arg8 : memref<400xi32, #tpu.memory_space<vmem>>) semaphore(%run_scoped3A : memref<!tpu.dma_semaphore, #tpu.memory_space<semaphore_mem>>) {add = true}
          %dma_wait3A_96 = arith.constant 0 : i32
          %dma_wait3A_97 = arith.constant 0 : i32
          %dma_wait3A_98 = tpu.memref_slice %arg12[%dma_wait3A_96, %dma_wait3A_97] : memref<100352x16xf32, #tpu.memory_space<vmem_shared>> -> memref<100352x16xf32, #tpu.memory_space<vmem_shared>>
          tpu.wait_indirect_dma semaphore(%run_scoped3A : memref<!tpu.dma_semaphore, #tpu.memory_space<semaphore_mem>>) src(%arg10 : memref<400x16xf32, #tpu.memory_space<vmem>>) dst(%dma_wait3A_98 : memref<100352x16xf32, #tpu.memory_space<vmem_shared>>)
          tpu.yield
        }) : () -> ()
        %add3A_86 = arith.constant 2 : i32
        %add3A_87 = arith.addi %scan3A_56, %add3A_86 : i32
        %lt3A_88 = arith.constant 125 : i32
        %lt3A_89 = arith.cmpi slt, %add3A_87, %lt3A_88 : i32
        %convert_element_type3A_90 = arith.extui %lt3A_89 : i1 to i32
        %cond3A_91 = arith.constant 0 : i32
        %cond3A_92 = arith.cmpi ne, %convert_element_type3A_90, %cond3A_91 : i32
        scf.if %cond3A_92 {
          %add3A_93 = arith.constant 2 : i32
          %add3A_94 = arith.addi %scan3A_56, %add3A_93 : i32
          %mul3A_95 = arith.constant 400 : i32
          %mul3A_96 = arith.muli %add3A_94, %mul3A_95 : i32
          %add3A_97 = arith.addi %mul3A_6, %mul3A_96 : i32
          %dma_start3A_98 = arith.constant 0 : i32
          %dma_start3A_99 = tpu.memref_slice %arg2[%dma_start3A_98, %add3A_97] : memref<2x1600000xi32, #tpu.memory_space<hbm>> -> memref<1x400xi32, #tpu.memory_space<hbm>>
          %dma_start3A_100 = tpu.memref_squeeze %dma_start3A_99 : memref<1x400xi32, #tpu.memory_space<hbm>> -> memref<400xi32, #tpu.memory_space<hbm>>
          %dma_start3A_101 = tpu.memref_slice %arg2[%dma_start3A_98, %add3A_97] : memref<2x1600000xi32, #tpu.memory_space<hbm>> -> memref<1x400xi32, #tpu.memory_space<hbm>>
          %dma_start3A_102 = tpu.memref_squeeze %dma_start3A_101 : memref<1x400xi32, #tpu.memory_space<hbm>> -> memref<400xi32, #tpu.memory_space<hbm>>
          tpu.enqueue_dma source(%dma_start3A_102 : memref<400xi32, #tpu.memory_space<hbm>>) target(%arg6 : memref<400xi32, #tpu.memory_space<vmem>>) target_semaphore(%arg13 : memref<!tpu.dma_semaphore, #tpu.memory_space<semaphore_mem>>)
          %mul3A_103 = arith.constant 400 : i32
          %mul3A_104 = arith.muli %add3A_94, %mul3A_103 : i32
          %add3A_105 = arith.addi %mul3A_6, %mul3A_104 : i32
          %dma_start3A_106 = arith.constant 1 : i32
          %dma_start3A_107 = tpu.memref_slice %arg2[%dma_start3A_106, %add3A_105] : memref<2x1600000xi32, #tpu.memory_space<hbm>> -> memref<1x400xi32, #tpu.memory_space<hbm>>
          %dma_start3A_108 = tpu.memref_squeeze %dma_start3A_107 : memref<1x400xi32, #tpu.memory_space<hbm>> -> memref<400xi32, #tpu.memory_space<hbm>>
          %dma_start3A_109 = tpu.memref_slice %arg2[%dma_start3A_106, %add3A_105] : memref<2x1600000xi32, #tpu.memory_space<hbm>> -> memref<1x400xi32, #tpu.memory_space<hbm>>
          %dma_start3A_110 = tpu.memref_squeeze %dma_start3A_109 : memref<1x400xi32, #tpu.memory_space<hbm>> -> memref<400xi32, #tpu.memory_space<hbm>>
          tpu.enqueue_dma source(%dma_start3A_110 : memref<400xi32, #tpu.memory_space<hbm>>) target(%arg8 : memref<400xi32, #tpu.memory_space<vmem>>) target_semaphore(%arg13 : memref<!tpu.dma_semaphore, #tpu.memory_space<semaphore_mem>>)
        } else {
        }
      } else {
        %add3A_69 = arith.constant 1 : i32
        %add3A_70 = arith.addi %scan3A_56, %add3A_69 : i32
        %lt3A_71 = arith.constant 125 : i32
        %lt3A_72 = arith.cmpi slt, %add3A_70, %lt3A_71 : i32
        %convert_element_type3A_73 = arith.extui %lt3A_72 : i1 to i32
        %cond3A_74 = arith.constant 0 : i32
        %cond3A_75 = arith.cmpi ne, %convert_element_type3A_73, %cond3A_74 : i32
        scf.if %cond3A_75 {
          %dma_wait3A_93 = arith.constant 0 : i32
          %dma_wait3A_94 = tpu.memref_slice %arg2[%dma_wait3A_93, %mul3A_6] : memref<2x1600000xi32, #tpu.memory_space<hbm>> -> memref<1x400xi32, #tpu.memory_space<hbm>>
          %dma_wait3A_95 = tpu.memref_squeeze %dma_wait3A_94 : memref<1x400xi32, #tpu.memory_space<hbm>> -> memref<400xi32, #tpu.memory_space<hbm>>
          %dma_wait3A_96 = tpu.memref_slice %arg2[%dma_wait3A_93, %mul3A_6] : memref<2x1600000xi32, #tpu.memory_space<hbm>> -> memref<1x400xi32, #tpu.memory_space<hbm>>
          %dma_wait3A_97 = tpu.memref_squeeze %dma_wait3A_96 : memref<1x400xi32, #tpu.memory_space<hbm>> -> memref<400xi32, #tpu.memory_space<hbm>>
          tpu.wait_dma2 semaphore(%arg13 : memref<!tpu.dma_semaphore, #tpu.memory_space<semaphore_mem>>) src(%dma_wait3A_97 : memref<400xi32, #tpu.memory_space<hbm>>) dst(%arg6 : memref<400xi32, #tpu.memory_space<vmem>>)
          %dma_wait3A_98 = arith.constant 1 : i32
          %dma_wait3A_99 = tpu.memref_slice %arg2[%dma_wait3A_98, %mul3A_6] : memref<2x1600000xi32, #tpu.memory_space<hbm>> -> memref<1x400xi32, #tpu.memory_space<hbm>>
          %dma_wait3A_100 = tpu.memref_squeeze %dma_wait3A_99 : memref<1x400xi32, #tpu.memory_space<hbm>> -> memref<400xi32, #tpu.memory_space<hbm>>
          %dma_wait3A_101 = tpu.memref_slice %arg2[%dma_wait3A_98, %mul3A_6] : memref<2x1600000xi32, #tpu.memory_space<hbm>> -> memref<1x400xi32, #tpu.memory_space<hbm>>
          %dma_wait3A_102 = tpu.memref_squeeze %dma_wait3A_101 : memref<1x400xi32, #tpu.memory_space<hbm>> -> memref<400xi32, #tpu.memory_space<hbm>>
          tpu.wait_dma2 semaphore(%arg13 : memref<!tpu.dma_semaphore, #tpu.memory_space<semaphore_mem>>) src(%dma_wait3A_102 : memref<400xi32, #tpu.memory_space<hbm>>) dst(%arg8 : memref<400xi32, #tpu.memory_space<vmem>>)
        } else {
        }
        %dma_wait3A_76 = arith.constant 0 : i32
        %dma_wait3A_77 = arith.constant 0 : i32
        %dma_wait3A_78 = tpu.memref_slice %arg3[%dma_wait3A_76, %dma_wait3A_77] : memref<100352x16xf32, #tpu.memory_space<hbm>> -> memref<100352x16xf32, #tpu.memory_space<hbm>>
        tpu.wait_indirect_dma semaphore(%arg16 : memref<!tpu.dma_semaphore, #tpu.memory_space<semaphore_mem>>) src(%dma_wait3A_78 : memref<100352x16xf32, #tpu.memory_space<hbm>>) dst(%arg11 : memref<400x16xf32, #tpu.memory_space<vmem>>)
        %add3A_79 = arith.constant 1 : i32
        %add3A_80 = arith.addi %scan3A_56, %add3A_79 : i32
        %lt3A_81 = arith.constant 125 : i32
        %lt3A_82 = arith.cmpi slt, %add3A_80, %lt3A_81 : i32
        %convert_element_type3A_83 = arith.extui %lt3A_82 : i1 to i32
        %cond3A_84 = arith.constant 0 : i32
        %cond3A_85 = arith.cmpi ne, %convert_element_type3A_83, %cond3A_84 : i32
        scf.if %cond3A_85 {
          %dma_start3A_93 = arith.constant 0 : i32
          %dma_start3A_94 = arith.constant 0 : i32
          %dma_start3A_95 = tpu.memref_slice %arg3[%dma_start3A_93, %dma_start3A_94] : memref<100352x16xf32, #tpu.memory_space<hbm>> -> memref<100352x16xf32, #tpu.memory_space<hbm>>
          tpu.enqueue_indirect_dma source(%dma_start3A_95 : memref<100352x16xf32, #tpu.memory_space<hbm>>) target(%arg10 : memref<400x16xf32, #tpu.memory_space<vmem>>) offsets(%arg6 : memref<400xi32, #tpu.memory_space<vmem>>) semaphore(%arg15 : memref<!tpu.dma_semaphore, #tpu.memory_space<semaphore_mem>>)
        } else {
        }
        "tpu.region"() ({
          %run_scoped3A = tpu.sem_alloc : memref<!tpu.dma_semaphore, #tpu.memory_space<semaphore_mem>>
          %dma_start3A_93 = arith.constant 0 : i32
          %dma_start3A_94 = arith.constant 0 : i32
          %dma_start3A_95 = tpu.memref_slice %arg12[%dma_start3A_93, %dma_start3A_94] : memref<100352x16xf32, #tpu.memory_space<vmem_shared>> -> memref<100352x16xf32, #tpu.memory_space<vmem_shared>>
          tpu.enqueue_indirect_dma source(%arg11 : memref<400x16xf32, #tpu.memory_space<vmem>>) target(%dma_start3A_95 : memref<100352x16xf32, #tpu.memory_space<vmem_shared>>) offsets(%arg9 : memref<400xi32, #tpu.memory_space<vmem>>) semaphore(%run_scoped3A : memref<!tpu.dma_semaphore, #tpu.memory_space<semaphore_mem>>) {add = true}
          %dma_wait3A_96 = arith.constant 0 : i32
          %dma_wait3A_97 = arith.constant 0 : i32
          %dma_wait3A_98 = tpu.memref_slice %arg12[%dma_wait3A_96, %dma_wait3A_97] : memref<100352x16xf32, #tpu.memory_space<vmem_shared>> -> memref<100352x16xf32, #tpu.memory_space<vmem_shared>>
          tpu.wait_indirect_dma semaphore(%run_scoped3A : memref<!tpu.dma_semaphore, #tpu.memory_space<semaphore_mem>>) src(%arg11 : memref<400x16xf32, #tpu.memory_space<vmem>>) dst(%dma_wait3A_98 : memref<100352x16xf32, #tpu.memory_space<vmem_shared>>)
          tpu.yield
        }) : () -> ()
        %add3A_86 = arith.constant 2 : i32
        %add3A_87 = arith.addi %scan3A_56, %add3A_86 : i32
        %lt3A_88 = arith.constant 125 : i32
        %lt3A_89 = arith.cmpi slt, %add3A_87, %lt3A_88 : i32
        %convert_element_type3A_90 = arith.extui %lt3A_89 : i1 to i32
        %cond3A_91 = arith.constant 0 : i32
        %cond3A_92 = arith.cmpi ne, %convert_element_type3A_90, %cond3A_91 : i32
        scf.if %cond3A_92 {
          %add3A_93 = arith.constant 2 : i32
          %add3A_94 = arith.addi %scan3A_56, %add3A_93 : i32
          %mul3A_95 = arith.constant 400 : i32
          %mul3A_96 = arith.muli %add3A_94, %mul3A_95 : i32
          %add3A_97 = arith.addi %mul3A_6, %mul3A_96 : i32
          %dma_start3A_98 = arith.constant 0 : i32
          %dma_start3A_99 = tpu.memref_slice %arg2[%dma_start3A_98, %add3A_97] : memref<2x1600000xi32, #tpu.memory_space<hbm>> -> memref<1x400xi32, #tpu.memory_space<hbm>>
          %dma_start3A_100 = tpu.memref_squeeze %dma_start3A_99 : memref<1x400xi32, #tpu.memory_space<hbm>> -> memref<400xi32, #tpu.memory_space<hbm>>
          %dma_start3A_101 = tpu.memref_slice %arg2[%dma_start3A_98, %add3A_97] : memref<2x1600000xi32, #tpu.memory_space<hbm>> -> memref<1x400xi32, #tpu.memory_space<hbm>>
          %dma_start3A_102 = tpu.memref_squeeze %dma_start3A_101 : memref<1x400xi32, #tpu.memory_space<hbm>> -> memref<400xi32, #tpu.memory_space<hbm>>
          tpu.enqueue_dma source(%dma_start3A_102 : memref<400xi32, #tpu.memory_space<hbm>>) target(%arg7 : memref<400xi32, #tpu.memory_space<vmem>>) target_semaphore(%arg14 : memref<!tpu.dma_semaphore, #tpu.memory_space<semaphore_mem>>)
          %mul3A_103 = arith.constant 400 : i32
          %mul3A_104 = arith.muli %add3A_94, %mul3A_103 : i32
          %add3A_105 = arith.addi %mul3A_6, %mul3A_104 : i32
          %dma_start3A_106 = arith.constant 1 : i32
          %dma_start3A_107 = tpu.memref_slice %arg2[%dma_start3A_106, %add3A_105] : memref<2x1600000xi32, #tpu.memory_space<hbm>> -> memref<1x400xi32, #tpu.memory_space<hbm>>
          %dma_start3A_108 = tpu.memref_squeeze %dma_start3A_107 : memref<1x400xi32, #tpu.memory_space<hbm>> -> memref<400xi32, #tpu.memory_space<hbm>>
          %dma_start3A_109 = tpu.memref_slice %arg2[%dma_start3A_106, %add3A_105] : memref<2x1600000xi32, #tpu.memory_space<hbm>> -> memref<1x400xi32, #tpu.memory_space<hbm>>
          %dma_start3A_110 = tpu.memref_squeeze %dma_start3A_109 : memref<1x400xi32, #tpu.memory_space<hbm>> -> memref<400xi32, #tpu.memory_space<hbm>>
          tpu.enqueue_dma source(%dma_start3A_110 : memref<400xi32, #tpu.memory_space<hbm>>) target(%arg9 : memref<400xi32, #tpu.memory_space<vmem>>) target_semaphore(%arg14 : memref<!tpu.dma_semaphore, #tpu.memory_space<semaphore_mem>>)
        } else {
        }
      }
    }
    %scan3A_50 = arith.constant 125 : i32
    %barrier3A_51 = arith.constant 0 : index
    tpu.barrier barrier_id(%barrier3A_51)
    %mul3A_52 = arith.constant 6272 : i32
    %mul3A_53 = arith.muli %arg1, %mul3A_52 : i32
    %mul3A_54 = arith.constant 6272 : i32
    %mul3A_55 = arith.muli %arg1, %mul3A_54 : i32
    "tpu.region"() ({
      %run_scoped3A = tpu.sem_alloc : memref<!tpu.dma_semaphore, #tpu.memory_space<semaphore_mem>>
      %dma_start3A_56 = arith.constant 0 : i32
      %dma_start3A_57 = tpu.memref_slice %arg5[%arg0, %mul3A_55, %dma_start3A_56] : memref<2x100352x16xf32, #tpu.memory_space<hbm>> -> memref<1x6272x16xf32, #tpu.memory_space<hbm>>
      %dma_start3A_58 = tpu.memref_squeeze %dma_start3A_57 : memref<1x6272x16xf32, #tpu.memory_space<hbm>> -> memref<6272x16xf32, #tpu.memory_space<hbm>>
      %dma_start3A_59 = arith.constant 0 : i32
      %dma_start3A_60 = tpu.memref_slice %arg12[%mul3A_53, %dma_start3A_59] : memref<100352x16xf32, #tpu.memory_space<vmem_shared>> -> memref<6272x16xf32, #tpu.memory_space<vmem_shared>>
      tpu.enqueue_dma source(%dma_start3A_60 : memref<6272x16xf32, #tpu.memory_space<vmem_shared>>) target(%dma_start3A_58 : memref<6272x16xf32, #tpu.memory_space<hbm>>) target_semaphore(%run_scoped3A : memref<!tpu.dma_semaphore, #tpu.memory_space<semaphore_mem>>)
      %dma_wait3A_61 = arith.constant 0 : i32
      %dma_wait3A_62 = tpu.memref_slice %arg5[%arg0, %mul3A_55, %dma_wait3A_61] : memref<2x100352x16xf32, #tpu.memory_space<hbm>> -> memref<1x6272x16xf32, #tpu.memory_space<hbm>>
      %dma_wait3A_63 = tpu.memref_squeeze %dma_wait3A_62 : memref<1x6272x16xf32, #tpu.memory_space<hbm>> -> memref<6272x16xf32, #tpu.memory_space<hbm>>
      %dma_wait3A_64 = arith.constant 0 : i32
      %dma_wait3A_65 = tpu.memref_slice %arg12[%mul3A_53, %dma_wait3A_64] : memref<100352x16xf32, #tpu.memory_space<vmem_shared>> -> memref<6272x16xf32, #tpu.memory_space<vmem_shared>>
      tpu.wait_dma2 semaphore(%run_scoped3A : memref<!tpu.dma_semaphore, #tpu.memory_space<semaphore_mem>>) src(%dma_wait3A_65 : memref<6272x16xf32, #tpu.memory_space<vmem_shared>>) dst(%dma_wait3A_63 : memref<6272x16xf32, #tpu.memory_space<hbm>>)
      tpu.yield
    }) : () -> ()
    return
  }
}

#map = affine_map<(d0, d1) -> (0, 0)>
#map1 = affine_map<(d0, d1) -> (0)>
module attributes {stable_mosaic.version = 14 : i64} {
  func.func @_deg_body(%arg0: i32, %arg1: i32, %arg2: memref<2x1600000xi32, #tpu.memory_space<hbm>>, %arg3: memref<100352xf32, #tpu.memory_space<hbm>>, %arg4: memref<2x100352xf32, #tpu.memory_space<hbm>>, %arg5: memref<1000xi32, #tpu.memory_space<vmem>>, %arg6: memref<1000xi32, #tpu.memory_space<vmem>>, %arg7: memref<1000xf32, #tpu.memory_space<vmem>>, %arg8: memref<100352xf32, #tpu.memory_space<vmem_shared>>, %arg9: memref<!tpu.dma_semaphore, #tpu.memory_space<semaphore_mem>>, %arg10: memref<!tpu.dma_semaphore, #tpu.memory_space<semaphore_mem>>) attributes {dimension_semantics = [#tpu.dimension_semantics<core_parallel>, #tpu.dimension_semantics<subcore_parallel>], iteration_bounds = array<i64: 2, 16>, scalar_prefetch = 0 : i64, scratch_operands = 6 : i64, tpu.core_type = #tpu.core_type<sc_vector_subcore>, window_params = [{transform_indices = #map}, {transform_indices = #map1}, {transform_indices = #map}]} {
    %scan3A = arith.constant 0 : i32
    %scan3A_0 = arith.constant 0 : i32
    %scan3A_1 = arith.constant 62 : i32
    %scan3A_2 = arith.addi %scan3A_0, %scan3A_1 : i32
    %scan3A_3 = arith.constant 1 : i32
    scf.for %scan3A_27 = %scan3A_0 to %scan3A_2 step %scan3A_3  : i32 {
      %broadcast_in_dim3A = arith.constant 1.000000e+00 : f32
      %broadcast_in_dim3A_28 = vector.broadcast %broadcast_in_dim3A : f32 to vector<16xf32>
      %mul3A_29 = arith.constant 16 : i32
      %mul3A_30 = arith.muli %scan3A_27, %mul3A_29 : i32
      %swap3A = arith.index_cast %mul3A_30 : i32 to index
      %swap3A_31 = tpu.vector_load %arg7[%swap3A] {strides = array<i32>} : memref<1000xf32, #tpu.memory_space<vmem>>, vector<16xf32>,
      %swap3A_32 = vector.shape_cast %swap3A_31 : vector<16xf32> to vector<16xf32>
      %swap3A_33 = vector.shape_cast %broadcast_in_dim3A_28 : vector<16xf32> to vector<16xf32>
      tpu.vector_store %arg7[%swap3A], %swap3A_33 {strides = array<i32>} : memref<1000xf32, #tpu.memory_space<vmem>>, vector<16xf32>,
    }
    %scan3A_4 = arith.constant 62 : i32
    %mul3A = arith.constant 6272 : i32
    %mul3A_5 = arith.muli %arg1, %mul3A : i32
    %mul3A_6 = arith.constant 6272 : i32
    %mul3A_7 = arith.muli %arg1, %mul3A_6 : i32
    "tpu.region"() ({
      %run_scoped3A = tpu.sem_alloc : memref<!tpu.dma_semaphore, #tpu.memory_space<semaphore_mem>>
      %dma_start3A_27 = tpu.memref_slice %arg8[%mul3A_7] : memref<100352xf32, #tpu.memory_space<vmem_shared>> -> memref<6272xf32, #tpu.memory_space<vmem_shared>>
      %dma_start3A_28 = tpu.memref_slice %arg3[%mul3A_5] : memref<100352xf32, #tpu.memory_space<hbm>> -> memref<6272xf32, #tpu.memory_space<hbm>>
      tpu.enqueue_dma source(%dma_start3A_28 : memref<6272xf32, #tpu.memory_space<hbm>>) target(%dma_start3A_27 : memref<6272xf32, #tpu.memory_space<vmem_shared>>) target_semaphore(%run_scoped3A : memref<!tpu.dma_semaphore, #tpu.memory_space<semaphore_mem>>)
      %dma_wait3A = tpu.memref_slice %arg8[%mul3A_7] : memref<100352xf32, #tpu.memory_space<vmem_shared>> -> memref<6272xf32, #tpu.memory_space<vmem_shared>>
      %dma_wait3A_29 = tpu.memref_slice %arg3[%mul3A_5] : memref<100352xf32, #tpu.memory_space<hbm>> -> memref<6272xf32, #tpu.memory_space<hbm>>
      tpu.wait_dma2 semaphore(%run_scoped3A : memref<!tpu.dma_semaphore, #tpu.memory_space<semaphore_mem>>) src(%dma_wait3A_29 : memref<6272xf32, #tpu.memory_space<hbm>>) dst(%dma_wait3A : memref<6272xf32, #tpu.memory_space<vmem_shared>>)
      tpu.yield
    }) : () -> ()
    %barrier3A = arith.constant 0 : index
    tpu.barrier barrier_id(%barrier3A)
    %mul3A_8 = arith.constant 16 : i32
    %mul3A_9 = arith.muli %arg0, %mul3A_8 : i32
    %add3A = arith.addi %mul3A_9, %arg1 : i32
    %mul3A_10 = arith.constant 50000 : i32
    %mul3A_11 = arith.muli %add3A, %mul3A_10 : i32
    %dma_start3A = arith.constant 1 : i32
    %dma_start3A_12 = tpu.memref_slice %arg2[%dma_start3A, %mul3A_11] : memref<2x1600000xi32, #tpu.memory_space<hbm>> -> memref<1x1000xi32, #tpu.memory_space<hbm>>
    %dma_start3A_13 = tpu.memref_squeeze %dma_start3A_12 : memref<1x1000xi32, #tpu.memory_space<hbm>> -> memref<1000xi32, #tpu.memory_space<hbm>>
    %dma_start3A_14 = tpu.memref_slice %arg2[%dma_start3A, %mul3A_11] : memref<2x1600000xi32, #tpu.memory_space<hbm>> -> memref<1x1000xi32, #tpu.memory_space<hbm>>
    %dma_start3A_15 = tpu.memref_squeeze %dma_start3A_14 : memref<1x1000xi32, #tpu.memory_space<hbm>> -> memref<1000xi32, #tpu.memory_space<hbm>>
    tpu.enqueue_dma source(%dma_start3A_15 : memref<1000xi32, #tpu.memory_space<hbm>>) target(%arg5 : memref<1000xi32, #tpu.memory_space<vmem>>) target_semaphore(%arg9 : memref<!tpu.dma_semaphore, #tpu.memory_space<semaphore_mem>>)
    %scan3A_16 = arith.constant 0 : i32
    %scan3A_17 = arith.constant 0 : i32
    %scan3A_18 = arith.constant 50 : i32
    %scan3A_19 = arith.addi %scan3A_17, %scan3A_18 : i32
    %scan3A_20 = arith.constant 1 : i32
    scf.for %scan3A_27 = %scan3A_17 to %scan3A_19 step %scan3A_20  : i32 {
      %jit3A = arith.constant 2 : i32
      %eq3A = arith.constant 0 : i32
      %eq3A_28 = arith.cmpi eq, %jit3A, %eq3A : i32
      %jit3A_29 = arith.constant 1 : i32
      %select_n3A = arith.select %eq3A_28, %jit3A_29, %jit3A : i32
      %rem3A = arith.remsi %scan3A_27, %select_n3A : i32
      %ne3A = arith.constant 0 : i32
      %ne3A_30 = arith.cmpi ne, %rem3A, %ne3A : i32
      %lt3A = arith.constant 0 : i32
      %lt3A_31 = arith.cmpi slt, %rem3A, %lt3A : i32
      %lt3A_32 = arith.constant 0 : i32
      %lt3A_33 = arith.cmpi slt, %select_n3A, %lt3A_32 : i32
      %ne3A_34 = arith.xori %lt3A_31, %lt3A_33 : i1
      %and3A = arith.andi %ne3A_34, %ne3A_30 : i1
      %add3A_35 = arith.addi %rem3A, %select_n3A : i32
      %select_n3A_36 = arith.select %and3A, %add3A_35, %rem3A : i32
      %eq3A_37 = arith.constant 0 : i32
      %eq3A_38 = arith.cmpi eq, %select_n3A_36, %eq3A_37 : i32
      %convert_element_type3A = arith.extui %eq3A_38 : i1 to i32
      %cond3A = arith.constant 0 : i32
      %cond3A_39 = arith.cmpi ne, %convert_element_type3A, %cond3A : i32
      scf.if %cond3A_39 {
        %add3A_40 = arith.constant 1 : i32
        %add3A_41 = arith.addi %scan3A_27, %add3A_40 : i32
        %lt3A_42 = arith.constant 50 : i32
        %lt3A_43 = arith.cmpi slt, %add3A_41, %lt3A_42 : i32
        %convert_element_type3A_44 = arith.extui %lt3A_43 : i1 to i32
        %cond3A_45 = arith.constant 0 : i32
        %cond3A_46 = arith.cmpi ne, %convert_element_type3A_44, %cond3A_45 : i32
        scf.if %cond3A_46 {
          %add3A_51 = arith.constant 1 : i32
          %add3A_52 = arith.addi %scan3A_27, %add3A_51 : i32
          %mul3A_53 = arith.constant 1000 : i32
          %mul3A_54 = arith.muli %add3A_52, %mul3A_53 : i32
          %add3A_55 = arith.addi %mul3A_11, %mul3A_54 : i32
          %dma_start3A_56 = arith.constant 1 : i32
          %dma_start3A_57 = tpu.memref_slice %arg2[%dma_start3A_56, %add3A_55] : memref<2x1600000xi32, #tpu.memory_space<hbm>> -> memref<1x1000xi32, #tpu.memory_space<hbm>>
          %dma_start3A_58 = tpu.memref_squeeze %dma_start3A_57 : memref<1x1000xi32, #tpu.memory_space<hbm>> -> memref<1000xi32, #tpu.memory_space<hbm>>
          %dma_start3A_59 = tpu.memref_slice %arg2[%dma_start3A_56, %add3A_55] : memref<2x1600000xi32, #tpu.memory_space<hbm>> -> memref<1x1000xi32, #tpu.memory_space<hbm>>
          %dma_start3A_60 = tpu.memref_squeeze %dma_start3A_59 : memref<1x1000xi32, #tpu.memory_space<hbm>> -> memref<1000xi32, #tpu.memory_space<hbm>>
          tpu.enqueue_dma source(%dma_start3A_60 : memref<1000xi32, #tpu.memory_space<hbm>>) target(%arg6 : memref<1000xi32, #tpu.memory_space<vmem>>) target_semaphore(%arg10 : memref<!tpu.dma_semaphore, #tpu.memory_space<semaphore_mem>>)
        } else {
        }
        %dma_wait3A = arith.constant 1 : i32
        %dma_wait3A_47 = tpu.memref_slice %arg2[%dma_wait3A, %mul3A_11] : memref<2x1600000xi32, #tpu.memory_space<hbm>> -> memref<1x1000xi32, #tpu.memory_space<hbm>>
        %dma_wait3A_48 = tpu.memref_squeeze %dma_wait3A_47 : memref<1x1000xi32, #tpu.memory_space<hbm>> -> memref<1000xi32, #tpu.memory_space<hbm>>
        %dma_wait3A_49 = tpu.memref_slice %arg2[%dma_wait3A, %mul3A_11] : memref<2x1600000xi32, #tpu.memory_space<hbm>> -> memref<1x1000xi32, #tpu.memory_space<hbm>>
        %dma_wait3A_50 = tpu.memref_squeeze %dma_wait3A_49 : memref<1x1000xi32, #tpu.memory_space<hbm>> -> memref<1000xi32, #tpu.memory_space<hbm>>
        tpu.wait_dma2 semaphore(%arg9 : memref<!tpu.dma_semaphore, #tpu.memory_space<semaphore_mem>>) src(%dma_wait3A_50 : memref<1000xi32, #tpu.memory_space<hbm>>) dst(%arg5 : memref<1000xi32, #tpu.memory_space<vmem>>)
        "tpu.region"() ({
          %run_scoped3A = tpu.sem_alloc : memref<!tpu.dma_semaphore, #tpu.memory_space<semaphore_mem>>
          %dma_start3A_51 = arith.constant 0 : i32
          %dma_start3A_52 = tpu.memref_slice %arg8[%dma_start3A_51] : memref<100352xf32, #tpu.memory_space<vmem_shared>> -> memref<100352xf32, #tpu.memory_space<vmem_shared>>
          tpu.enqueue_indirect_dma source(%arg7 : memref<1000xf32, #tpu.memory_space<vmem>>) target(%dma_start3A_52 : memref<100352xf32, #tpu.memory_space<vmem_shared>>) offsets(%arg5 : memref<1000xi32, #tpu.memory_space<vmem>>) semaphore(%run_scoped3A : memref<!tpu.dma_semaphore, #tpu.memory_space<semaphore_mem>>) {add = true}
          %dma_wait3A_53 = arith.constant 0 : i32
          %dma_wait3A_54 = tpu.memref_slice %arg8[%dma_wait3A_53] : memref<100352xf32, #tpu.memory_space<vmem_shared>> -> memref<100352xf32, #tpu.memory_space<vmem_shared>>
          tpu.wait_indirect_dma semaphore(%run_scoped3A : memref<!tpu.dma_semaphore, #tpu.memory_space<semaphore_mem>>) src(%arg7 : memref<1000xf32, #tpu.memory_space<vmem>>) dst(%dma_wait3A_54 : memref<100352xf32, #tpu.memory_space<vmem_shared>>)
          tpu.yield
        }) : () -> ()
      } else {
        %add3A_40 = arith.constant 1 : i32
        %add3A_41 = arith.addi %scan3A_27, %add3A_40 : i32
        %lt3A_42 = arith.constant 50 : i32
        %lt3A_43 = arith.cmpi slt, %add3A_41, %lt3A_42 : i32
        %convert_element_type3A_44 = arith.extui %lt3A_43 : i1 to i32
        %cond3A_45 = arith.constant 0 : i32
        %cond3A_46 = arith.cmpi ne, %convert_element_type3A_44, %cond3A_45 : i32
        scf.if %cond3A_46 {
          %add3A_51 = arith.constant 1 : i32
          %add3A_52 = arith.addi %scan3A_27, %add3A_51 : i32
          %mul3A_53 = arith.constant 1000 : i32
          %mul3A_54 = arith.muli %add3A_52, %mul3A_53 : i32
          %add3A_55 = arith.addi %mul3A_11, %mul3A_54 : i32
          %dma_start3A_56 = arith.constant 1 : i32
          %dma_start3A_57 = tpu.memref_slice %arg2[%dma_start3A_56, %add3A_55] : memref<2x1600000xi32, #tpu.memory_space<hbm>> -> memref<1x1000xi32, #tpu.memory_space<hbm>>
          %dma_start3A_58 = tpu.memref_squeeze %dma_start3A_57 : memref<1x1000xi32, #tpu.memory_space<hbm>> -> memref<1000xi32, #tpu.memory_space<hbm>>
          %dma_start3A_59 = tpu.memref_slice %arg2[%dma_start3A_56, %add3A_55] : memref<2x1600000xi32, #tpu.memory_space<hbm>> -> memref<1x1000xi32, #tpu.memory_space<hbm>>
          %dma_start3A_60 = tpu.memref_squeeze %dma_start3A_59 : memref<1x1000xi32, #tpu.memory_space<hbm>> -> memref<1000xi32, #tpu.memory_space<hbm>>
          tpu.enqueue_dma source(%dma_start3A_60 : memref<1000xi32, #tpu.memory_space<hbm>>) target(%arg5 : memref<1000xi32, #tpu.memory_space<vmem>>) target_semaphore(%arg9 : memref<!tpu.dma_semaphore, #tpu.memory_space<semaphore_mem>>)
        } else {
        }
        %dma_wait3A = arith.constant 1 : i32
        %dma_wait3A_47 = tpu.memref_slice %arg2[%dma_wait3A, %mul3A_11] : memref<2x1600000xi32, #tpu.memory_space<hbm>> -> memref<1x1000xi32, #tpu.memory_space<hbm>>
        %dma_wait3A_48 = tpu.memref_squeeze %dma_wait3A_47 : memref<1x1000xi32, #tpu.memory_space<hbm>> -> memref<1000xi32, #tpu.memory_space<hbm>>
        %dma_wait3A_49 = tpu.memref_slice %arg2[%dma_wait3A, %mul3A_11] : memref<2x1600000xi32, #tpu.memory_space<hbm>> -> memref<1x1000xi32, #tpu.memory_space<hbm>>
        %dma_wait3A_50 = tpu.memref_squeeze %dma_wait3A_49 : memref<1x1000xi32, #tpu.memory_space<hbm>> -> memref<1000xi32, #tpu.memory_space<hbm>>
        tpu.wait_dma2 semaphore(%arg10 : memref<!tpu.dma_semaphore, #tpu.memory_space<semaphore_mem>>) src(%dma_wait3A_50 : memref<1000xi32, #tpu.memory_space<hbm>>) dst(%arg6 : memref<1000xi32, #tpu.memory_space<vmem>>)
        "tpu.region"() ({
          %run_scoped3A = tpu.sem_alloc : memref<!tpu.dma_semaphore, #tpu.memory_space<semaphore_mem>>
          %dma_start3A_51 = arith.constant 0 : i32
          %dma_start3A_52 = tpu.memref_slice %arg8[%dma_start3A_51] : memref<100352xf32, #tpu.memory_space<vmem_shared>> -> memref<100352xf32, #tpu.memory_space<vmem_shared>>
          tpu.enqueue_indirect_dma source(%arg7 : memref<1000xf32, #tpu.memory_space<vmem>>) target(%dma_start3A_52 : memref<100352xf32, #tpu.memory_space<vmem_shared>>) offsets(%arg6 : memref<1000xi32, #tpu.memory_space<vmem>>) semaphore(%run_scoped3A : memref<!tpu.dma_semaphore, #tpu.memory_space<semaphore_mem>>) {add = true}
          %dma_wait3A_53 = arith.constant 0 : i32
          %dma_wait3A_54 = tpu.memref_slice %arg8[%dma_wait3A_53] : memref<100352xf32, #tpu.memory_space<vmem_shared>> -> memref<100352xf32, #tpu.memory_space<vmem_shared>>
          tpu.wait_indirect_dma semaphore(%run_scoped3A : memref<!tpu.dma_semaphore, #tpu.memory_space<semaphore_mem>>) src(%arg7 : memref<1000xf32, #tpu.memory_space<vmem>>) dst(%dma_wait3A_54 : memref<100352xf32, #tpu.memory_space<vmem_shared>>)
          tpu.yield
        }) : () -> ()
      }
    }
    %scan3A_21 = arith.constant 50 : i32
    %barrier3A_22 = arith.constant 0 : index
    tpu.barrier barrier_id(%barrier3A_22)
    %mul3A_23 = arith.constant 6272 : i32
    %mul3A_24 = arith.muli %arg1, %mul3A_23 : i32
    %mul3A_25 = arith.constant 6272 : i32
    %mul3A_26 = arith.muli %arg1, %mul3A_25 : i32
    "tpu.region"() ({
      %run_scoped3A = tpu.sem_alloc : memref<!tpu.dma_semaphore, #tpu.memory_space<semaphore_mem>>
      %dma_start3A_27 = tpu.memref_slice %arg4[%arg0, %mul3A_26] : memref<2x100352xf32, #tpu.memory_space<hbm>> -> memref<1x6272xf32, #tpu.memory_space<hbm>>
      %dma_start3A_28 = tpu.memref_squeeze %dma_start3A_27 : memref<1x6272xf32, #tpu.memory_space<hbm>> -> memref<6272xf32, #tpu.memory_space<hbm>>
      %dma_start3A_29 = tpu.memref_slice %arg8[%mul3A_24] : memref<100352xf32, #tpu.memory_space<vmem_shared>> -> memref<6272xf32, #tpu.memory_space<vmem_shared>>
      tpu.enqueue_dma source(%dma_start3A_29 : memref<6272xf32, #tpu.memory_space<vmem_shared>>) target(%dma_start3A_28 : memref<6272xf32, #tpu.memory_space<hbm>>) target_semaphore(%run_scoped3A : memref<!tpu.dma_semaphore, #tpu.memory_space<semaphore_mem>>)
      %dma_wait3A = tpu.memref_slice %arg4[%arg0, %mul3A_26] : memref<2x100352xf32, #tpu.memory_space<hbm>> -> memref<1x6272xf32, #tpu.memory_space<hbm>>
      %dma_wait3A_30 = tpu.memref_squeeze %dma_wait3A : memref<1x6272xf32, #tpu.memory_space<hbm>> -> memref<6272xf32, #tpu.memory_space<hbm>>
      %dma_wait3A_31 = tpu.memref_slice %arg8[%mul3A_24] : memref<100352xf32, #tpu.memory_space<vmem_shared>> -> memref<6272xf32, #tpu.memory_space<vmem_shared>>
      tpu.wait_dma2 semaphore(%run_scoped3A : memref<!tpu.dma_semaphore, #tpu.memory_space<semaphore_mem>>) src(%dma_wait3A_31 : memref<6272xf32, #tpu.memory_space<vmem_shared>>) dst(%dma_wait3A_30 : memref<6272xf32, #tpu.memory_space<hbm>>)
      tpu.yield
    }) : () -> ()
    return
  }
}

module attributes {stable_mosaic.version = 14 : i64} {
  func.func @_tc1_body(%arg0: i32, %arg1: memref<2x6272x1xf32, #tpu.memory_space<vmem>>, %arg2: memref<6272x3xf32, #tpu.memory_space<vmem>>, %arg3: memref<6272x16xf32, #tpu.memory_space<vmem>>) attributes {dimension_semantics = [#tpu.dimension_semantics<arbitrary>], iteration_bounds = array<i64: 16>, scalar_prefetch = 0 : i64, scratch_operands = 0 : i64, tpu.core_type = #tpu.core_type<tc>, window_params = [{transform_indices = @transform_0, window_bounds = array<i64: 2, 6272, 1>}, {transform_indices = @transform_1, window_bounds = array<i64: 6272, 3>}, {transform_indices = @transform_2, window_bounds = array<i64: 6272, 16>}]} {
    %get3A = arith.constant 0 : index
    %get3A_0 = arith.constant 0 : index
    %get3A_1 = arith.constant 0 : index
    %get3A_2 = vector.load %arg1[%get3A, %get3A_0, %get3A_1] : memref<2x6272x1xf32, #tpu.memory_space<vmem>>, vector<1x6272x1xf32>
    %get3A_3 = vector.shape_cast %get3A_2 : vector<1x6272x1xf32> to vector<6272x1xf32>
    %get3A_4 = arith.constant 1 : index
    %get3A_5 = arith.constant 0 : index
    %get3A_6 = arith.constant 0 : index
    %get3A_7 = vector.load %arg1[%get3A_4, %get3A_5, %get3A_6] : memref<2x6272x1xf32, #tpu.memory_space<vmem>>, vector<1x6272x1xf32>
    %get3A_8 = vector.shape_cast %get3A_7 : vector<1x6272x1xf32> to vector<6272x1xf32>
    %add3A = arith.addf %get3A_3, %get3A_8 : vector<6272x1xf32>
    %add3A_9 = arith.constant 1.000000e+00 : f32
    %add3A_10 = vector.broadcast %add3A_9 : f32 to vector<6272x1xf32>
    %add3A_11 = arith.addf %add3A, %add3A_10 : vector<6272x1xf32>
    %rsqrt3A = math.rsqrt %add3A_11 : vector<6272x1xf32>
    %get3A_12 = arith.constant 0 : index
    %get3A_13 = arith.constant 0 : index
    %get3A_14 = vector.load %arg2[%get3A_12, %get3A_13] : memref<6272x3xf32, #tpu.memory_space<vmem>>, vector<6272x3xf32>
    %mul3A = vector.broadcast %rsqrt3A : vector<6272x1xf32> to vector<6272x3xf32>
    %mul3A_15 = arith.mulf %get3A_14, %mul3A : vector<6272x3xf32>
    %broadcast_in_dim3A = arith.constant 0.000000e+00 : f32
    %broadcast_in_dim3A_16 = vector.broadcast %broadcast_in_dim3A : f32 to vector<6272x12xf32>
    %concatenate3A = tpu.concatenate %mul3A_15, %rsqrt3A, %broadcast_in_dim3A_16 in 1 : vector<6272x3xf32>, vector<6272x1xf32>, vector<6272x12xf32> -> vector<6272x16xf32>
    %swap3A = arith.constant 0 : index
    %swap3A_17 = arith.constant 0 : index
    %swap3A_18 = vector.load %arg3[%swap3A, %swap3A_17] : memref<6272x16xf32, #tpu.memory_space<vmem>>, vector<6272x16xf32>
    tpu.vector_store %arg3[%swap3A, %swap3A_17], %concatenate3A {strides = array<i32>} : memref<6272x16xf32, #tpu.memory_space<vmem>>, vector<6272x16xf32>,
    return
  }
  func.func @transform_0(%arg0: i32) -> (i32, i32, i32) {
    %c0_i32 = arith.constant 0 : i32
    %c0_i32_0 = arith.constant 0 : i32
    %c0_i32_1 = arith.constant 0 : i32
    return %c0_i32, %arg0, %c0_i32_0 : i32, i32, i32
  }
  func.func @transform_1(%arg0: i32) -> (i32, i32) {
    %c0_i32 = arith.constant 0 : i32
    %c0_i32_0 = arith.constant 0 : i32
    return %arg0, %c0_i32 : i32, i32
  }
  func.func @transform_2(%arg0: i32) -> (i32, i32) {
    %c0_i32 = arith.constant 0 : i32
    %c0_i32_0 = arith.constant 0 : i32
    return %arg0, %c0_i32 : i32, i32
  }
}

module attributes {stable_mosaic.version = 14 : i64} {
  func.func @_tc2_body(%arg0: i32, %arg1: memref<6272x16xf32, #tpu.memory_space<vmem>>, %arg2: memref<2x6272x16xf32, #tpu.memory_space<vmem>>, %arg3: memref<16x64xf32, #tpu.memory_space<vmem>>, %arg4: memref<1x64xf32, #tpu.memory_space<vmem>>, %arg5: memref<6272x64xf32, #tpu.memory_space<vmem>>) attributes {dimension_semantics = [#tpu.dimension_semantics<arbitrary>], iteration_bounds = array<i64: 16>, scalar_prefetch = 0 : i64, scratch_operands = 0 : i64, tpu.core_type = #tpu.core_type<tc>, window_params = [{transform_indices = @transform_0, window_bounds = array<i64: 6272, 16>}, {transform_indices = @transform_1, window_bounds = array<i64: 2, 6272, 16>}, {pipeline_mode = #tpu.pipeline_mode<synchronous>, transform_indices = @transform_2, window_bounds = array<i64: 16, 64>}, {pipeline_mode = #tpu.pipeline_mode<synchronous>, transform_indices = @transform_3, window_bounds = array<i64: 1, 64>}, {transform_indices = @transform_4, window_bounds = array<i64: 6272, 64>}]} {
    %get3A = arith.constant 0 : index
    %get3A_0 = arith.constant 0 : index
    %get3A_1 = vector.load %arg1[%get3A, %get3A_0] : memref<6272x16xf32, #tpu.memory_space<vmem>>, vector<6272x16xf32>
    %get3A_2 = arith.constant 0 : index
    %get3A_3 = arith.constant 0 : index
    %get3A_4 = arith.constant 0 : index
    %get3A_5 = vector.load %arg2[%get3A_2, %get3A_3, %get3A_4] : memref<2x6272x16xf32, #tpu.memory_space<vmem>>, vector<1x6272x16xf32>
    %get3A_6 = vector.shape_cast %get3A_5 : vector<1x6272x16xf32> to vector<6272x16xf32>
    %get3A_7 = arith.constant 1 : index
    %get3A_8 = arith.constant 0 : index
    %get3A_9 = arith.constant 0 : index
    %get3A_10 = vector.load %arg2[%get3A_7, %get3A_8, %get3A_9] : memref<2x6272x16xf32, #tpu.memory_space<vmem>>, vector<1x6272x16xf32>
    %get3A_11 = vector.shape_cast %get3A_10 : vector<1x6272x16xf32> to vector<6272x16xf32>
    %add3A = arith.addf %get3A_6, %get3A_11 : vector<6272x16xf32>
    %add3A_12 = arith.addf %add3A, %get3A_1 : vector<6272x16xf32>
    %slice3A = vector.extract_strided_slice %get3A_1 {offsets = [0, 3], sizes = [6272, 1], strides = [1, 1]} : vector<6272x16xf32> to vector<6272x1xf32>
    %mul3A = vector.broadcast %slice3A : vector<6272x1xf32> to vector<6272x16xf32>
    %mul3A_13 = arith.mulf %add3A_12, %mul3A : vector<6272x16xf32>
    %get3A_14 = arith.constant 0 : index
    %get3A_15 = arith.constant 0 : index
    %get3A_16 = vector.load %arg3[%get3A_14, %get3A_15] : memref<16x64xf32, #tpu.memory_space<vmem>>, vector<16x64xf32>
    %dot_general3A = arith.constant dense<0.000000e+00> : vector<6272x64xf32>
    %dot_general3A_17 = tpu.matmul %mul3A_13, %get3A_16, %dot_general3A {dimension_numbers = #tpu.dot_dimension_numbers<[1], [0], [0], [1], [0, 0, 1, 1], [], []>, transpose_lhs_hint = false} : vector<6272x16xf32>, vector<16x64xf32>, vector<6272x64xf32> -> vector<6272x64xf32>
    %get3A_18 = arith.constant 0 : index
    %get3A_19 = arith.constant 0 : index
    %get3A_20 = vector.load %arg4[%get3A_18, %get3A_19] : memref<1x64xf32, #tpu.memory_space<vmem>>, vector<1x64xf32>
    %add3A_21 = vector.broadcast %get3A_20 : vector<1x64xf32> to vector<6272x64xf32>
    %add3A_22 = arith.addf %dot_general3A_17, %add3A_21 : vector<6272x64xf32>
    %gt3A = arith.constant 0.000000e+00 : f32
    %gt3A_23 = vector.broadcast %gt3A : f32 to vector<6272x64xf32>
    %gt3A_24 = arith.cmpf ogt, %add3A_22, %gt3A_23 : vector<6272x64xf32>
    %exp3A = math.exp %add3A_22 : vector<6272x64xf32>
    %sub3A = arith.constant 1.000000e+00 : f32
    %sub3A_25 = vector.broadcast %sub3A : f32 to vector<6272x64xf32>
    %sub3A_26 = arith.subf %exp3A, %sub3A_25 : vector<6272x64xf32>
    %select_n3A = arith.select %gt3A_24, %add3A_22, %sub3A_26 : vector<6272x64xi1>, vector<6272x64xf32>
    %mul3A_27 = vector.broadcast %slice3A : vector<6272x1xf32> to vector<6272x64xf32>
    %mul3A_28 = arith.mulf %select_n3A, %mul3A_27 : vector<6272x64xf32>
    %swap3A = arith.constant 0 : index
    %swap3A_29 = arith.constant 0 : index
    %swap3A_30 = vector.load %arg5[%swap3A, %swap3A_29] : memref<6272x64xf32, #tpu.memory_space<vmem>>, vector<6272x64xf32>
    tpu.vector_store %arg5[%swap3A, %swap3A_29], %mul3A_28 {strides = array<i32>} : memref<6272x64xf32, #tpu.memory_space<vmem>>, vector<6272x64xf32>,
    return
  }
  func.func @transform_0(%arg0: i32) -> (i32, i32) {
    %c0_i32 = arith.constant 0 : i32
    %c0_i32_0 = arith.constant 0 : i32
    return %arg0, %c0_i32 : i32, i32
  }
  func.func @transform_1(%arg0: i32) -> (i32, i32, i32) {
    %c0_i32 = arith.constant 0 : i32
    %c0_i32_0 = arith.constant 0 : i32
    %c0_i32_1 = arith.constant 0 : i32
    return %c0_i32, %arg0, %c0_i32_0 : i32, i32, i32
  }
  func.func @transform_2(%arg0: i32) -> (i32, i32) {
    %c0_i32 = arith.constant 0 : i32
    %c0_i32_0 = arith.constant 0 : i32
    %c0_i32_1 = arith.constant 0 : i32
    return %c0_i32, %c0_i32_0 : i32, i32
  }
  func.func @transform_3(%arg0: i32) -> (i32, i32) {
    %c0_i32 = arith.constant 0 : i32
    %c0_i32_0 = arith.constant 0 : i32
    %c0_i32_1 = arith.constant 0 : i32
    return %c0_i32, %c0_i32_0 : i32, i32
  }
  func.func @transform_4(%arg0: i32) -> (i32, i32) {
    %c0_i32 = arith.constant 0 : i32
    %c0_i32_0 = arith.constant 0 : i32
    return %arg0, %c0_i32 : i32, i32
  }
}

module attributes {stable_mosaic.version = 14 : i64} {
  func.func @_tc3_body(%arg0: i32, %arg1: memref<4x2000x16xf32, #tpu.memory_space<vmem>>, %arg2: memref<2000x64xf32, #tpu.memory_space<vmem>>, %arg3: memref<2000x16xf32, #tpu.memory_space<vmem>>, %arg4: memref<64x64xf32, #tpu.memory_space<vmem>>, %arg5: memref<1x64xf32, #tpu.memory_space<vmem>>, %arg6: memref<64x128xf32, #tpu.memory_space<vmem>>, %arg7: memref<1x128xf32, #tpu.memory_space<vmem>>, %arg8: memref<128x16xf32, #tpu.memory_space<vmem>>, %arg9: memref<1x16xf32, #tpu.memory_space<vmem>>, %arg10: memref<2000x15xf32, #tpu.memory_space<vmem>>) attributes {dimension_semantics = [#tpu.dimension_semantics<arbitrary>], iteration_bounds = array<i64: 50>, scalar_prefetch = 0 : i64, scratch_operands = 0 : i64, tpu.core_type = #tpu.core_type<tc>, window_params = [{transform_indices = @transform_0, window_bounds = array<i64: 4, 2000, 16>}, {transform_indices = @transform_1, window_bounds = array<i64: 2000, 64>}, {transform_indices = @transform_2, window_bounds = array<i64: 2000, 16>}, {pipeline_mode = #tpu.pipeline_mode<synchronous>, transform_indices = @transform_3, window_bounds = array<i64: 64, 64>}, {pipeline_mode = #tpu.pipeline_mode<synchronous>, transform_indices = @transform_4, window_bounds = array<i64: 1, 64>}, {pipeline_mode = #tpu.pipeline_mode<synchronous>, transform_indices = @transform_5, window_bounds = array<i64: 64, 128>}, {pipeline_mode = #tpu.pipeline_mode<synchronous>, transform_indices = @transform_6, window_bounds = array<i64: 1, 128>}, {pipeline_mode = #tpu.pipeline_mode<synchronous>, transform_indices = @transform_7, window_bounds = array<i64: 128, 16>}, {pipeline_mode = #tpu.pipeline_mode<synchronous>, transform_indices = @transform_8, window_bounds = array<i64: 1, 16>}, {transform_indices = @transform_9, window_bounds = array<i64: 2000, 15>}]} {
    %get3A = arith.constant 0 : index
    %get3A_0 = arith.constant 0 : index
    %get3A_1 = vector.load %arg2[%get3A, %get3A_0] : memref<2000x64xf32, #tpu.memory_space<vmem>>, vector<2000x64xf32>
    %get3A_2 = arith.constant 0 : index
    %get3A_3 = arith.constant 3 : index
    %get3A_4 = vector.load %arg3[%get3A_2, %get3A_3] : memref<2000x16xf32, #tpu.memory_space<vmem>>, vector<2000x1xf32>
    %mul3A = vector.broadcast %get3A_4 : vector<2000x1xf32> to vector<2000x64xf32>
    %mul3A_5 = arith.mulf %get3A_1, %mul3A : vector<2000x64xf32>
    %get3A_6 = arith.constant 0 : index
    %get3A_7 = arith.constant 0 : index
    %get3A_8 = vector.load %arg4[%get3A_6, %get3A_7] : memref<64x64xf32, #tpu.memory_space<vmem>>, vector<64x64xf32>
    %dot_general3A = arith.constant dense<0.000000e+00> : vector<2000x64xf32>
    %dot_general3A_9 = tpu.matmul %mul3A_5, %get3A_8, %dot_general3A {dimension_numbers = #tpu.dot_dimension_numbers<[1], [0], [0], [1], [0, 0, 1, 1], [], []>, transpose_lhs_hint = false} : vector<2000x64xf32>, vector<64x64xf32>, vector<2000x64xf32> -> vector<2000x64xf32>
    %get3A_10 = arith.constant 0 : index
    %get3A_11 = arith.constant 0 : index
    %get3A_12 = arith.constant 0 : index
    %get3A_13 = vector.load %arg1[%get3A_10, %get3A_11, %get3A_12] : memref<4x2000x16xf32, #tpu.memory_space<vmem>>, vector<1x2000x16xf32>
    %get3A_14 = vector.shape_cast %get3A_13 : vector<1x2000x16xf32> to vector<2000x16xf32>
    %mul3A_15 = vector.broadcast %get3A_4 : vector<2000x1xf32> to vector<2000x16xf32>
    %mul3A_16 = arith.mulf %get3A_14, %mul3A_15 : vector<2000x16xf32>
    %get3A_17 = arith.constant 0 : index
    %get3A_18 = arith.constant 0 : index
    %get3A_19 = vector.load %arg4[%get3A_17, %get3A_18] : memref<64x64xf32, #tpu.memory_space<vmem>>, vector<16x64xf32>
    %dot_general3A_20 = arith.constant dense<0.000000e+00> : vector<2000x64xf32>
    %dot_general3A_21 = tpu.matmul %mul3A_16, %get3A_19, %dot_general3A_20 {dimension_numbers = #tpu.dot_dimension_numbers<[1], [0], [0], [1], [0, 0, 1, 1], [], []>, transpose_lhs_hint = false} : vector<2000x16xf32>, vector<16x64xf32>, vector<2000x64xf32> -> vector<2000x64xf32>
    %add3A = arith.addf %dot_general3A_9, %dot_general3A_21 : vector<2000x64xf32>
    %get3A_22 = arith.constant 1 : index
    %get3A_23 = arith.constant 0 : index
    %get3A_24 = arith.constant 0 : index
    %get3A_25 = vector.load %arg1[%get3A_22, %get3A_23, %get3A_24] : memref<4x2000x16xf32, #tpu.memory_space<vmem>>, vector<1x2000x16xf32>
    %get3A_26 = vector.shape_cast %get3A_25 : vector<1x2000x16xf32> to vector<2000x16xf32>
    %mul3A_27 = vector.broadcast %get3A_4 : vector<2000x1xf32> to vector<2000x16xf32>
    %mul3A_28 = arith.mulf %get3A_26, %mul3A_27 : vector<2000x16xf32>
    %get3A_29 = arith.constant 16 : index
    %get3A_30 = arith.constant 0 : index
    %get3A_31 = vector.load %arg4[%get3A_29, %get3A_30] : memref<64x64xf32, #tpu.memory_space<vmem>>, vector<16x64xf32>
    %dot_general3A_32 = arith.constant dense<0.000000e+00> : vector<2000x64xf32>
    %dot_general3A_33 = tpu.matmul %mul3A_28, %get3A_31, %dot_general3A_32 {dimension_numbers = #tpu.dot_dimension_numbers<[1], [0], [0], [1], [0, 0, 1, 1], [], []>, transpose_lhs_hint = false} : vector<2000x16xf32>, vector<16x64xf32>, vector<2000x64xf32> -> vector<2000x64xf32>
    %add3A_34 = arith.addf %add3A, %dot_general3A_33 : vector<2000x64xf32>
    %get3A_35 = arith.constant 2 : index
    %get3A_36 = arith.constant 0 : index
    %get3A_37 = arith.constant 0 : index
    %get3A_38 = vector.load %arg1[%get3A_35, %get3A_36, %get3A_37] : memref<4x2000x16xf32, #tpu.memory_space<vmem>>, vector<1x2000x16xf32>
    %get3A_39 = vector.shape_cast %get3A_38 : vector<1x2000x16xf32> to vector<2000x16xf32>
    %mul3A_40 = vector.broadcast %get3A_4 : vector<2000x1xf32> to vector<2000x16xf32>
    %mul3A_41 = arith.mulf %get3A_39, %mul3A_40 : vector<2000x16xf32>
    %get3A_42 = arith.constant 32 : index
    %get3A_43 = arith.constant 0 : index
    %get3A_44 = vector.load %arg4[%get3A_42, %get3A_43] : memref<64x64xf32, #tpu.memory_space<vmem>>, vector<16x64xf32>
    %dot_general3A_45 = arith.constant dense<0.000000e+00> : vector<2000x64xf32>
    %dot_general3A_46 = tpu.matmul %mul3A_41, %get3A_44, %dot_general3A_45 {dimension_numbers = #tpu.dot_dimension_numbers<[1], [0], [0], [1], [0, 0, 1, 1], [], []>, transpose_lhs_hint = false} : vector<2000x16xf32>, vector<16x64xf32>, vector<2000x64xf32> -> vector<2000x64xf32>
    %add3A_47 = arith.addf %add3A_34, %dot_general3A_46 : vector<2000x64xf32>
    %get3A_48 = arith.constant 3 : index
    %get3A_49 = arith.constant 0 : index
    %get3A_50 = arith.constant 0 : index
    %get3A_51 = vector.load %arg1[%get3A_48, %get3A_49, %get3A_50] : memref<4x2000x16xf32, #tpu.memory_space<vmem>>, vector<1x2000x16xf32>
    %get3A_52 = vector.shape_cast %get3A_51 : vector<1x2000x16xf32> to vector<2000x16xf32>
    %mul3A_53 = vector.broadcast %get3A_4 : vector<2000x1xf32> to vector<2000x16xf32>
    %mul3A_54 = arith.mulf %get3A_52, %mul3A_53 : vector<2000x16xf32>
    %get3A_55 = arith.constant 48 : index
    %get3A_56 = arith.constant 0 : index
    %get3A_57 = vector.load %arg4[%get3A_55, %get3A_56] : memref<64x64xf32, #tpu.memory_space<vmem>>, vector<16x64xf32>
    %dot_general3A_58 = arith.constant dense<0.000000e+00> : vector<2000x64xf32>
    %dot_general3A_59 = tpu.matmul %mul3A_54, %get3A_57, %dot_general3A_58 {dimension_numbers = #tpu.dot_dimension_numbers<[1], [0], [0], [1], [0, 0, 1, 1], [], []>, transpose_lhs_hint = false} : vector<2000x16xf32>, vector<16x64xf32>, vector<2000x64xf32> -> vector<2000x64xf32>
    %add3A_60 = arith.addf %add3A_47, %dot_general3A_59 : vector<2000x64xf32>
    %get3A_61 = arith.constant 0 : index
    %get3A_62 = arith.constant 0 : index
    %get3A_63 = vector.load %arg5[%get3A_61, %get3A_62] : memref<1x64xf32, #tpu.memory_space<vmem>>, vector<1x64xf32>
    %add3A_64 = vector.broadcast %get3A_63 : vector<1x64xf32> to vector<2000x64xf32>
    %add3A_65 = arith.addf %add3A_60, %add3A_64 : vector<2000x64xf32>
    %gt3A = arith.constant 0.000000e+00 : f32
    %gt3A_66 = vector.broadcast %gt3A : f32 to vector<2000x64xf32>
    %gt3A_67 = arith.cmpf ogt, %add3A_65, %gt3A_66 : vector<2000x64xf32>
    %exp3A = math.exp %add3A_65 : vector<2000x64xf32>
    %sub3A = arith.constant 1.000000e+00 : f32
    %sub3A_68 = vector.broadcast %sub3A : f32 to vector<2000x64xf32>
    %sub3A_69 = arith.subf %exp3A, %sub3A_68 : vector<2000x64xf32>
    %select_n3A = arith.select %gt3A_67, %add3A_65, %sub3A_69 : vector<2000x64xi1>, vector<2000x64xf32>
    %get3A_70 = arith.constant 0 : index
    %get3A_71 = arith.constant 0 : index
    %get3A_72 = vector.load %arg6[%get3A_70, %get3A_71] : memref<64x128xf32, #tpu.memory_space<vmem>>, vector<64x128xf32>
    %dot_general3A_73 = arith.constant dense<0.000000e+00> : vector<2000x128xf32>
    %dot_general3A_74 = tpu.matmul %select_n3A, %get3A_72, %dot_general3A_73 {dimension_numbers = #tpu.dot_dimension_numbers<[1], [0], [0], [1], [0, 0, 1, 1], [], []>, transpose_lhs_hint = false} : vector<2000x64xf32>, vector<64x128xf32>, vector<2000x128xf32> -> vector<2000x128xf32>
    %get3A_75 = arith.constant 0 : index
    %get3A_76 = arith.constant 0 : index
    %get3A_77 = vector.load %arg7[%get3A_75, %get3A_76] : memref<1x128xf32, #tpu.memory_space<vmem>>, vector<1x128xf32>
    %add3A_78 = vector.broadcast %get3A_77 : vector<1x128xf32> to vector<2000x128xf32>
    %add3A_79 = arith.addf %dot_general3A_74, %add3A_78 : vector<2000x128xf32>
    %gt3A_80 = arith.constant 0.000000e+00 : f32
    %gt3A_81 = vector.broadcast %gt3A_80 : f32 to vector<2000x128xf32>
    %gt3A_82 = arith.cmpf ogt, %add3A_79, %gt3A_81 : vector<2000x128xf32>
    %exp3A_83 = math.exp %add3A_79 : vector<2000x128xf32>
    %sub3A_84 = arith.constant 1.000000e+00 : f32
    %sub3A_85 = vector.broadcast %sub3A_84 : f32 to vector<2000x128xf32>
    %sub3A_86 = arith.subf %exp3A_83, %sub3A_85 : vector<2000x128xf32>
    %select_n3A_87 = arith.select %gt3A_82, %add3A_79, %sub3A_86 : vector<2000x128xi1>, vector<2000x128xf32>
    %get3A_88 = arith.constant 0 : index
    %get3A_89 = arith.constant 0 : index
    %get3A_90 = vector.load %arg8[%get3A_88, %get3A_89] : memref<128x16xf32, #tpu.memory_space<vmem>>, vector<128x16xf32>
    %dot_general3A_91 = arith.constant dense<0.000000e+00> : vector<2000x16xf32>
    %dot_general3A_92 = tpu.matmul %select_n3A_87, %get3A_90, %dot_general3A_91 {dimension_numbers = #tpu.dot_dimension_numbers<[1], [0], [0], [1], [0, 0, 1, 1], [], []>, transpose_lhs_hint = false} : vector<2000x128xf32>, vector<128x16xf32>, vector<2000x16xf32> -> vector<2000x16xf32>
    %get3A_93 = arith.constant 0 : index
    %get3A_94 = arith.constant 0 : index
    %get3A_95 = vector.load %arg9[%get3A_93, %get3A_94] : memref<1x16xf32, #tpu.memory_space<vmem>>, vector<1x16xf32>
    %add3A_96 = vector.broadcast %get3A_95 : vector<1x16xf32> to vector<2000x16xf32>
    %add3A_97 = arith.addf %dot_general3A_92, %add3A_96 : vector<2000x16xf32>
    %reduce_max3A = arith.constant dense<0xFF800000> : vector<2000xf32>
    %reduce_max3A_98 = vector.multi_reduction <maximumf>, %add3A_97, %reduce_max3A [1] : vector<2000x16xf32> to vector<2000xf32>
    %broadcast_in_dim3A = vector.shape_cast %reduce_max3A_98 : vector<2000xf32> to vector<2000x1xf32>
    %sub3A_99 = vector.broadcast %broadcast_in_dim3A : vector<2000x1xf32> to vector<2000x16xf32>
    %sub3A_100 = arith.subf %add3A_97, %sub3A_99 : vector<2000x16xf32>
    %exp3A_101 = math.exp %sub3A_100 : vector<2000x16xf32>
    %reduce_sum3A = arith.constant dense<0.000000e+00> : vector<2000xf32>
    %reduce_sum3A_102 = vector.multi_reduction <add>, %exp3A_101, %reduce_sum3A [1] : vector<2000x16xf32> to vector<2000xf32>
    %broadcast_in_dim3A_103 = vector.shape_cast %reduce_sum3A_102 : vector<2000xf32> to vector<2000x1xf32>
    %div3A = vector.broadcast %broadcast_in_dim3A_103 : vector<2000x1xf32> to vector<2000x16xf32>
    %div3A_104 = arith.divf %exp3A_101, %div3A : vector<2000x16xf32>
    %slice3A = vector.extract_strided_slice %div3A_104 {offsets = [0, 0], sizes = [2000, 15], strides = [1, 1]} : vector<2000x16xf32> to vector<2000x15xf32>
    %swap3A = arith.constant 0 : index
    %swap3A_105 = arith.constant 0 : index
    %swap3A_106 = vector.load %arg10[%swap3A, %swap3A_105] : memref<2000x15xf32, #tpu.memory_space<vmem>>, vector<2000x15xf32>
    tpu.vector_store %arg10[%swap3A, %swap3A_105], %slice3A {strides = array<i32>} : memref<2000x15xf32, #tpu.memory_space<vmem>>, vector<2000x15xf32>,
    return
  }
  func.func @transform_0(%arg0: i32) -> (i32, i32, i32) {
    %c0_i32 = arith.constant 0 : i32
    %c0_i32_0 = arith.constant 0 : i32
    %c0_i32_1 = arith.constant 0 : i32
    return %c0_i32, %arg0, %c0_i32_0 : i32, i32, i32
  }
  func.func @transform_1(%arg0: i32) -> (i32, i32) {
    %c0_i32 = arith.constant 0 : i32
    %c0_i32_0 = arith.constant 0 : i32
    return %arg0, %c0_i32 : i32, i32
  }
  func.func @transform_2(%arg0: i32) -> (i32, i32) {
    %c0_i32 = arith.constant 0 : i32
    %c0_i32_0 = arith.constant 0 : i32
    return %arg0, %c0_i32 : i32, i32
  }
  func.func @transform_3(%arg0: i32) -> (i32, i32) {
    %c0_i32 = arith.constant 0 : i32
    %c0_i32_0 = arith.constant 0 : i32
    %c0_i32_1 = arith.constant 0 : i32
    return %c0_i32, %c0_i32_0 : i32, i32
  }
  func.func @transform_4(%arg0: i32) -> (i32, i32) {
    %c0_i32 = arith.constant 0 : i32
    %c0_i32_0 = arith.constant 0 : i32
    %c0_i32_1 = arith.constant 0 : i32
    return %c0_i32, %c0_i32_0 : i32, i32
  }
  func.func @transform_5(%arg0: i32) -> (i32, i32) {
    %c0_i32 = arith.constant 0 : i32
    %c0_i32_0 = arith.constant 0 : i32
    %c0_i32_1 = arith.constant 0 : i32
    return %c0_i32, %c0_i32_0 : i32, i32
  }
  func.func @transform_6(%arg0: i32) -> (i32, i32) {
    %c0_i32 = arith.constant 0 : i32
    %c0_i32_0 = arith.constant 0 : i32
    %c0_i32_1 = arith.constant 0 : i32
    return %c0_i32, %c0_i32_0 : i32, i32
  }
  func.func @transform_7(%arg0: i32) -> (i32, i32) {
    %c0_i32 = arith.constant 0 : i32
    %c0_i32_0 = arith.constant 0 : i32
    %c0_i32_1 = arith.constant 0 : i32
    return %c0_i32, %c0_i32_0 : i32, i32
  }
  func.func @transform_8(%arg0: i32) -> (i32, i32) {
    %c0_i32 = arith.constant 0 : i32
    %c0_i32_0 = arith.constant 0 : i32
    %c0_i32_1 = arith.constant 0 : i32
    return %c0_i32, %c0_i32_0 : i32, i32
  }
  func.func @transform_9(%arg0: i32) -> (i32, i32) {
    %c0_i32 = arith.constant 0 : i32
    %c0_i32_0 = arith.constant 0 : i32
    return %arg0, %c0_i32 : i32, i32
  }
}

</mosaic_0001>

<sc_bundles>
// kernel: kernel.11.cloned.1.call-start
scs
__scs_entry_jumppad:
0x0: {  	(pc) =	sbr.rel $0x88, $3  }
0x1: {  	(tag) =	ssettag $0x0;
	lr =	simm.s32 $0x1  }
0x2: {  	[smem:$0x3F97] =	sst lr;
	_ =	strace $0xD0000000  }
0x3: {  	_ = 	snop  }
0x4: {  	_ = 	snop  }
0x5: {  	_ = 	snop  }
0x6: {  	_ = 	snop  }
0x7: {  	_ = 	snop  }
__scs_overlays_trampoline_lowered:
0x8: {  	[smem:$0x3FA6] =	sst s0  }
0x9: {  	[smem:$0x3FA7] =	sst s1  }
0xa: {  	[smem:$0x3FA8] =	sst s2  }
0xb: {  	[smem:$0x3FA9] =	sst s3  }
0xc: {  	[smem:$0x3FAA] =	sst s4  }
0xd: {  	[smem:$0x3FAB] =	sst s5  }
0xe: {  	[smem:$0x3FAC] =	sst s6  }
0xf: {  	[smem:$0x3FAD] =	sst s7  }
0x10: {  	[smem:$0x3FAE] =	sst s8  }
0x11: {  	[smem:$0x3FAF] =	sst s9;
	s0 =	simm.s32 @!p0 $0x0  }
0x12: {  	s1 =	sld [smem:$0x3F95];
	s0 =	simm.s32 @p0 $0x1  }
0x13: {  	[smem:$0x3FB0] =	sst s0;
	s0 =	simm.s32 @!p1 $0x0  }
0x14: {  	s2 =	sld [smem:$0x3F94];
	s0 =	simm.s32 @p1 $0x1  }
0x15: {  	[smem:$0x3FB1] =	sst s0;
	s0 =	simm.s32 @!p2 $0x0  }
0x16: {  	s3 =	sld [smem:$0x3FDB];
	s0 =	simm.s32 @p2 $0x1  }
0x17: {  	s4 =	simm.s32 $0x1BF5;
	[smem:$0x3FB3] =	sst s0  }
0x18: {  	s0 =	sld [smem:$0x3F96];
	_ =	swait.ge [sflag:s4], $0x0  }
0x19: {  	s7 =	sld [smem:$0x3F97]  }
0x1a: {  	s8 =	sadd.s32 $0xFFFFE003, lr  }
0x1b: {  	s9 =	sadd.s32 $0xFFFFFEF7, lr;
	s5 =	simm.s32 $0xFFFFFFFF;
	p2 =	slt.u32 s8, $0xFFFFF086  }
0x1c: {  	p1 =	slt.u32 s9, $0xF7A;
	s5 =	simm.s32 @!p2 $0x0  }
0x1d: {  	s5 =	simm.s32 @p1 $0x1;
	p0 =	seq.s32 s7, s2  }
0x1e: {  	s7 =	smul.u32 @!p0 $0xF7A, s2;
	p2 =	seq.s32 @!p0 s5, $0x0  }
0x1f: {  	s9 =	smul.u32 $0xF7A, s1;
	s8 =	simm.s32 @!p0 $0x1BF5;
	p2 =	por !p2, p0  }
0x20: {  	[sflag:s8] =	ssyncset.s32 @!p0 $0xFFFFF086;
	s6 =	sadd.s32 @!p0 s3, s7;
	s7 =	simm.s32 @!p0 $0x108  }
0x21: {  	s3 =	sadd.s32 s3, s9;
	s6 =	sadd.s32 @!p0 $0x88, s6;
	s7 =	simm.s32 @p2 $0x1082  }
0x22: {  	[simem:s7], [sflag:s8] =	dma.local @!p0 [hbm:s6], $0xF7A  }
0x23: {  	s9 =	sor.u32 $0xD0000000, s2;
	s6 =	simm.s32 $0x108;
	_ =	swait.ge @!p0 [sflag:s8], $0x0  }
0x24: {  	s3 =	sadd.s32 $0x88, s3;
	s6 =	simm.s32 @!p1 $0x1082;
	[sflag:s4] =	ssyncset.s32 $0xFFFFF086  }
0x25: {  	[simem:s6], [sflag:s4] =	dma.local [hbm:s3], $0xF7A  }
0x26: {  	[smem:$0x3F97] =	sst s1;
	(tag) =	ssettag s2;
	_ =	strace s9  }
0x27: {  	s1 =	sld [smem:$0x3FA7]  }
0x28: {  	s2 =	sld [smem:$0x3FA8]  }
0x29: {  	s4 =	sld [smem:$0x3FAA]  }
0x2a: {  	p0 =	seq.s32 s5, $0x0;
	s5 =	sld [smem:$0x3FAB]  }
0x2b: {  	s6 =	sld [smem:$0x3FAC]  }
0x2c: {  	s7 =	sld [smem:$0x3FAD]  }
0x2d: {  	s3 =	simm.s32 $0x108;
	s8 =	sld [smem:$0x3FAE]  }
0x2e: {  	s3 =	simm.s32 @!p0 $0x1082;
	s9 =	sld [smem:$0x3FAF]  }
0x2f: {  	lr =	sadd.s32 s0, s3;
	s0 =	sld [smem:$0x3FA6]  }
0x30: {  	s3 =	sld [smem:$0x3FA9]  }
0x31: {  	[smem:$0x3FB2] =	sst s10  }
0x32: {  	s10 =	sld [smem:$0x3FB0];
	_ =	sdelay $0x3  }
0x33: {  	p0 =	seq.s32 s10, $0x1;
	s10 =	sld [smem:$0x3FB2];
	_ =	sdelay $0x3  }
0x34: {  	[smem:$0x3FB2] =	sst s10  }
0x35: {  	s10 =	sld [smem:$0x3FB1];
	_ =	sdelay $0x3  }
0x36: {  	p1 =	seq.s32 s10, $0x1;
	s10 =	sld [smem:$0x3FB2];
	_ =	sdelay $0x3  }
0x37: {  	[smem:$0x3FB2] =	sst s10  }
0x38: {  	s10 =	sld [smem:$0x3FB3]  }
0x39: {  	_ = 	snop;
	(pc) =	sbr.ind lr, $3  }
0x3a: {  	_ = 	snop  }
0x3b: {  	_ = 	snop  }
0x3c: {  	p2 =	seq.s32 s10, $0x1;
	s10 =	sld [smem:$0x3FB2]  }
0x3d: {  	_ =	shalt  }
0x3e: {  	_ =	shalt  }
0x3f: {  	_ =	shalt  }
0x40: {  	_ =	shalt  }
0x41: {  	_ =	shalt  }
0x42: {  	_ =	shalt  }
0x43: {  	_ =	shalt  }
0x44: {  	_ =	shalt  }
0x45: {  	_ =	shalt  }
0x46: {  	_ =	shalt  }
0x47: {  	_ =	shalt  }
0x48: {  	_ =	shalt  }
0x49: {  	_ =	shalt  }
0x4a: {  	_ =	shalt  }
0x4b: {  	_ =	shalt  }
0x4c: {  	_ =	shalt  }
0x4d: {  	_ =	shalt  }
0x4e: {  	_ =	shalt  }
0x4f: {  	_ =	shalt  }
0x50: {  	_ =	shalt  }
0x51: {  	_ =	shalt  }
0x52: {  	_ =	shalt  }
0x53: {  	_ =	shalt  }
0x54: {  	_ =	shalt  }
0x55: {  	_ =	shalt  }
0x56: {  	_ =	shalt  }
0x57: {  	_ =	shalt  }
0x58: {  	_ =	shalt  }
0x59: {  	_ =	shalt  }
0x5a: {  	_ =	shalt  }
0x5b: {  	_ =	shalt  }
0x5c: {  	_ =	shalt  }
0x5d: {  	_ =	shalt  }
0x5e: {  	_ =	shalt  }
0x5f: {  	_ =	shalt  }
0x60: {  	_ =	shalt  }
0x61: {  	_ =	shalt  }
0x62: {  	_ =	shalt  }
0x63: {  	_ =	shalt  }
0x64: {  	_ =	shalt  }
0x65: {  	_ =	shalt  }
0x66: {  	_ =	shalt  }
0x67: {  	_ =	shalt  }
0x68: {  	_ =	shalt  }
0x69: {  	_ =	shalt  }
0x6a: {  	_ =	shalt  }
0x6b: {  	_ =	shalt  }
0x6c: {  	_ =	shalt  }
0x6d: {  	_ =	shalt  }
0x6e: {  	_ =	shalt  }
0x6f: {  	_ =	shalt  }
0x70: {  	_ =	shalt  }
0x71: {  	_ =	shalt  }
0x72: {  	_ =	shalt  }
0x73: {  	_ =	shalt  }
0x74: {  	_ =	shalt  }
0x75: {  	_ =	shalt  }
0x76: {  	_ =	shalt  }
0x77: {  	_ =	shalt  }
0x78: {  	_ =	shalt  }
0x79: {  	_ =	shalt  }
0x7a: {  	_ =	shalt  }
0x7b: {  	_ =	shalt  }
0x7c: {  	_ =	shalt  }
0x7d: {  	_ =	shalt  }
0x7e: {  	_ =	shalt  }
0x7f: {  	_ =	shalt  }
0x80: {  	_ =	shalt  }
0x81: {  	_ =	shalt  }
0x82: {  	_ =	shalt  }
0x83: {  	_ =	shalt  }
0x84: {  	_ =	shalt  }
0x85: {  	_ =	shalt  }
0x86: {  	_ =	shalt  }
0x87: {  	_ =	shalt  }
.Lfunc_end0:
.L_simem_size_0:
called_computation.1_lowered:
.L_overlay_start_0:
0x88: {  	s2 =	sld [smem:$0x3FD9]  }
0x89: {  	s3 =	sld [smem:$0x3FFE];
	_ =	sdelay $0x1  }
0x8a: {  	s1 =	srdreg.scid  }
0x8b: {  	s0 =	sand.u32 $0x1, s1  }
0x8c: {  	s16 =	sshll.u32 s0, $0xA;
	s2 =	sadd.s32 s3, s2  }
0x8d: {  	s2 =	sadd.s32 s2, s16  }
0x8e: {  	[smem:$0x3FBE] =	sst s2  }
0x8f: {  	_ = 	snop  }
0x90: {  	(tm) =	ssettm $0x1  }
0x91: {  	s17 =	sld [smem:$0x3FFB];
	_ =	sdelay $0x3  }
0x92: {  	_ =	strace s17  }
0x93: {  	s2 =	sld [smem:$0x3FFC];
	_ =	sdelay $0x3  }
0x94: {  	_ =	strace s2  }
0x95: {  	s2 =	sld [smem:$0x3FFD];
	_ =	sdelay $0x3  }
0x96: {  	_ =	strace s2  }
0x97: {  	_ =	strace $0x8FFFFFFF  }
0x98: {  	s18 =	sld [smem:$0x3FDB];
	_ =	sdelay $0x1  }
0x99: {  	s19 =	simm.s32 $_scs_section_size  }
0x9a: {  	s4 =	simm.s32 $_size__tile_overlayer_lowered;
	s5 =	simm.s32 $_tile_overlayer_lowered  }
0x9b: {  	s22 =	simm.s32 $0x1BFF;
	s21 =	sshll.u32 s5, $0x1;
	s2 =	sadd.s32 s19, s18  }
0x9c: {  	s6 =	simm.s32 $0x0;
	s20 =	sshll.u32 s4, $0x1;
	s4 =	sadd.s32 s21, s2  }
0x9d: {  	[timem:s6], [sflag:s22] =	dma.local [hbm:s4], s20  }
0x9e: {  	_ =	swait.ge [sflag:s22], s20  }
0x9f: {  	s3 =	ssub.s32 $0x0, s20;
	[sflag:s22] =	ssyncset.done $0x0  }
0xa0: {  	[sflag:s22] =	ssyncadd.s32 s3;
	_ =	sdelay $0x1  }
0xa1: {  	s23 =	simm.s32 $0x1B8B  }
0xa2: {  	_ =	swait.ge [sflag:s23], $0x1  }
0xa3: {  	[sflag:s23] =	ssyncset.done $0x0  }
0xa4: {  	s25 =	simm.s32 $0x1B8E;
	s24 =	sld [smem:$0x3FFE];
	[sflag:s23] =	ssyncadd.s32 $0xFFFFFFFF  }
0xa5: {  	s26 =	simm.s32 $execute0_lowered;
	[smem:$0x3FD2] =	sst s25  }
0xa6: {  	s4 =	sshll.u32 s26, $0x1;
	_ =	strace $0x80000049;
	[dreg:$0x1] =	wrdreg $0xFFFFFFFF  }
0xa7: {  	s28 =	simm.s32 $_size_execute0_lowered;
	s2 =	sadd.s32 s2, s4;
	[dreg:$0x0] =	wrdreg $0x0  }
0xa8: {  	s4 =	sshll.u32 s28, $0x1;
	[dreg:$0x2] =	wrdreg s2  }
0xa9: {  	[dreg:$0x3] =	wrdreg s4  }
0xaa: {  	[dreg:$0x4] =	wrdreg $0xC0  }
0xab: {  	_ =	task [dreg:s6], $0x5FFFF  }
0xac: {  	[dreg:$0x1] =	wrdreg $0xFFFFFFFF  }
0xad: {  	[dreg:$0x0] =	wrdreg $0x60  }
0xae: {  	[dreg:$0x2] =	wrdreg s24  }
0xaf: {  	[dreg:$0x3] =	wrdreg $0x38400  }
0xb0: {  	[dreg:$0x4] =	wrdreg $0x9  }
0xb1: {  	_ =	task.clear_ibuf [dreg:s6], $0x5FFFF;
	_ =	strace $0x90000049  }
0xb2: {  	s29 =	simm.s32 $0x9;
	_ =	strace $0x8000004B  }
0xb3: {  	_ =	swait.ge [sflag:s29], $0x1  }
0xb4: {  	[sflag:s29] =	ssyncadd.s32 $0xFFFFFFFF  }
0xb5: {  	_ =	strace $0x9000004B  }
0xb6: {  	_ =	sfence  }
0xb7: {  	s30 =	sld [smem:$0x0];
	_ =	sdelay $0x2  }
0xb8: {  	s31 =	sshll.u32 s1, $0xD;
	s1 =	sshrl.u32 s1, $0x2  }
0xb9: {  	s3 =	sand.u32 $0x4000, s31;
	s1 =	sadd.s32 s1, s30  }
0xba: {  	s0 =	sor.u32 s3, s0;
	s1 =	sshll.u32 s1, $0x11  }
0xbb: {  	s0 =	sor.u32 s1, s0  }
0xbc: {  	s0 =	sadd.s32 $0x8F2B, s0  }
0xbd: {  	[sflag:s0] =	ssyncadd.remote.s32 $0x1  }
0xbe: {  	_ =	sfence.sel $0xFFFF  }
0xbf: {  	[dreg:$0x0] =	wrdreg $0xFFFFFFFF;
	(pc) =	sbr.abs _section_cstart, $3  }
0xc0: {  	[dreg:$0x1] =	wrdreg $0xFFFFFFFF  }
0xc1: {  	_ =	task.clear_ibuf [dreg:s6], $0x2FFFF;
	_ =	strace $0x9FFFFFFF  }
0xc2: {  	(tm) =	ssettm $0x7FFFFFFF  }
0xc3: {  	_ =	shalt  }
tec
execute0_lowered:
.L_overlay_start_1:
0x0: {  	(tag) =	ssettag $0x1  }
0x1: {  	s5 =	rddreg [dreg:$0x0]  }
0x2: {  	s2 =	rddreg [dreg:$0x1]  }
0x3: {  	s3 =	simm.s32 $0x0;
	s0 =	stileid.u32;
	s4 =	srdreg.scid  }
0x4: {  	s18 =	simm.s32 $0x1;
	s19 =	simm.s32 $0x190;
	s20 =	simm.s32 $0x640  }
0x5: {  	s21 =	simm.s32 $0x4B0;
	s22 =	simm.s32 $0x0;
	[smem:$0x7FF] =	sst s3  }
0x6: {  	s6 =	smul.u32 $0x18800, s0;
	s7 =	sand.u32 $0x1, s4;
	s14 =	sadd.s32 $0x1E00, s5  }
0x7: {  	s4 =	sadd.s32 $0x1EBA00, s5;
	s29 =	smul.u32 $0xC350, s0;
	s30 =	sshll.u32 s0, $0x6  }
0x8: {  	_ =	strace $0x8000004A;
	s9 =	smul.u32 $0x188000, s7;
	s10 =	sshll.u32 s7, $0x4  }
0x9: {  	s11 =	ssub.s32 $0x2, s7;
	s26 =	smul.u32 $0xC3500, s7;
	s7 =	sor.u32 $0x1C05, s30  }
0xa: {  	s8 =	sshrl.u32 s6, $0x3;
	s10 =	sor.u32 s0, s10;
	s12 =	sshrl.u32 s11, $0x1  }
0xb: {  	s15 =	sadd.s32 s6, s2;
	s8 =	sadd.s32 s8, s5;
	s9 =	sadd.s32 s6, s9  }
0xc: {  	s10 =	smul.u32 $0xC350, s10;
	s12 =	ssub.s32 s11, s12;
	s16 =	sadd.s32 s29, s26  }
0xd: {  	s15 =	sshrl.u32 s15, $0x3;
	s9 =	sshrl.u32 s9, $0x3;
	s17 =	sadd.s32 $0x320, s16  }
0xe: {  	s16 =	sadd.s32 $0x186D20, s16;
	s12 =	smax.u32 s12, $0x1;
	s13 =	sadd.s32 s9, s5  }
0xf: {  	s28 =	sshrl.u32 s10, $0x3;
	s5 =	sadd.s32 $0x21CA00, s8;
	s31 =	sshrl.u32 s17, $0x3  }
0x10: {  	s16 =	sshrl.u32 s16, $0x3;
	s6 =	sadd.s32 s14, s28;
	s11 =	sadd.s32 $0x24DA00, s13  }
0x11: {  	s13 =	sadd.s32 s31, s14;
	s14 =	sadd.s32 s16, s14;
	s16 =	simm.s32 $0x5  }
0x12: {  	s8 =	sadd.s32 $0x30D40, s6;
	s9 =	sadd.s32 $0x32, s6;
	s10 =	sadd.s32 $0x30D72, s6  }
.LBB2_1:
0x13: {  	[spmem:s15], [sflag:s7] =	dma.local [hbm:s5], $0x3100  }
0x14: {  	_ =	swait.ge [sflag:s16], $0x3100  }
0x15: {  	[sflag:s16] =	ssyncset.done $0x0  }
0x16: {  	[sflag:s16] =	ssyncadd.s32 $0xFFFFCF00  }
0x17: {  	[bflag:$0x0] =	sbarrier.arrive $0xFFFF  }
0x18: {  	[tilespmem:s3], [sflag:$0x1] =	stream.linear.gather [hbm4b:s6+s3], $0x190, $0x38;
	[tilespmem:$0x1C040] =	vst v63  }
0x19: {  	s0 =	simm.s32 $0x320  }
0x1a: {  	[tilespmem:s0], [sflag:$0x1] =	stream.linear.gather [hbm4b:s8+s3], $0x190, $0x38;
	[tilespmem:$0x1C040] =	vst v63  }
0x1b: {  	_ =	swait.ge [sflag:s18], $0x190  }
0x1c: {  	[sflag:s18] =	ssyncset.done $0x0  }
0x1d: {  	[sflag:s18] =	ssyncadd.s32 $0xFFFFFE70  }
0x1e: {  	_ =	swait.ge [sflag:s18], $0x190  }
0x1f: {  	[sflag:s18] =	ssyncset.done $0x0  }
0x20: {  	s23 =	sand.u32 $0x1, s3;
	[sflag:s18] =	ssyncadd.s32 $0xFFFFFE70  }
0x21: {  	[tilespmem:s20], [sflag:$0x3] =	stream.indirect.gather [hbm4b:s4+s19], $0x10, s3, s19, $0xb8;
	[tilespmem:$0x1C040] =	vst v63  }
0x22: {  	p0 =	seq.s32 s23, $0x1  }
0x23: {  	[tilespmem:s19], [sflag:$0x2] =	stream.linear.gather [hbm4b:s9+s3], $0x190, $0x38;
	[tilespmem:$0x1C040] =	vst v63  }
0x24: {  	s23 =	simm.s32 @p0 $0x1  }
0x25: {  	[tilespmem:s21], [sflag:$0x2] =	stream.linear.gather [hbm4b:s10+s3], $0x190, $0x38;
	[tilespmem:$0x1C040] =	vst v63  }
0x26: {  	_ =	swait.ge @p0 [sflag:s23], $0x190;
	p0 =	por p0, p0  }
0x27: {  	[sflag:s23] =	ssyncset.done @p0 $0x0  }
0x28: {  	[sflag:s23] =	ssyncadd.s32 @p0 $0xFFFFFE70  }
0x29: {  	_ =	swait.ge @p0 [sflag:s23], $0x190  }
0x2a: {  	[sflag:s23] =	ssyncset.done @p0 $0x0  }
0x2b: {  	s24 =	simm.s32 @p0 $0x4;
	[sflag:s23] =	ssyncadd.s32 @p0 $0xFFFFFE70  }
0x2c: {  	_ =	swait.ge @p0 [sflag:s24], $0x1900  }
0x2d: {  	s25 =	simm.s32 @p0 $0x190;
	[sflag:s24] =	ssyncset.done @p0 $0x0  }
0x2e: {  	s26 =	simm.s32 @p0 $0x0;
	s23 =	simm.s32 @p0 $0x640;
	[sflag:s24] =	ssyncadd.s32 @p0 $0xFFFFE700  }
0x2f: {  	[tilespmem:s23], [sflag:$0x3] =	stream.indirect.gather @p0 [hbm4b:s4+s25], $0x10, s26, s25, $0xb8;
	[tilespmem:$0x1C040] =	vst v63  }
0x30: {  	s24 =	simm.s32 @p0 $0x1F40;
	s23 =	simm.s32 @p0 $0x4B0;
	s26 =	simm.s32 @p0 $0x5  }
0x31: {  	[spmem:s2] =	stream.indirect.scatter.add.f32 @p0 [tilespmem:s24], [sflag:$0x5], $0x10, s23, s25, $0xb8;
	[tilespmem:$0x1C040] =	vst v63  }
0x32: {  	p1 =	por @p0 $0x0, $0x0;
	_ =	swait.ge @p0 [sflag:s26], $0x1900  }
0x33: {  	p2 =	por @!p0 $0x0, $0x0;
	p1 =	por p1, !p0;
	[sflag:s26] =	ssyncset.done @p0 $0x0  }
0x34: {  	s23 =	simm.s32 @!p1 $0x0;
	s24 =	simm.s32 @!p1 $0x190;
	[sflag:s26] =	ssyncadd.s32 @p0 $0xFFFFE700  }
0x35: {  	[tilespmem:s24], [sflag:$0x2] =	stream.linear.gather @!p1 [hbm4b:s13+s23], $0x190, $0x38;
	[tilespmem:$0x1C040] =	vst v63  }
0x36: {  	p3 =	por !p2, p0;
	s24 =	simm.s32 @!p1 $0x4B0  }
0x37: {  	[tilespmem:s24], [sflag:$0x2] =	stream.linear.gather @!p1 [hbm4b:s14+s23], $0x190, $0x38;
	[tilespmem:$0x1C040] =	vst v63  }
0x38: {  	s23 =	simm.s32 @!p3 $0x3  }
0x39: {  	_ =	swait.ge @!p3 [sflag:s23], $0x1900  }
0x3a: {  	p1 =	por p2, p0;
	[sflag:s23] =	ssyncset.done @!p3 $0x0  }
0x3b: {  	s24 =	simm.s32 @!p1 $0x2;
	[sflag:s23] =	ssyncadd.s32 @!p3 $0xFFFFE700  }
0x3c: {  	_ =	swait.ge @!p1 [sflag:s24], $0x190  }
0x3d: {  	[sflag:s24] =	ssyncset.done @!p1 $0x0  }
0x3e: {  	[sflag:s24] =	ssyncadd.s32 @!p1 $0xFFFFFE70  }
0x3f: {  	_ =	swait.ge @!p1 [sflag:s24], $0x190  }
0x40: {  	[sflag:s24] =	ssyncset.done @!p1 $0x0  }
0x41: {  	s29 =	smov.u32 s13;
	s25 =	simm.s32 @!p1 $0x3;
	[sflag:s24] =	ssyncadd.s32 @!p1 $0xFFFFFE70  }
0x42: {  	s31 =	simm.s32 @!p0 $0x5;
	s26 =	simm.s32 $0x2;
	_ =	swait.ge @!p1 [sflag:s25], $0x1900  }
0x43: {  	s28 =	simm.s32 @!p1 $0x1F40;
	s23 =	simm.s32 $0x1;
	[sflag:s25] =	ssyncset.done @!p1 $0x0  }
0x44: {  	s24 =	simm.s32 @!p1 $0x190;
	[sflag:s25] =	ssyncadd.s32 @!p1 $0xFFFFE700;
	s25 =	simm.s32 @!p0 $0x320  }
0x45: {  	[tilespmem:s28], [sflag:$0x4] =	stream.indirect.gather @!p1 [hbm4b:s4+s24], $0x10, s24, s24, $0xb8;
	[tilespmem:$0x1C040] =	vst v63  }
0x46: {  	s24 =	simm.s32 @!p0 $0x190;
	s28 =	simm.s32 @!p0 $0x640;
	p1 =	por @!p0 $0x0, $0x0  }
0x47: {  	[spmem:s2] =	stream.indirect.scatter.add.f32 @!p0 [tilespmem:s28], [sflag:$0x5], $0x10, s25, s24, $0xb8;
	[tilespmem:$0x1C040] =	vst v63  }
0x48: {  	s30 =	sand.u32 $0x1, s23;
	p2 =	por p1, p0;
	s24 =	sadd.s32 $0x32, s14  }
0x49: {  	s25 =	sadd.s32 $0x32, s13;
	s28 =	smov.u32 s14;
	_ =	swait.ge @!p0 [sflag:s31], $0x1900  }
.LBB2_2:
0x4a: {  	p3 =	seq.s32 s30, $0x1;
	[sflag:s31] =	ssyncset.done @!p0 $0x0  }
0x4b: {  	s0 =	simm.s32 @!p2 $0x0;
	s30 =	smov.u32 s23;
	s23 =	smov.u32 s26  }
0x4c: {  	s26 =	sadd.s32 $0x1, s26;
	[sflag:s31] =	ssyncadd.s32 @!p0 $0xFFFFE700;
	s31 =	simm.s32 @!p2 $0x320  }
0x4d: {  	[tilespmem:s0], [sflag:$0x1] =	stream.linear.gather @!p2 [hbm4b:s29+s0], $0x190, $0x38;
	[tilespmem:$0x1C040] =	vst v63  }
0x4e: {  	p1 =	sne.s32 s26, $0x7D;
	s1 =	simm.s32 @p3 $0x1;
	s29 =	smov.u32 s25  }
0x4f: {  	[tilespmem:s31], [sflag:$0x1] =	stream.linear.gather @!p2 [hbm4b:s28+s0], $0x190, $0x38;
	[tilespmem:$0x1C040] =	vst v63  }
0x50: {  	p0 =	por p3, p3;
	s28 =	smov.u32 s24;
	_ =	swait.ge @p3 [sflag:s1], $0x190  }
0x51: {  	[sflag:s1] =	ssyncset.done @p0 $0x0  }
0x52: {  	[sflag:s1] =	ssyncadd.s32 @p0 $0xFFFFFE70  }
0x53: {  	_ =	swait.ge @p0 [sflag:s1], $0x190  }
0x54: {  	s0 =	simm.s32 @p0 $0x4;
	[sflag:s1] =	ssyncset.done @p0 $0x0  }
0x55: {  	[sflag:s1] =	ssyncadd.s32 @p0 $0xFFFFFE70  }
0x56: {  	s1 =	simm.s32 @p0 $0x640;
	_ =	swait.ge @p0 [sflag:s0], $0x1900  }
0x57: {  	s17 =	simm.s32 @p0 $0x0;
	s31 =	simm.s32 @p0 $0x190;
	[sflag:s0] =	ssyncset.done @p0 $0x0  }
0x58: {  	p2 =	sgt.u32 @p0 s30, $0x7A;
	[sflag:s0] =	ssyncadd.s32 @p0 $0xFFFFE700  }
0x59: {  	[tilespmem:s1], [sflag:$0x3] =	stream.indirect.gather @p0 [hbm4b:s4+s31], $0x10, s17, s31, $0xb8;
	[tilespmem:$0x1C040] =	vst v63  }
0x5a: {  	s0 =	simm.s32 @p0 $0x4B0;
	s1 =	simm.s32 @p0 $0x1F40;
	s17 =	simm.s32 @p0 $0x5  }
0x5b: {  	[spmem:s2] =	stream.indirect.scatter.add.f32 @p0 [tilespmem:s1], [sflag:$0x5], $0x10, s0, s31, $0xb8;
	[tilespmem:$0x1C040] =	vst v63  }
0x5c: {  	p2 =	por p2, !p0;
	_ =	swait.ge @p0 [sflag:s17], $0x1900  }
0x5d: {  	s0 =	simm.s32 @!p2 $0x0;
	s1 =	simm.s32 @!p2 $0x190;
	[sflag:s17] =	ssyncset.done @p0 $0x0  }
0x5e: {  	p3 =	seq.s32 @!p0 s30, $0x7C;
	[sflag:s17] =	ssyncadd.s32 @p0 $0xFFFFE700  }
0x5f: {  	[tilespmem:s1], [sflag:$0x2] =	stream.linear.gather @!p2 [hbm4b:s25+s0], $0x190, $0x38;
	[tilespmem:$0x1C040] =	vst v63  }
0x60: {  	p4 =	por !p3, p0;
	s1 =	simm.s32 @!p2 $0x4B0  }
0x61: {  	[tilespmem:s1], [sflag:$0x2] =	stream.linear.gather @!p2 [hbm4b:s24+s0], $0x190, $0x38;
	[tilespmem:$0x1C040] =	vst v63  }
0x62: {  	s0 =	simm.s32 @!p4 $0x3  }
0x63: {  	p2 =	por p3, p0;
	_ =	swait.ge @!p4 [sflag:s0], $0x1900  }
0x64: {  	s1 =	simm.s32 @!p2 $0x2;
	[sflag:s0] =	ssyncset.done @!p4 $0x0  }
0x65: {  	[sflag:s0] =	ssyncadd.s32 @!p4 $0xFFFFE700  }
0x66: {  	_ =	swait.ge @!p2 [sflag:s1], $0x190  }
0x67: {  	[sflag:s1] =	ssyncset.done @!p2 $0x0  }
0x68: {  	[sflag:s1] =	ssyncadd.s32 @!p2 $0xFFFFFE70  }
0x69: {  	_ =	swait.ge @!p2 [sflag:s1], $0x190  }
0x6a: {  	s0 =	simm.s32 @!p2 $0x3;
	[sflag:s1] =	ssyncset.done @!p2 $0x0  }
0x6b: {  	s31 =	simm.s32 @!p0 $0x5;
	[sflag:s1] =	ssyncadd.s32 @!p2 $0xFFFFFE70  }
0x6c: {  	s25 =	sadd.s32 $0x32, s25;
	s24 =	sadd.s32 $0x32, s24;
	_ =	swait.ge @!p2 [sflag:s0], $0x1900  }
0x6d: {  	s17 =	simm.s32 @!p2 $0x1F40;
	s1 =	simm.s32 @!p2 $0x190;
	[sflag:s0] =	ssyncset.done @!p2 $0x0  }
.Ltmp0:
0x6e: {  	p3 =	sgt.u32 @!p0 s30, $0x7A;
	[sflag:s0] =	ssyncadd.s32 @!p2 $0xFFFFE700;
	(pc) =	sbr.rel @p1 .LBB2_2-.Ltmp0, $4  }
0x6f: {  	[tilespmem:s17], [sflag:$0x4] =	stream.indirect.gather @!p2 [hbm4b:s4+s1], $0x10, s1, s1, $0xb8;
	[tilespmem:$0x1C040] =	vst v63  }
0x70: {  	s0 =	simm.s32 @!p0 $0x190;
	s1 =	simm.s32 @!p0 $0x320;
	s17 =	simm.s32 @!p0 $0x640  }
0x71: {  	[spmem:s2] =	stream.indirect.scatter.add.f32 @!p0 [tilespmem:s17], [sflag:$0x5], $0x10, s1, s0, $0xb8;
	[tilespmem:$0x1C040] =	vst v63  }
0x72: {  	s30 =	sand.u32 $0x1, s23;
	p2 =	por p3, p0;
	_ =	swait.ge @!p0 [sflag:s31], $0x1900  }
0x73: {  	[sflag:s31] =	ssyncset.done @!p0 $0x0  }
0x74: {  	p1 =	seq.s32 s30, $0x1;
	s0 =	simm.s32 @!p2 $0x0;
	[sflag:s31] =	ssyncadd.s32 @!p0 $0xFFFFE700  }
0x75: {  	[tilespmem:s0], [sflag:$0x1] =	stream.linear.gather @!p2 [hbm4b:s29+s0], $0x190, $0x38;
	[tilespmem:$0x1C040] =	vst v63  }
0x76: {  	s1 =	simm.s32 @!p2 $0x320;
	s17 =	simm.s32 @p1 $0x1  }
0x77: {  	[tilespmem:s1], [sflag:$0x1] =	stream.linear.gather @!p2 [hbm4b:s28+s0], $0x190, $0x38;
	[tilespmem:$0x1C040] =	vst v63  }
0x78: {  	p0 =	por p1, p1;
	_ =	swait.ge @p1 [sflag:s17], $0x190  }
0x79: {  	[sflag:s17] =	ssyncset.done @p0 $0x0  }
0x7a: {  	[sflag:s17] =	ssyncadd.s32 @p0 $0xFFFFFE70  }
0x7b: {  	_ =	swait.ge @p0 [sflag:s17], $0x190  }
0x7c: {  	[sflag:s17] =	ssyncset.done @p0 $0x0  }
0x7d: {  	s0 =	simm.s32 @p0 $0x4;
	[sflag:s17] =	ssyncadd.s32 @p0 $0xFFFFFE70  }
0x7e: {  	_ =	swait.ge @p0 [sflag:s0], $0x1900  }
0x7f: {  	s26 =	simm.s32 @p0 $0x0;
	[sflag:s0] =	ssyncset.done @p0 $0x0  }
0x80: {  	s1 =	simm.s32 @p0 $0x640;
	s17 =	simm.s32 @p0 $0x190;
	[sflag:s0] =	ssyncadd.s32 @p0 $0xFFFFE700  }
0x81: {  	[tilespmem:s1], [sflag:$0x3] =	stream.indirect.gather @p0 [hbm4b:s4+s17], $0x10, s26, s17, $0xb8;
	[tilespmem:$0x1C040] =	vst v63  }
0x82: {  	s0 =	simm.s32 @p0 $0x4B0;
	s1 =	simm.s32 @p0 $0x1F40;
	s26 =	simm.s32 @p0 $0x5  }
0x83: {  	[spmem:s2] =	stream.indirect.scatter.add.f32 @p0 [tilespmem:s1], [sflag:$0x5], $0x10, s0, s17, $0xb8;
	[tilespmem:$0x1C040] =	vst v63  }
0x84: {  	p1 =	sgt.u32 @p0 s23, $0x7A;
	_ =	swait.ge @p0 [sflag:s26], $0x1900  }
0x85: {  	p2 =	seq.s32 @!p0 s23, $0x7C;
	p1 =	por p1, !p0;
	[sflag:s26] =	ssyncset.done @p0 $0x0  }
0x86: {  	s0 =	simm.s32 @!p1 $0x0;
	s1 =	simm.s32 @!p1 $0x190;
	[sflag:s26] =	ssyncadd.s32 @p0 $0xFFFFE700  }
0x87: {  	[tilespmem:s1], [sflag:$0x2] =	stream.linear.gather @!p1 [hbm4b:s25+s0], $0x190, $0x38;
	[tilespmem:$0x1C040] =	vst v63  }
0x88: {  	p3 =	por !p2, p0;
	s1 =	simm.s32 @!p1 $0x4B0  }
0x89: {  	[tilespmem:s1], [sflag:$0x2] =	stream.linear.gather @!p1 [hbm4b:s24+s0], $0x190, $0x38;
	[tilespmem:$0x1C040] =	vst v63  }
0x8a: {  	s0 =	simm.s32 @!p3 $0x3  }
0x8b: {  	_ =	swait.ge @!p3 [sflag:s0], $0x1900  }
0x8c: {  	p1 =	por p2, p0;
	[sflag:s0] =	ssyncset.done @!p3 $0x0  }
0x8d: {  	s1 =	simm.s32 @!p1 $0x2;
	[sflag:s0] =	ssyncadd.s32 @!p3 $0xFFFFE700  }
0x8e: {  	_ =	swait.ge @!p1 [sflag:s1], $0x190  }
0x8f: {  	[sflag:s1] =	ssyncset.done @!p1 $0x0  }
0x90: {  	[sflag:s1] =	ssyncadd.s32 @!p1 $0xFFFFFE70  }
0x91: {  	_ =	swait.ge @!p1 [sflag:s1], $0x190  }
0x92: {  	[sflag:s1] =	ssyncset.done @!p1 $0x0  }
0x93: {  	s0 =	simm.s32 @!p1 $0x3;
	[sflag:s1] =	ssyncadd.s32 @!p1 $0xFFFFFE70  }
0x94: {  	_ =	swait.ge @!p1 [sflag:s0], $0x1900  }
0x95: {  	s17 =	simm.s32 @!p1 $0x190;
	[sflag:s0] =	ssyncset.done @!p1 $0x0  }
0x96: {  	s26 =	simm.s32 @!p1 $0x1F40;
	s1 =	simm.s32 @!p0 $0x5;
	[sflag:s0] =	ssyncadd.s32 @!p1 $0xFFFFE700  }
0x97: {  	[tilespmem:s26], [sflag:$0x4] =	stream.indirect.gather @!p1 [hbm4b:s4+s17], $0x10, s17, s17, $0xb8;
	[tilespmem:$0x1C040] =	vst v63  }
0x98: {  	s0 =	simm.s32 @!p0 $0x190;
	s17 =	simm.s32 @!p0 $0x320;
	s26 =	simm.s32 @!p0 $0x640  }
0x99: {  	[spmem:s2] =	stream.indirect.scatter.add.f32 @!p0 [tilespmem:s26], [sflag:$0x5], $0x10, s17, s0, $0xb8;
	[tilespmem:$0x1C040] =	vst v63  }
0x9a: {  	p1 =	sgt.u32 @!p0 s23, $0x7A;
	_ =	swait.ge @!p0 [sflag:s1], $0x1900  }
0x9b: {  	p1 =	por p1, p0;
	[sflag:s1] =	ssyncset.done @!p0 $0x0  }
0x9c: {  	s22 =	sadd.s32 $0x1, s22;
	s0 =	simm.s32 @!p1 $0x0;
	[sflag:s1] =	ssyncadd.s32 @!p0 $0xFFFFE700  }
0x9d: {  	[tilespmem:s0], [sflag:$0x1] =	stream.linear.gather @!p1 [hbm4b:s25+s0], $0x190, $0x38;
	[tilespmem:$0x1C040] =	vst v63  }
0x9e: {  	s1 =	simm.s32 @!p1 $0x320;
	p0 =	sne.s32 s22, s12  }
0x9f: {  	[tilespmem:s1], [sflag:$0x1] =	stream.linear.gather @!p1 [hbm4b:s24+s0], $0x190, $0x38;
	[tilespmem:$0x1C040] =	vst v63  }
.Ltmp1:
0xa0: {  	[bflag:$0x0] =	sbarrier.arrive $0xFFFF;
	(pc) =	sbr.rel @p0 .LBB2_1-.Ltmp1, $4  }
0xa1: {  	[hbm:s11], [sflag:s7] =	dma.local [spmem:s15], $0x3100  }
0xa2: {  	_ =	swait.ge [sflag:s16], $0x3100  }
0xa3: {  	[sflag:s16] =	ssyncset.done $0x0  }
0xa4: {  	[sflag:s16] =	ssyncadd.s32 $0xFFFFCF00  }
0xa5: {  	_ =	sfence.sel $0x180000  }
0xa6: {  	[bflag:$0x0] =	sbarrier.arrive $0xFFFF  }
0xa7: {  	_ =	strace $0x9000004A  }
0xa8: {  	s0 =	stileid.u32;
	[bflag:$0x2] =	sbarrier.arrive $0xFFFF  }
0xa9: {  	p0 =	sne.s32 s0, $0x0;
	s0 =	rddreg [dreg:$0x2]  }
0xaa: {  	s0 =	sadd.s32 @!p0 $0x100000, s0  }
0xab: {  	[sflag:s0] =	ssyncadd.tile.s32 @!p0 $0x1;
	_ =	shalt  }
.Lfunc_end2:
_tile_overlayer_lowered:
.L_overlay_start_2:
0xac: {  	(tag) =	ssettag $0x2  }
0xad: {  	s0 =	rddreg [dreg:$0x0];
	s2 =	stileid.u32  }
0xae: {  	s1 =	rddreg [dreg:$0x1];
	p0 =	sne.s32 s2, $0x0  }
0xaf: {  	s3 =	rddreg [dreg:$0x2];
	[bflag:$0x3] =	sbarrier.arrive $0xFFFF;
	s2 =	simm.s32 @!p0 $0x1C05  }
0xb0: {  	[timem:s3], [sflag:s2] =	dma.local @!p0 [hbm:s0], s1  }
0xb1: {  	s0 =	simm.s32 @!p0 $0x5  }
0xb2: {  	_ =	swait.ge @!p0 [sflag:s0], s1  }
0xb3: {  	s1 =	ssub.s32 @!p0 $0x0, s1;
	[sflag:s0] =	ssyncset.done @!p0 $0x0  }
0xb4: {  	[sflag:s0] =	ssyncadd.s32 @!p0 s1  }
0xb5: {  	[bflag:$0x3] =	sbarrier.arrive $0xFFFF  }
0xb6: {  	_ =	shalt  }

// kernel: kernel.14.cloned.1.call-start
scs
__scs_entry_jumppad:
0x0: {  	(pc) =	sbr.rel $0x88, $3  }
0x1: {  	(tag) =	ssettag $0x0;
	lr =	simm.s32 $0x1  }
0x2: {  	[smem:$0x3F97] =	sst lr;
	_ =	strace $0xD0000000  }
0x3: {  	_ = 	snop  }
0x4: {  	_ = 	snop  }
0x5: {  	_ = 	snop  }
0x6: {  	_ = 	snop  }
0x7: {  	_ = 	snop  }
__scs_overlays_trampoline_lowered:
0x8: {  	[smem:$0x3FA6] =	sst s0  }
0x9: {  	[smem:$0x3FA7] =	sst s1  }
0xa: {  	[smem:$0x3FA8] =	sst s2  }
0xb: {  	[smem:$0x3FA9] =	sst s3  }
0xc: {  	[smem:$0x3FAA] =	sst s4  }
0xd: {  	[smem:$0x3FAB] =	sst s5  }
0xe: {  	[smem:$0x3FAC] =	sst s6  }
0xf: {  	[smem:$0x3FAD] =	sst s7  }
0x10: {  	[smem:$0x3FAE] =	sst s8  }
0x11: {  	[smem:$0x3FAF] =	sst s9;
	s0 =	simm.s32 @!p0 $0x0  }
0x12: {  	s1 =	sld [smem:$0x3F95];
	s0 =	simm.s32 @p0 $0x1  }
0x13: {  	[smem:$0x3FB0] =	sst s0;
	s0 =	simm.s32 @!p1 $0x0  }
0x14: {  	s2 =	sld [smem:$0x3F94];
	s0 =	simm.s32 @p1 $0x1  }
0x15: {  	[smem:$0x3FB1] =	sst s0;
	s0 =	simm.s32 @!p2 $0x0  }
0x16: {  	s3 =	sld [smem:$0x3FDB];
	s0 =	simm.s32 @p2 $0x1  }
0x17: {  	s4 =	simm.s32 $0x1BF5;
	[smem:$0x3FB3] =	sst s0  }
0x18: {  	s0 =	sld [smem:$0x3F96];
	_ =	swait.ge [sflag:s4], $0x0  }
0x19: {  	s7 =	sld [smem:$0x3F97]  }
0x1a: {  	s8 =	sadd.s32 $0xFFFFE003, lr  }
0x1b: {  	s9 =	sadd.s32 $0xFFFFFEF7, lr;
	s5 =	simm.s32 $0xFFFFFFFF;
	p2 =	slt.u32 s8, $0xFFFFF086  }
0x1c: {  	p1 =	slt.u32 s9, $0xF7A;
	s5 =	simm.s32 @!p2 $0x0  }
0x1d: {  	s5 =	simm.s32 @p1 $0x1;
	p0 =	seq.s32 s7, s2  }
0x1e: {  	s7 =	smul.u32 @!p0 $0xF7A, s2;
	p2 =	seq.s32 @!p0 s5, $0x0  }
0x1f: {  	s9 =	smul.u32 $0xF7A, s1;
	s8 =	simm.s32 @!p0 $0x1BF5;
	p2 =	por !p2, p0  }
0x20: {  	[sflag:s8] =	ssyncset.s32 @!p0 $0xFFFFF086;
	s6 =	sadd.s32 @!p0 s3, s7;
	s7 =	simm.s32 @!p0 $0x108  }
0x21: {  	s3 =	sadd.s32 s3, s9;
	s6 =	sadd.s32 @!p0 $0x88, s6;
	s7 =	simm.s32 @p2 $0x1082  }
0x22: {  	[simem:s7], [sflag:s8] =	dma.local @!p0 [hbm:s6], $0xF7A  }
0x23: {  	s9 =	sor.u32 $0xD0000000, s2;
	s6 =	simm.s32 $0x108;
	_ =	swait.ge @!p0 [sflag:s8], $0x0  }
0x24: {  	s3 =	sadd.s32 $0x88, s3;
	s6 =	simm.s32 @!p1 $0x1082;
	[sflag:s4] =	ssyncset.s32 $0xFFFFF086  }
0x25: {  	[simem:s6], [sflag:s4] =	dma.local [hbm:s3], $0xF7A  }
0x26: {  	[smem:$0x3F97] =	sst s1;
	(tag) =	ssettag s2;
	_ =	strace s9  }
0x27: {  	s1 =	sld [smem:$0x3FA7]  }
0x28: {  	s2 =	sld [smem:$0x3FA8]  }
0x29: {  	s4 =	sld [smem:$0x3FAA]  }
0x2a: {  	p0 =	seq.s32 s5, $0x0;
	s5 =	sld [smem:$0x3FAB]  }
0x2b: {  	s6 =	sld [smem:$0x3FAC]  }
0x2c: {  	s7 =	sld [smem:$0x3FAD]  }
0x2d: {  	s3 =	simm.s32 $0x108;
	s8 =	sld [smem:$0x3FAE]  }
0x2e: {  	s3 =	simm.s32 @!p0 $0x1082;
	s9 =	sld [smem:$0x3FAF]  }
0x2f: {  	lr =	sadd.s32 s0, s3;
	s0 =	sld [smem:$0x3FA6]  }
0x30: {  	s3 =	sld [smem:$0x3FA9]  }
0x31: {  	[smem:$0x3FB2] =	sst s10  }
0x32: {  	s10 =	sld [smem:$0x3FB0];
	_ =	sdelay $0x3  }
0x33: {  	p0 =	seq.s32 s10, $0x1;
	s10 =	sld [smem:$0x3FB2];
	_ =	sdelay $0x3  }
0x34: {  	[smem:$0x3FB2] =	sst s10  }
0x35: {  	s10 =	sld [smem:$0x3FB1];
	_ =	sdelay $0x3  }
0x36: {  	p1 =	seq.s32 s10, $0x1;
	s10 =	sld [smem:$0x3FB2];
	_ =	sdelay $0x3  }
0x37: {  	[smem:$0x3FB2] =	sst s10  }
0x38: {  	s10 =	sld [smem:$0x3FB3]  }
0x39: {  	_ = 	snop;
	(pc) =	sbr.ind lr, $3  }
0x3a: {  	_ = 	snop  }
0x3b: {  	_ = 	snop  }
0x3c: {  	p2 =	seq.s32 s10, $0x1;
	s10 =	sld [smem:$0x3FB2]  }
0x3d: {  	_ =	shalt  }
0x3e: {  	_ =	shalt  }
0x3f: {  	_ =	shalt  }
0x40: {  	_ =	shalt  }
0x41: {  	_ =	shalt  }
0x42: {  	_ =	shalt  }
0x43: {  	_ =	shalt  }
0x44: {  	_ =	shalt  }
0x45: {  	_ =	shalt  }
0x46: {  	_ =	shalt  }
0x47: {  	_ =	shalt  }
0x48: {  	_ =	shalt  }
0x49: {  	_ =	shalt  }
0x4a: {  	_ =	shalt  }
0x4b: {  	_ =	shalt  }
0x4c: {  	_ =	shalt  }
0x4d: {  	_ =	shalt  }
0x4e: {  	_ =	shalt  }
0x4f: {  	_ =	shalt  }
0x50: {  	_ =	shalt  }
0x51: {  	_ =	shalt  }
0x52: {  	_ =	shalt  }
0x53: {  	_ =	shalt  }
0x54: {  	_ =	shalt  }
0x55: {  	_ =	shalt  }
0x56: {  	_ =	shalt  }
0x57: {  	_ =	shalt  }
0x58: {  	_ =	shalt  }
0x59: {  	_ =	shalt  }
0x5a: {  	_ =	shalt  }
0x5b: {  	_ =	shalt  }
0x5c: {  	_ =	shalt  }
0x5d: {  	_ =	shalt  }
0x5e: {  	_ =	shalt  }
0x5f: {  	_ =	shalt  }
0x60: {  	_ =	shalt  }
0x61: {  	_ =	shalt  }
0x62: {  	_ =	shalt  }
0x63: {  	_ =	shalt  }
0x64: {  	_ =	shalt  }
0x65: {  	_ =	shalt  }
0x66: {  	_ =	shalt  }
0x67: {  	_ =	shalt  }
0x68: {  	_ =	shalt  }
0x69: {  	_ =	shalt  }
0x6a: {  	_ =	shalt  }
0x6b: {  	_ =	shalt  }
0x6c: {  	_ =	shalt  }
0x6d: {  	_ =	shalt  }
0x6e: {  	_ =	shalt  }
0x6f: {  	_ =	shalt  }
0x70: {  	_ =	shalt  }
0x71: {  	_ =	shalt  }
0x72: {  	_ =	shalt  }
0x73: {  	_ =	shalt  }
0x74: {  	_ =	shalt  }
0x75: {  	_ =	shalt  }
0x76: {  	_ =	shalt  }
0x77: {  	_ =	shalt  }
0x78: {  	_ =	shalt  }
0x79: {  	_ =	shalt  }
0x7a: {  	_ =	shalt  }
0x7b: {  	_ =	shalt  }
0x7c: {  	_ =	shalt  }
0x7d: {  	_ =	shalt  }
0x7e: {  	_ =	shalt  }
0x7f: {  	_ =	shalt  }
0x80: {  	_ =	shalt  }
0x81: {  	_ =	shalt  }
0x82: {  	_ =	shalt  }
0x83: {  	_ =	shalt  }
0x84: {  	_ =	shalt  }
0x85: {  	_ =	shalt  }
0x86: {  	_ =	shalt  }
0x87: {  	_ =	shalt  }
.Lfunc_end0:
.L_simem_size_0:
called_computation.2_lowered:
.L_overlay_start_0:
0x88: {  	s2 =	sld [smem:$0x3FD9]  }
0x89: {  	s3 =	sld [smem:$0x3FFE];
	_ =	sdelay $0x1  }
0x8a: {  	s1 =	srdreg.scid  }
0x8b: {  	s0 =	sand.u32 $0x1, s1  }
0x8c: {  	s16 =	sshll.u32 s0, $0xA;
	s2 =	sadd.s32 s3, s2  }
0x8d: {  	s2 =	sadd.s32 s2, s16  }
0x8e: {  	[smem:$0x3FBE] =	sst s2  }
0x8f: {  	_ = 	snop  }
0x90: {  	(tm) =	ssettm $0x1  }
0x91: {  	s17 =	sld [smem:$0x3FFB];
	_ =	sdelay $0x3  }
0x92: {  	_ =	strace s17  }
0x93: {  	s2 =	sld [smem:$0x3FFC];
	_ =	sdelay $0x3  }
0x94: {  	_ =	strace s2  }
0x95: {  	s2 =	sld [smem:$0x3FFD];
	_ =	sdelay $0x3  }
0x96: {  	_ =	strace s2  }
0x97: {  	_ =	strace $0x8FFFFFFF  }
0x98: {  	s18 =	sld [smem:$0x3FDB];
	_ =	sdelay $0x1  }
0x99: {  	s19 =	simm.s32 $_scs_section_size  }
0x9a: {  	s4 =	simm.s32 $_size__tile_overlayer_lowered;
	s5 =	simm.s32 $_tile_overlayer_lowered  }
0x9b: {  	s22 =	simm.s32 $0x1BFF;
	s21 =	sshll.u32 s5, $0x1;
	s2 =	sadd.s32 s19, s18  }
0x9c: {  	s6 =	simm.s32 $0x0;
	s20 =	sshll.u32 s4, $0x1;
	s4 =	sadd.s32 s21, s2  }
0x9d: {  	[timem:s6], [sflag:s22] =	dma.local [hbm:s4], s20  }
0x9e: {  	_ =	swait.ge [sflag:s22], s20  }
0x9f: {  	s3 =	ssub.s32 $0x0, s20;
	[sflag:s22] =	ssyncset.done $0x0  }
0xa0: {  	[sflag:s22] =	ssyncadd.s32 s3;
	_ =	sdelay $0x1  }
0xa1: {  	s23 =	simm.s32 $0x1B8B  }
0xa2: {  	_ =	swait.ge [sflag:s23], $0x1  }
0xa3: {  	[sflag:s23] =	ssyncset.done $0x0  }
0xa4: {  	s25 =	simm.s32 $0x1B8E;
	s24 =	sld [smem:$0x3FFE];
	[sflag:s23] =	ssyncadd.s32 $0xFFFFFFFF  }
0xa5: {  	s26 =	simm.s32 $execute0_lowered;
	[smem:$0x3FD2] =	sst s25  }
0xa6: {  	s4 =	sshll.u32 s26, $0x1;
	_ =	strace $0x8000004C;
	[dreg:$0x1] =	wrdreg $0xFFFFFFFF  }
0xa7: {  	s28 =	simm.s32 $_size_execute0_lowered;
	s2 =	sadd.s32 s2, s4;
	[dreg:$0x0] =	wrdreg $0x0  }
0xa8: {  	s4 =	sshll.u32 s28, $0x1;
	[dreg:$0x2] =	wrdreg s2  }
0xa9: {  	[dreg:$0x3] =	wrdreg s4  }
0xaa: {  	[dreg:$0x4] =	wrdreg $0xC0  }
0xab: {  	_ =	task [dreg:s6], $0x5FFFF  }
0xac: {  	[dreg:$0x1] =	wrdreg $0xFFFFFFFF  }
0xad: {  	[dreg:$0x0] =	wrdreg $0x60  }
0xae: {  	[dreg:$0x2] =	wrdreg s24  }
0xaf: {  	[dreg:$0x3] =	wrdreg $0x70800  }
0xb0: {  	[dreg:$0x4] =	wrdreg $0x9  }
0xb1: {  	_ =	task.clear_ibuf [dreg:s6], $0x5FFFF;
	_ =	strace $0x9000004C  }
0xb2: {  	s29 =	simm.s32 $0x9;
	_ =	strace $0x8000004E  }
0xb3: {  	_ =	swait.ge [sflag:s29], $0x1  }
0xb4: {  	[sflag:s29] =	ssyncadd.s32 $0xFFFFFFFF  }
0xb5: {  	_ =	strace $0x9000004E  }
0xb6: {  	_ =	sfence  }
0xb7: {  	s30 =	sld [smem:$0x0];
	_ =	sdelay $0x2  }
0xb8: {  	s31 =	sshll.u32 s1, $0xD;
	s1 =	sshrl.u32 s1, $0x2  }
0xb9: {  	s3 =	sand.u32 $0x4000, s31;
	s1 =	sadd.s32 s1, s30  }
0xba: {  	s0 =	sor.u32 s3, s0;
	s1 =	sshll.u32 s1, $0x11  }
0xbb: {  	s0 =	sor.u32 s1, s0  }
0xbc: {  	s0 =	sadd.s32 $0x8F2B, s0  }
0xbd: {  	[sflag:s0] =	ssyncadd.remote.s32 $0x1  }
0xbe: {  	_ =	sfence.sel $0xFFFF  }
0xbf: {  	[dreg:$0x0] =	wrdreg $0xFFFFFFFF;
	(pc) =	sbr.abs _section_cstart, $3  }
0xc0: {  	[dreg:$0x1] =	wrdreg $0xFFFFFFFF  }
0xc1: {  	_ =	task.clear_ibuf [dreg:s6], $0x2FFFF;
	_ =	strace $0x9FFFFFFF  }
0xc2: {  	(tm) =	ssettm $0x7FFFFFFF  }
0xc3: {  	_ =	shalt  }
tec
execute0_lowered:
.L_overlay_start_1:
0x0: {  	(tag) =	ssettag $0x1  }
0x1: {  	s6 =	rddreg [dreg:$0x0]  }
0x2: {  	s2 =	rddreg [dreg:$0x1];
	s3 =	simm.s32 $0x0;
	s1 =	stileid.u32  }
0x3: {  	s4 =	srdreg.scid;
	s19 =	simm.s32 $0x1;
	s20 =	simm.s32 $0x320  }
0x4: {  	s21 =	simm.s32 $0xC80;
	s22 =	simm.s32 $0x960;
	s23 =	simm.s32 $0x3  }
0x5: {  	s28 =	simm.s32 $0x0;
	[smem:$0x7FF] =	sst s3;
	s12 =	smul.u32 $0x18800, s1  }
0x6: {  	s7 =	sand.u32 $0x1, s4;
	s4 =	sadd.s32 $0x1E00, s6;
	s5 =	sadd.s32 $0x24DA00, s6  }
0x7: {  	s14 =	sadd.s32 $0x311A00, s6;
	s13 =	smul.u32 $0x186A0, s1;
	s29 =	sshll.u32 s1, $0x6  }
0x8: {  	_ =	strace $0x8000004D;
	s9 =	ssub.s32 $0x2, s7;
	s25 =	sshll.u32 s7, $0x1  }
0x9: {  	s17 =	smul.u32 $0x310000, s7;
	s26 =	sshllo.u32 s7, $0x1;
	s8 =	sshrl.u32 s12, $0x3  }
0xa: {  	s10 =	sshrl.u32 s9, $0x1;
	s16 =	sadd.s32 s12, s2;
	s24 =	sshrl.u32 s13, $0x3  }
0xb: {  	s18 =	smul.u32 $0x188000, s26;
	v0 =	vmov s25;
	v1 =	vmov s26;
	s25 =	simm.s32 $0x3E80;
	s26 =	simm.s32 $0x4  }
0xc: {  	s8 =	sadd.s32 s8, s6;
	s15 =	ssub.s32 s9, s10;
	s7 =	sadd.s32 s4, s24  }
0xd: {  	s17 =	sadd.s32 s12, s17;
	s16 =	sshrl.u32 s16, $0x3;
	s24 =	simm.s32 $0x2  }
.Ltmp0:
0xe: {  	s6 =	sadd.s32 $0x21CA00, s8;
	s8 =	sor.u32 $0x1C05, s29;
	(pc) =	sbr.rel .LBB2_1-.Ltmp0, $4  }
0xf: {  	s9 =	sadd.s32 $0x30D40, s7;
	s10 =	sadd.s32 $0x64, s7;
	s11 =	sadd.s32 $0x30DA4, s7  }
0x10: {  	s18 =	sadd.s32 s12, s18;
	s12 =	sadd.s32 $0x640, s13;
	s30 =	sshrl.u32 s17, $0x3  }
0x11: {  	s15 =	smax.u32 s15, $0x1;
	s17 =	simm.s32 $0x5;
	s31 =	sshrl.u32 s18, $0x3  }
0x12: {  	s13 =	sadd.s32 s14, s30;
	s18 =	simm.s32 $0x640;
	s14 =	sadd.s32 s14, s31  }
.LBB2_29:
0x13: {  	[bflag:$0x0] =	sbarrier.arrive $0xFFFF;
	s28 =	sadd.s32 $0x1, s28  }
0x14: {  	[hbm:s14], [sflag:s8] =	dma.local [spmem:s16], $0x3100  }
0x15: {  	p0 =	sne.s32 s28, s15  }
.Ltmp1:
0x16: {  	_ =	swait.ge [sflag:s17], $0x3100;
	(pc) =	sbr.rel @!p0 .LBB2_30-.Ltmp1, $3  }
0x17: {  	[sflag:s17] =	ssyncset.done $0x0  }
0x18: {  	[sflag:s17] =	ssyncadd.s32 $0xFFFFCF00  }
0x19: {  	[bflag:$0x0] =	sbarrier.arrive $0xFFFF;
	_ =	sdelay $0x1  }
.LBB2_1:
0x1a: {  	[spmem:s16], [sflag:s8] =	dma.local [hbm:s6], $0x3100  }
0x1b: {  	_ =	swait.ge [sflag:s17], $0x3100  }
0x1c: {  	[sflag:s17] =	ssyncset.done $0x0  }
0x1d: {  	[sflag:s17] =	ssyncadd.s32 $0xFFFFCF00  }
0x1e: {  	[bflag:$0x0] =	sbarrier.arrive $0xFFFF  }
0x1f: {  	[tilespmem:s3], [sflag:$0x1] =	stream.linear.gather [hbm4b:s7+s3], $0x320, $0x38;
	[tilespmem:$0x1F880] =	vst v63  }
0x20: {  	_ = 	snop  }
0x21: {  	[tilespmem:s18], [sflag:$0x1] =	stream.linear.gather [hbm4b:s9+s3], $0x320, $0x38;
	[tilespmem:$0x1F880] =	vst v63  }
0x22: {  	_ =	swait.ge [sflag:s19], $0x320  }
0x23: {  	[sflag:s19] =	ssyncset.done $0x0  }
0x24: {  	[sflag:s19] =	ssyncadd.s32 $0xFFFFFCE0  }
0x25: {  	_ =	swait.ge [sflag:s19], $0x320  }
0x26: {  	[sflag:s19] =	ssyncset.done $0x0  }
0x27: {  	s29 =	simm.s32 $0x0;
	s30 =	simm.s32 $0x40;
	[sflag:s19] =	ssyncadd.s32 $0xFFFFFCE0  }
.LBB2_2:
0x28: {  	p0 =	sne.s32 s30, $0xC40;
	v2 =	vld [tilespmem:s29+$0x0];
	_ =	sdelay $0x2  }
.Ltmp2:
0x29: {  	(pc) =	sbr.rel @p0 .LBB2_2-.Ltmp2, $4  }
0x2a: {  	_ = 	snop  }
0x2b: {  	v2 =	vshll.u32 v2, $0x2  }
0x2c: {  	v2 =	vor.u32 v0, v2  }
0x2d: {  	[tilespmem:s29+$0x0] =	vst v2;
	s29 =	sshra.s32 s30, $0x2;
	s30 =	sadd.s32 $0x40, s30  }
0x2e: {  	v2 =	vld [tilespmem:s29+$0x0];
	_ =	sdelay $0x4  }
0x2f: {  	v2 =	vshll.u32 v2, $0x2  }
0x30: {  	v2 =	vor.u32 v0, v2  }
0x31: {  	[tilespmem:s29+$0x0] =	vst v2;
	s29 =	simm.s32 $0x0  }
0x32: {  	[tilespmem:s21], [sflag:$0x3] =	stream.indirect.gather [hbm4b:s5+s20], $0x10, s29, s20, $0xb8;
	[tilespmem:$0x1F880] =	vst v63  }
.Ltmp3:
0x33: {  	_ = 	snop;
	(pc) =	sbr.rel .LBB2_4-.Ltmp3, $4  }
0x34: {  	_ = 	snop  }
0x35: {  	[tilespmem:s20], [sflag:$0x2] =	stream.linear.gather [hbm4b:s10+s29], $0x320, $0x38;
	[tilespmem:$0x1F880] =	vst v63  }
0x36: {  	_ = 	snop  }
0x37: {  	[tilespmem:s22], [sflag:$0x2] =	stream.linear.gather [hbm4b:s11+s29], $0x320, $0x38;
	[tilespmem:$0x1F880] =	vst v63  }
.LBB2_9:
0x38: {  	_ =	swait.ge [sflag:s23], $0x3200  }
0x39: {  	[sflag:s23] =	ssyncset.done $0x0  }
0x3a: {  	[sflag:s23] =	ssyncadd.s32 $0xFFFFCE00  }
.LBB2_10:
0x3b: {  	p0 =	sgt.u32 s29, $0x7A  }
0x3c: {  	s30 =	smul.u32 @!p0 $0x320, s29  }
0x3d: {  	[spmem:s2] =	stream.indirect.scatter.add.f32 [tilespmem:s21], [sflag:$0x5], $0x10, s18, s20, $0xb8;
	[tilespmem:$0x1F880] =	vst v63  }
0x3e: {  	_ =	swait.ge [sflag:s17], $0x3200;
	s30 =	sadd.s32 @!p0 s30, s12  }
0x3f: {  	[sflag:s17] =	ssyncset.done $0x0;
	s30 =	sshrl.u32 @!p0 s30, $0x3  }
0x40: {  	s31 =	simm.s32 @!p0 $0x0;
	[sflag:s17] =	ssyncadd.s32 $0xFFFFCE00;
	s30 =	sadd.s32 @!p0 s4, s30  }
0x41: {  	[tilespmem:s31], [sflag:$0x1] =	stream.linear.gather @!p0 [hbm4b:s30+s31], $0x320, $0x38;
	[tilespmem:$0x1F880] =	vst v63  }
0x42: {  	s0 =	simm.s32 @!p0 $0x640;
	s30 =	sadd.s32 @!p0 $0x30D40, s30  }
0x43: {  	[tilespmem:s0], [sflag:$0x1] =	stream.linear.gather @!p0 [hbm4b:s30+s31], $0x320, $0x38;
	[tilespmem:$0x1F880] =	vst v63  }
.LBB2_14:
0x44: {  	s29 =	sadd.s32 $0x1, s29  }
0x45: {  	p0 =	sne.s32 s29, $0x7D  }
.Ltmp4:
0x46: {  	_ = 	snop;
	(pc) =	sbr.rel @!p0 .LBB2_15-.Ltmp4, $1  }
0x47: {  	_ =	sdelay $0x3  }
.LBB2_4:
0x48: {  	s30 =	sand.u32 $0x1, s29  }
0x49: {  	p0 =	seq.s32 s30, $0x1  }
.Ltmp5:
0x4a: {  	_ = 	snop;
	(pc) =	sbr.rel @p0 .LBB2_11-.Ltmp5, $1  }
0x4b: {  	_ =	sdelay $0x3  }
0x4c: {  	p0 =	seq.s32 s29, $0x7C  }
.Ltmp6:
0x4d: {  	_ = 	snop;
	(pc) =	sbr.rel @p0 .LBB2_9-.Ltmp6, $1  }
0x4e: {  	_ =	sdelay $0x3  }
0x4f: {  	_ =	swait.ge [sflag:s24], $0x320  }
0x50: {  	[sflag:s24] =	ssyncset.done $0x0  }
0x51: {  	[sflag:s24] =	ssyncadd.s32 $0xFFFFFCE0  }
0x52: {  	_ =	swait.ge [sflag:s24], $0x320  }
0x53: {  	[sflag:s24] =	ssyncset.done $0x0  }
0x54: {  	s30 =	simm.s32 $0x0;
	s31 =	simm.s32 $0x40;
	[sflag:s24] =	ssyncadd.s32 $0xFFFFFCE0  }
.LBB2_7:
0x55: {  	p0 =	sne.s32 s31, $0xC40;
	v2 =	vld [tilespmem:s30+$0x320];
	_ =	sdelay $0x2  }
.Ltmp7:
0x56: {  	(pc) =	sbr.rel @p0 .LBB2_7-.Ltmp7, $4  }
0x57: {  	_ = 	snop  }
0x58: {  	v2 =	vshll.u32 v2, $0x2  }
0x59: {  	v2 =	vor.u32 v0, v2  }
0x5a: {  	[tilespmem:s30+$0x320] =	vst v2;
	s30 =	sshra.s32 s31, $0x2;
	s31 =	sadd.s32 $0x40, s31  }
0x5b: {  	v2 =	vld [tilespmem:s30+$0x320];
	_ =	sdelay $0x4  }
0x5c: {  	v2 =	vshll.u32 v2, $0x2  }
0x5d: {  	v2 =	vor.u32 v0, v2  }
.Ltmp8:
0x5e: {  	[tilespmem:s30+$0x320] =	vst v2;
	(pc) =	sbr.rel .LBB2_10-.Ltmp8, $4  }
0x5f: {  	_ =	swait.ge [sflag:s23], $0x3200  }
0x60: {  	[sflag:s23] =	ssyncset.done $0x0  }
0x61: {  	[sflag:s23] =	ssyncadd.s32 $0xFFFFCE00  }
0x62: {  	[tilespmem:s25], [sflag:$0x4] =	stream.indirect.gather [hbm4b:s5+s20], $0x10, s20, s20, $0xb8;
	[tilespmem:$0x1F880] =	vst v63  }
.LBB2_11:
0x63: {  	_ =	swait.ge [sflag:s19], $0x320  }
0x64: {  	[sflag:s19] =	ssyncset.done $0x0  }
0x65: {  	[sflag:s19] =	ssyncadd.s32 $0xFFFFFCE0  }
0x66: {  	_ =	swait.ge [sflag:s19], $0x320  }
0x67: {  	[sflag:s19] =	ssyncset.done $0x0  }
0x68: {  	s30 =	simm.s32 $0x0;
	s31 =	simm.s32 $0x40;
	[sflag:s19] =	ssyncadd.s32 $0xFFFFFCE0  }
.LBB2_12:
0x69: {  	p0 =	sne.s32 s31, $0xC40;
	v2 =	vld [tilespmem:s30+$0x0];
	_ =	sdelay $0x2  }
.Ltmp9:
0x6a: {  	(pc) =	sbr.rel @p0 .LBB2_12-.Ltmp9, $4  }
0x6b: {  	_ = 	snop  }
0x6c: {  	v2 =	vshll.u32 v2, $0x2  }
0x6d: {  	v2 =	vor.u32 v0, v2  }
0x6e: {  	[tilespmem:s30+$0x0] =	vst v2;
	s30 =	sshra.s32 s31, $0x2;
	s31 =	sadd.s32 $0x40, s31  }
0x6f: {  	v2 =	vld [tilespmem:s30+$0x0];
	_ =	sdelay $0x4  }
0x70: {  	v2 =	vshll.u32 v2, $0x2  }
0x71: {  	v2 =	vor.u32 v0, v2  }
0x72: {  	[tilespmem:s30+$0x0] =	vst v2  }
0x73: {  	_ =	swait.ge [sflag:s26], $0x3200  }
0x74: {  	[sflag:s26] =	ssyncset.done $0x0  }
0x75: {  	p0 =	sgt.u32 s29, $0x7A;
	[sflag:s26] =	ssyncadd.s32 $0xFFFFCE00  }
0x76: {  	[tilespmem:s21], [sflag:$0x3] =	stream.indirect.gather [hbm4b:s5+s20], $0x10, s3, s20, $0xb8;
	[tilespmem:$0x1F880] =	vst v63  }
0x77: {  	s0 =	smul.u32 @!p0 $0x320, s29  }
0x78: {  	[spmem:s2] =	stream.indirect.scatter.add.f32 [tilespmem:s25], [sflag:$0x5], $0x10, s22, s20, $0xb8;
	[tilespmem:$0x1F880] =	vst v63  }
0x79: {  	s31 =	simm.s32 @!p0 $0x320;
	s0 =	sadd.s32 @!p0 s0, s12;
	_ =	swait.ge [sflag:s17], $0x3200  }
.Ltmp10:
0x7a: {  	s0 =	sshrl.u32 @!p0 s0, $0x3;
	[sflag:s17] =	ssyncset.done $0x0;
	(pc) =	sbr.rel .LBB2_14-.Ltmp10, $4  }
0x7b: {  	s0 =	sadd.s32 @!p0 s4, s0;
	s30 =	simm.s32 @!p0 $0x0;
	[sflag:s17] =	ssyncadd.s32 $0xFFFFCE00  }
0x7c: {  	[tilespmem:s31], [sflag:$0x2] =	stream.linear.gather @!p0 [hbm4b:s0+s30], $0x320, $0x38;
	[tilespmem:$0x1F880] =	vst v63  }
0x7d: {  	s0 =	sadd.s32 @!p0 $0x30D40, s0;
	s31 =	simm.s32 @!p0 $0x960  }
0x7e: {  	[tilespmem:s31], [sflag:$0x2] =	stream.linear.gather @!p0 [hbm4b:s0+s30], $0x320, $0x38;
	[tilespmem:$0x1F880] =	vst v63  }
.LBB2_15:
0x7f: {  	[bflag:$0x0] =	sbarrier.arrive $0xFFFF  }
0x80: {  	[hbm:s13], [sflag:s8] =	dma.local [spmem:s16], $0x3100  }
0x81: {  	_ =	swait.ge [sflag:s17], $0x3100  }
0x82: {  	[sflag:s17] =	ssyncset.done $0x0  }
0x83: {  	[sflag:s17] =	ssyncadd.s32 $0xFFFFCF00  }
0x84: {  	[bflag:$0x0] =	sbarrier.arrive $0xFFFF  }
0x85: {  	[spmem:s16], [sflag:s8] =	dma.local [hbm:s6], $0x3100  }
0x86: {  	_ =	swait.ge [sflag:s17], $0x3100  }
0x87: {  	[sflag:s17] =	ssyncset.done $0x0  }
0x88: {  	[sflag:s17] =	ssyncadd.s32 $0xFFFFCF00  }
0x89: {  	s0 =	simm.s32 $0x0;
	[bflag:$0x0] =	sbarrier.arrive $0xFFFF  }
0x8a: {  	[tilespmem:s0], [sflag:$0x1] =	stream.linear.gather [hbm4b:s7+s0], $0x320, $0x38;
	[tilespmem:$0x1F880] =	vst v63  }
0x8b: {  	_ = 	snop  }
0x8c: {  	[tilespmem:s18], [sflag:$0x1] =	stream.linear.gather [hbm4b:s9+s0], $0x320, $0x38;
	[tilespmem:$0x1F880] =	vst v63  }
0x8d: {  	_ =	swait.ge [sflag:s19], $0x320  }
0x8e: {  	[sflag:s19] =	ssyncset.done $0x0  }
0x8f: {  	[sflag:s19] =	ssyncadd.s32 $0xFFFFFCE0  }
0x90: {  	_ =	swait.ge [sflag:s19], $0x320  }
0x91: {  	[sflag:s19] =	ssyncset.done $0x0  }
0x92: {  	s29 =	simm.s32 $0x0;
	s30 =	simm.s32 $0x40;
	[sflag:s19] =	ssyncadd.s32 $0xFFFFFCE0  }
.LBB2_16:
0x93: {  	p0 =	sne.s32 s30, $0xC40;
	v2 =	vld [tilespmem:s29+$0x0];
	_ =	sdelay $0x2  }
.Ltmp11:
0x94: {  	(pc) =	sbr.rel @p0 .LBB2_16-.Ltmp11, $4  }
0x95: {  	_ = 	snop  }
0x96: {  	v2 =	vshll.u32 v2, $0x2  }
0x97: {  	v2 =	vor.u32 v1, v2  }
0x98: {  	[tilespmem:s29+$0x0] =	vst v2;
	s29 =	sshra.s32 s30, $0x2;
	s30 =	sadd.s32 $0x40, s30  }
0x99: {  	v2 =	vld [tilespmem:s29+$0x0];
	_ =	sdelay $0x4  }
0x9a: {  	v2 =	vshll.u32 v2, $0x2  }
0x9b: {  	v2 =	vor.u32 v1, v2  }
0x9c: {  	[tilespmem:s29+$0x0] =	vst v2;
	s29 =	simm.s32 $0x0  }
0x9d: {  	[tilespmem:s21], [sflag:$0x3] =	stream.indirect.gather [hbm4b:s5+s20], $0x10, s29, s20, $0xb8;
	[tilespmem:$0x1F880] =	vst v63  }
.Ltmp12:
0x9e: {  	_ = 	snop;
	(pc) =	sbr.rel .LBB2_18-.Ltmp12, $4  }
0x9f: {  	_ = 	snop  }
0xa0: {  	[tilespmem:s20], [sflag:$0x2] =	stream.linear.gather [hbm4b:s10+s29], $0x320, $0x38;
	[tilespmem:$0x1F880] =	vst v63  }
0xa1: {  	_ = 	snop  }
0xa2: {  	[tilespmem:s22], [sflag:$0x2] =	stream.linear.gather [hbm4b:s11+s29], $0x320, $0x38;
	[tilespmem:$0x1F880] =	vst v63  }
.LBB2_23:
0xa3: {  	_ =	swait.ge [sflag:s23], $0x3200  }
0xa4: {  	[sflag:s23] =	ssyncset.done $0x0  }
0xa5: {  	[sflag:s23] =	ssyncadd.s32 $0xFFFFCE00  }
.LBB2_24:
0xa6: {  	p0 =	sgt.u32 s29, $0x7A  }
0xa7: {  	s0 =	smul.u32 @!p0 $0x320, s29  }
0xa8: {  	[spmem:s2] =	stream.indirect.scatter.add.f32 [tilespmem:s21], [sflag:$0x5], $0x10, s18, s20, $0xb8;
	[tilespmem:$0x1F880] =	vst v63  }
0xa9: {  	_ =	swait.ge [sflag:s17], $0x3200;
	s0 =	sadd.s32 @!p0 s0, s12  }
0xaa: {  	[sflag:s17] =	ssyncset.done $0x0;
	s0 =	sshrl.u32 @!p0 s0, $0x3  }
0xab: {  	s30 =	simm.s32 @!p0 $0x0;
	[sflag:s17] =	ssyncadd.s32 $0xFFFFCE00;
	s0 =	sadd.s32 @!p0 s4, s0  }
0xac: {  	[tilespmem:s30], [sflag:$0x1] =	stream.linear.gather @!p0 [hbm4b:s0+s30], $0x320, $0x38;
	[tilespmem:$0x1F880] =	vst v63  }
0xad: {  	s31 =	simm.s32 @!p0 $0x640;
	s0 =	sadd.s32 @!p0 $0x30D40, s0  }
0xae: {  	[tilespmem:s31], [sflag:$0x1] =	stream.linear.gather @!p0 [hbm4b:s0+s30], $0x320, $0x38;
	[tilespmem:$0x1F880] =	vst v63  }
.LBB2_28:
0xaf: {  	s29 =	sadd.s32 $0x1, s29  }
0xb0: {  	p0 =	sne.s32 s29, $0x7D  }
.Ltmp13:
0xb1: {  	_ = 	snop;
	(pc) =	sbr.rel @!p0 .LBB2_29-.Ltmp13, $1  }
0xb2: {  	_ =	sdelay $0x3  }
.LBB2_18:
0xb3: {  	s0 =	sand.u32 $0x1, s29  }
0xb4: {  	p0 =	seq.s32 s0, $0x1  }
.Ltmp14:
0xb5: {  	_ = 	snop;
	(pc) =	sbr.rel @p0 .LBB2_25-.Ltmp14, $1  }
0xb6: {  	_ =	sdelay $0x3  }
0xb7: {  	p0 =	seq.s32 s29, $0x7C  }
.Ltmp15:
0xb8: {  	_ = 	snop;
	(pc) =	sbr.rel @p0 .LBB2_23-.Ltmp15, $1  }
0xb9: {  	_ =	sdelay $0x3  }
0xba: {  	_ =	swait.ge [sflag:s24], $0x320  }
0xbb: {  	[sflag:s24] =	ssyncset.done $0x0  }
0xbc: {  	[sflag:s24] =	ssyncadd.s32 $0xFFFFFCE0  }
0xbd: {  	_ =	swait.ge [sflag:s24], $0x320  }
0xbe: {  	[sflag:s24] =	ssyncset.done $0x0  }
0xbf: {  	s30 =	simm.s32 $0x0;
	s31 =	simm.s32 $0x40;
	[sflag:s24] =	ssyncadd.s32 $0xFFFFFCE0  }
.LBB2_21:
0xc0: {  	p0 =	sne.s32 s31, $0xC40;
	v2 =	vld [tilespmem:s30+$0x320];
	_ =	sdelay $0x2  }
.Ltmp16:
0xc1: {  	(pc) =	sbr.rel @p0 .LBB2_21-.Ltmp16, $4  }
0xc2: {  	_ = 	snop  }
0xc3: {  	v2 =	vshll.u32 v2, $0x2  }
0xc4: {  	v2 =	vor.u32 v1, v2  }
0xc5: {  	[tilespmem:s30+$0x320] =	vst v2;
	s30 =	sshra.s32 s31, $0x2;
	s31 =	sadd.s32 $0x40, s31  }
0xc6: {  	v2 =	vld [tilespmem:s30+$0x320];
	_ =	sdelay $0x4  }
0xc7: {  	v2 =	vshll.u32 v2, $0x2  }
0xc8: {  	v2 =	vor.u32 v1, v2  }
.Ltmp17:
0xc9: {  	[tilespmem:s30+$0x320] =	vst v2;
	(pc) =	sbr.rel .LBB2_24-.Ltmp17, $4  }
0xca: {  	_ =	swait.ge [sflag:s23], $0x3200  }
0xcb: {  	[sflag:s23] =	ssyncset.done $0x0  }
0xcc: {  	[sflag:s23] =	ssyncadd.s32 $0xFFFFCE00  }
0xcd: {  	[tilespmem:s25], [sflag:$0x4] =	stream.indirect.gather [hbm4b:s5+s20], $0x10, s20, s20, $0xb8;
	[tilespmem:$0x1F880] =	vst v63  }
.LBB2_25:
0xce: {  	_ =	swait.ge [sflag:s19], $0x320  }
0xcf: {  	[sflag:s19] =	ssyncset.done $0x0  }
0xd0: {  	[sflag:s19] =	ssyncadd.s32 $0xFFFFFCE0  }
0xd1: {  	_ =	swait.ge [sflag:s19], $0x320  }
0xd2: {  	[sflag:s19] =	ssyncset.done $0x0  }
0xd3: {  	s30 =	simm.s32 $0x0;
	s31 =	simm.s32 $0x40;
	[sflag:s19] =	ssyncadd.s32 $0xFFFFFCE0  }
.LBB2_26:
0xd4: {  	p0 =	sne.s32 s31, $0xC40;
	v2 =	vld [tilespmem:s30+$0x0];
	_ =	sdelay $0x2  }
.Ltmp18:
0xd5: {  	(pc) =	sbr.rel @p0 .LBB2_26-.Ltmp18, $4  }
0xd6: {  	_ = 	snop  }
0xd7: {  	v2 =	vshll.u32 v2, $0x2  }
0xd8: {  	v2 =	vor.u32 v1, v2  }
0xd9: {  	[tilespmem:s30+$0x0] =	vst v2;
	s30 =	sshra.s32 s31, $0x2;
	s31 =	sadd.s32 $0x40, s31  }
0xda: {  	v2 =	vld [tilespmem:s30+$0x0];
	_ =	sdelay $0x4  }
0xdb: {  	v2 =	vshll.u32 v2, $0x2  }
0xdc: {  	v2 =	vor.u32 v1, v2  }
0xdd: {  	[tilespmem:s30+$0x0] =	vst v2  }
0xde: {  	_ =	swait.ge [sflag:s26], $0x3200  }
0xdf: {  	[sflag:s26] =	ssyncset.done $0x0  }
0xe0: {  	p0 =	sgt.u32 s29, $0x7A;
	[sflag:s26] =	ssyncadd.s32 $0xFFFFCE00  }
0xe1: {  	[tilespmem:s21], [sflag:$0x3] =	stream.indirect.gather [hbm4b:s5+s20], $0x10, s3, s20, $0xb8;
	[tilespmem:$0x1F880] =	vst v63  }
0xe2: {  	s0 =	smul.u32 @!p0 $0x320, s29  }
0xe3: {  	[spmem:s2] =	stream.indirect.scatter.add.f32 [tilespmem:s25], [sflag:$0x5], $0x10, s22, s20, $0xb8;
	[tilespmem:$0x1F880] =	vst v63  }
0xe4: {  	s31 =	simm.s32 @!p0 $0x320;
	s0 =	sadd.s32 @!p0 s0, s12;
	_ =	swait.ge [sflag:s17], $0x3200  }
.Ltmp19:
0xe5: {  	s0 =	sshrl.u32 @!p0 s0, $0x3;
	[sflag:s17] =	ssyncset.done $0x0;
	(pc) =	sbr.rel .LBB2_28-.Ltmp19, $4  }
0xe6: {  	s0 =	sadd.s32 @!p0 s4, s0;
	s30 =	simm.s32 @!p0 $0x0;
	[sflag:s17] =	ssyncadd.s32 $0xFFFFCE00  }
0xe7: {  	[tilespmem:s31], [sflag:$0x2] =	stream.linear.gather @!p0 [hbm4b:s0+s30], $0x320, $0x38;
	[tilespmem:$0x1F880] =	vst v63  }
0xe8: {  	s0 =	sadd.s32 @!p0 $0x30D40, s0;
	s31 =	simm.s32 @!p0 $0x960  }
0xe9: {  	[tilespmem:s31], [sflag:$0x2] =	stream.linear.gather @!p0 [hbm4b:s0+s30], $0x320, $0x38;
	[tilespmem:$0x1F880] =	vst v63  }
.LBB2_30:
0xea: {  	_ =	sfence.sel $0x180000  }
0xeb: {  	[bflag:$0x0] =	sbarrier.arrive $0xFFFF  }
0xec: {  	_ =	strace $0x9000004D  }
0xed: {  	[bflag:$0x2] =	sbarrier.arrive $0xFFFF  }
0xee: {  	p0 =	sne.s32 s1, $0x0;
	s0 =	rddreg [dreg:$0x2]  }
0xef: {  	s0 =	sadd.s32 @!p0 $0x100000, s0  }
0xf0: {  	[sflag:s0] =	ssyncadd.tile.s32 @!p0 $0x1;
	_ =	shalt  }
.Lfunc_end2:
_tile_overlayer_lowered:
.L_overlay_start_2:
0xf1: {  	(tag) =	ssettag $0x2  }
0xf2: {  	s0 =	rddreg [dreg:$0x0];
	s2 =	stileid.u32  }
0xf3: {  	s1 =	rddreg [dreg:$0x1];
	p0 =	sne.s32 s2, $0x0  }
0xf4: {  	s3 =	rddreg [dreg:$0x2];
	[bflag:$0x3] =	sbarrier.arrive $0xFFFF;
	s2 =	simm.s32 @!p0 $0x1C05  }
0xf5: {  	[timem:s3], [sflag:s2] =	dma.local @!p0 [hbm:s0], s1  }
0xf6: {  	s0 =	simm.s32 @!p0 $0x5  }
0xf7: {  	_ =	swait.ge @!p0 [sflag:s0], s1  }
0xf8: {  	s1 =	ssub.s32 @!p0 $0x0, s1;
	[sflag:s0] =	ssyncset.done @!p0 $0x0  }
0xf9: {  	[sflag:s0] =	ssyncadd.s32 @!p0 s1  }
0xfa: {  	[bflag:$0x3] =	sbarrier.arrive $0xFFFF  }
0xfb: {  	_ =	shalt  }

// kernel: kernel.8.cloned.1.call-start
scs
__scs_entry_jumppad:
0x0: {  	(pc) =	sbr.rel $0x88, $3  }
0x1: {  	(tag) =	ssettag $0x0;
	lr =	simm.s32 $0x1  }
0x2: {  	[smem:$0x3F97] =	sst lr;
	_ =	strace $0xD0000000  }
0x3: {  	_ = 	snop  }
0x4: {  	_ = 	snop  }
0x5: {  	_ = 	snop  }
0x6: {  	_ = 	snop  }
0x7: {  	_ = 	snop  }
__scs_overlays_trampoline_lowered:
0x8: {  	[smem:$0x3FA6] =	sst s0  }
0x9: {  	[smem:$0x3FA7] =	sst s1  }
0xa: {  	[smem:$0x3FA8] =	sst s2  }
0xb: {  	[smem:$0x3FA9] =	sst s3  }
0xc: {  	[smem:$0x3FAA] =	sst s4  }
0xd: {  	[smem:$0x3FAB] =	sst s5  }
0xe: {  	[smem:$0x3FAC] =	sst s6  }
0xf: {  	[smem:$0x3FAD] =	sst s7  }
0x10: {  	[smem:$0x3FAE] =	sst s8  }
0x11: {  	[smem:$0x3FAF] =	sst s9;
	s0 =	simm.s32 @!p0 $0x0  }
0x12: {  	s1 =	sld [smem:$0x3F95];
	s0 =	simm.s32 @p0 $0x1  }
0x13: {  	[smem:$0x3FB0] =	sst s0;
	s0 =	simm.s32 @!p1 $0x0  }
0x14: {  	s2 =	sld [smem:$0x3F94];
	s0 =	simm.s32 @p1 $0x1  }
0x15: {  	[smem:$0x3FB1] =	sst s0;
	s0 =	simm.s32 @!p2 $0x0  }
0x16: {  	s3 =	sld [smem:$0x3FDB];
	s0 =	simm.s32 @p2 $0x1  }
0x17: {  	s4 =	simm.s32 $0x1BF5;
	[smem:$0x3FB3] =	sst s0  }
0x18: {  	s0 =	sld [smem:$0x3F96];
	_ =	swait.ge [sflag:s4], $0x0  }
0x19: {  	s7 =	sld [smem:$0x3F97]  }
0x1a: {  	s8 =	sadd.s32 $0xFFFFE003, lr  }
0x1b: {  	s9 =	sadd.s32 $0xFFFFFEF7, lr;
	s5 =	simm.s32 $0xFFFFFFFF;
	p2 =	slt.u32 s8, $0xFFFFF086  }
0x1c: {  	p1 =	slt.u32 s9, $0xF7A;
	s5 =	simm.s32 @!p2 $0x0  }
0x1d: {  	s5 =	simm.s32 @p1 $0x1;
	p0 =	seq.s32 s7, s2  }
0x1e: {  	s7 =	smul.u32 @!p0 $0xF7A, s2;
	p2 =	seq.s32 @!p0 s5, $0x0  }
0x1f: {  	s9 =	smul.u32 $0xF7A, s1;
	s8 =	simm.s32 @!p0 $0x1BF5;
	p2 =	por !p2, p0  }
0x20: {  	[sflag:s8] =	ssyncset.s32 @!p0 $0xFFFFF086;
	s6 =	sadd.s32 @!p0 s3, s7;
	s7 =	simm.s32 @!p0 $0x108  }
0x21: {  	s3 =	sadd.s32 s3, s9;
	s6 =	sadd.s32 @!p0 $0x88, s6;
	s7 =	simm.s32 @p2 $0x1082  }
0x22: {  	[simem:s7], [sflag:s8] =	dma.local @!p0 [hbm:s6], $0xF7A  }
0x23: {  	s9 =	sor.u32 $0xD0000000, s2;
	s6 =	simm.s32 $0x108;
	_ =	swait.ge @!p0 [sflag:s8], $0x0  }
0x24: {  	s3 =	sadd.s32 $0x88, s3;
	s6 =	simm.s32 @!p1 $0x1082;
	[sflag:s4] =	ssyncset.s32 $0xFFFFF086  }
0x25: {  	[simem:s6], [sflag:s4] =	dma.local [hbm:s3], $0xF7A  }
0x26: {  	[smem:$0x3F97] =	sst s1;
	(tag) =	ssettag s2;
	_ =	strace s9  }
0x27: {  	s1 =	sld [smem:$0x3FA7]  }
0x28: {  	s2 =	sld [smem:$0x3FA8]  }
0x29: {  	s4 =	sld [smem:$0x3FAA]  }
0x2a: {  	p0 =	seq.s32 s5, $0x0;
	s5 =	sld [smem:$0x3FAB]  }
0x2b: {  	s6 =	sld [smem:$0x3FAC]  }
0x2c: {  	s7 =	sld [smem:$0x3FAD]  }
0x2d: {  	s3 =	simm.s32 $0x108;
	s8 =	sld [smem:$0x3FAE]  }
0x2e: {  	s3 =	simm.s32 @!p0 $0x1082;
	s9 =	sld [smem:$0x3FAF]  }
0x2f: {  	lr =	sadd.s32 s0, s3;
	s0 =	sld [smem:$0x3FA6]  }
0x30: {  	s3 =	sld [smem:$0x3FA9]  }
0x31: {  	[smem:$0x3FB2] =	sst s10  }
0x32: {  	s10 =	sld [smem:$0x3FB0];
	_ =	sdelay $0x3  }
0x33: {  	p0 =	seq.s32 s10, $0x1;
	s10 =	sld [smem:$0x3FB2];
	_ =	sdelay $0x3  }
0x34: {  	[smem:$0x3FB2] =	sst s10  }
0x35: {  	s10 =	sld [smem:$0x3FB1];
	_ =	sdelay $0x3  }
0x36: {  	p1 =	seq.s32 s10, $0x1;
	s10 =	sld [smem:$0x3FB2];
	_ =	sdelay $0x3  }
0x37: {  	[smem:$0x3FB2] =	sst s10  }
0x38: {  	s10 =	sld [smem:$0x3FB3]  }
0x39: {  	_ = 	snop;
	(pc) =	sbr.ind lr, $3  }
0x3a: {  	_ = 	snop  }
0x3b: {  	_ = 	snop  }
0x3c: {  	p2 =	seq.s32 s10, $0x1;
	s10 =	sld [smem:$0x3FB2]  }
0x3d: {  	_ =	shalt  }
0x3e: {  	_ =	shalt  }
0x3f: {  	_ =	shalt  }
0x40: {  	_ =	shalt  }
0x41: {  	_ =	shalt  }
0x42: {  	_ =	shalt  }
0x43: {  	_ =	shalt  }
0x44: {  	_ =	shalt  }
0x45: {  	_ =	shalt  }
0x46: {  	_ =	shalt  }
0x47: {  	_ =	shalt  }
0x48: {  	_ =	shalt  }
0x49: {  	_ =	shalt  }
0x4a: {  	_ =	shalt  }
0x4b: {  	_ =	shalt  }
0x4c: {  	_ =	shalt  }
0x4d: {  	_ =	shalt  }
0x4e: {  	_ =	shalt  }
0x4f: {  	_ =	shalt  }
0x50: {  	_ =	shalt  }
0x51: {  	_ =	shalt  }
0x52: {  	_ =	shalt  }
0x53: {  	_ =	shalt  }
0x54: {  	_ =	shalt  }
0x55: {  	_ =	shalt  }
0x56: {  	_ =	shalt  }
0x57: {  	_ =	shalt  }
0x58: {  	_ =	shalt  }
0x59: {  	_ =	shalt  }
0x5a: {  	_ =	shalt  }
0x5b: {  	_ =	shalt  }
0x5c: {  	_ =	shalt  }
0x5d: {  	_ =	shalt  }
0x5e: {  	_ =	shalt  }
0x5f: {  	_ =	shalt  }
0x60: {  	_ =	shalt  }
0x61: {  	_ =	shalt  }
0x62: {  	_ =	shalt  }
0x63: {  	_ =	shalt  }
0x64: {  	_ =	shalt  }
0x65: {  	_ =	shalt  }
0x66: {  	_ =	shalt  }
0x67: {  	_ =	shalt  }
0x68: {  	_ =	shalt  }
0x69: {  	_ =	shalt  }
0x6a: {  	_ =	shalt  }
0x6b: {  	_ =	shalt  }
0x6c: {  	_ =	shalt  }
0x6d: {  	_ =	shalt  }
0x6e: {  	_ =	shalt  }
0x6f: {  	_ =	shalt  }
0x70: {  	_ =	shalt  }
0x71: {  	_ =	shalt  }
0x72: {  	_ =	shalt  }
0x73: {  	_ =	shalt  }
0x74: {  	_ =	shalt  }
0x75: {  	_ =	shalt  }
0x76: {  	_ =	shalt  }
0x77: {  	_ =	shalt  }
0x78: {  	_ =	shalt  }
0x79: {  	_ =	shalt  }
0x7a: {  	_ =	shalt  }
0x7b: {  	_ =	shalt  }
0x7c: {  	_ =	shalt  }
0x7d: {  	_ =	shalt  }
0x7e: {  	_ =	shalt  }
0x7f: {  	_ =	shalt  }
0x80: {  	_ =	shalt  }
0x81: {  	_ =	shalt  }
0x82: {  	_ =	shalt  }
0x83: {  	_ =	shalt  }
0x84: {  	_ =	shalt  }
0x85: {  	_ =	shalt  }
0x86: {  	_ =	shalt  }
0x87: {  	_ =	shalt  }
.Lfunc_end0:
.L_simem_size_0:
called_computation_lowered:
.L_overlay_start_0:
0x88: {  	s2 =	sld [smem:$0x3FD9]  }
0x89: {  	s3 =	sld [smem:$0x3FFE];
	_ =	sdelay $0x1  }
0x8a: {  	s1 =	srdreg.scid  }
0x8b: {  	s0 =	sand.u32 $0x1, s1  }
0x8c: {  	s17 =	sshll.u32 s0, $0xA;
	s2 =	sadd.s32 s3, s2  }
0x8d: {  	s2 =	sadd.s32 s2, s17  }
0x8e: {  	[smem:$0x3FBE] =	sst s2  }
0x8f: {  	_ = 	snop  }
0x90: {  	s2 =	sld [smem:$0x3FD0];
	(tm) =	ssettm $0x1  }
0x91: {  	s18 =	sld [smem:$0x3FFB];
	_ =	sdelay $0x3  }
0x92: {  	_ =	strace s18  }
0x93: {  	s3 =	sld [smem:$0x3FFC];
	_ =	sdelay $0x3  }
0x94: {  	_ =	strace s3  }
0x95: {  	s3 =	sld [smem:$0x3FFD];
	_ =	sdelay $0x3  }
0x96: {  	_ =	strace s3  }
0x97: {  	_ =	strace $0x8FFFFFFF  }
0x98: {  	s19 =	sld [smem:$0x3FDB];
	_ =	sdelay $0x1  }
0x99: {  	s4 =	simm.s32 $_scs_section_size  }
0x9a: {  	s5 =	simm.s32 $_size__tile_overlayer_lowered;
	s6 =	simm.s32 $_tile_overlayer_lowered  }
0x9b: {  	s22 =	simm.s32 $0x1BFF;
	s21 =	sshll.u32 s6, $0x1;
	s3 =	sadd.s32 s4, s19  }
0x9c: {  	s7 =	simm.s32 $0x0;
	s20 =	sshll.u32 s5, $0x1;
	s5 =	sadd.s32 s21, s3  }
0x9d: {  	[timem:s7], [sflag:s22] =	dma.local [hbm:s5], s20  }
0x9e: {  	_ =	swait.ge [sflag:s22], s20  }
0x9f: {  	s4 =	ssub.s32 $0x0, s20;
	[sflag:s22] =	ssyncset.done $0x0  }
0xa0: {  	[sflag:s22] =	ssyncadd.s32 s4;
	_ =	sdelay $0x1  }
0xa1: {  	s23 =	simm.s32 $0x1B8B  }
0xa2: {  	_ =	swait.ge [sflag:s23], $0x1  }
0xa3: {  	[sflag:s23] =	ssyncset.done $0x0  }
0xa4: {  	s25 =	simm.s32 $0x1B8E;
	s24 =	sld [smem:$0x3FFE];
	[sflag:s23] =	ssyncadd.s32 $0xFFFFFFFF  }
0xa5: {  	s26 =	simm.s32 $execute0_lowered;
	[smem:$0x3FD2] =	sst s25  }
0xa6: {  	s5 =	sshll.u32 s26, $0x1;
	_ =	strace $0x80000046;
	[dreg:$0x1] =	wrdreg $0xFFFFFFFF  }
0xa7: {  	s28 =	simm.s32 $_size_execute0_lowered;
	s3 =	sadd.s32 s3, s5;
	[dreg:$0x0] =	wrdreg $0x0  }
0xa8: {  	s5 =	sshll.u32 s28, $0x1;
	[dreg:$0x2] =	wrdreg s3  }
0xa9: {  	[dreg:$0x3] =	wrdreg s5  }
0xaa: {  	[dreg:$0x4] =	wrdreg $0xC0  }
0xab: {  	_ =	task [dreg:s7], $0x5FFFF  }
0xac: {  	[dreg:$0x1] =	wrdreg $0xFFFFFFFF  }
0xad: {  	[dreg:$0x0] =	wrdreg $0x60  }
0xae: {  	[dreg:$0x2] =	wrdreg s24  }
0xaf: {  	[dreg:$0x3] =	wrdreg s2  }
0xb0: {  	[dreg:$0x4] =	wrdreg $0xBB80  }
0xb1: {  	[dreg:$0x5] =	wrdreg $0x9  }
0xb2: {  	_ =	task.clear_ibuf [dreg:s7], $0x6FFFF;
	_ =	strace $0x90000046  }
0xb3: {  	s29 =	simm.s32 $0x9;
	_ =	strace $0x80000048  }
0xb4: {  	_ =	swait.ge [sflag:s29], $0x1  }
0xb5: {  	[sflag:s29] =	ssyncadd.s32 $0xFFFFFFFF  }
0xb6: {  	_ =	strace $0x90000048  }
0xb7: {  	_ =	sfence  }
0xb8: {  	s30 =	sld [smem:$0x0];
	_ =	sdelay $0x2  }
0xb9: {  	s31 =	sshll.u32 s1, $0xD;
	s1 =	sshrl.u32 s1, $0x2  }
0xba: {  	s3 =	sand.u32 $0x4000, s31;
	s1 =	sadd.s32 s1, s30  }
0xbb: {  	s0 =	sor.u32 s3, s0;
	s1 =	sshll.u32 s1, $0x11  }
0xbc: {  	s0 =	sor.u32 s1, s0  }
0xbd: {  	s0 =	sadd.s32 $0x8F2B, s0  }
0xbe: {  	[sflag:s0] =	ssyncadd.remote.s32 $0x1  }
0xbf: {  	_ =	sfence.sel $0xFFFF  }
0xc0: {  	[dreg:$0x0] =	wrdreg $0xFFFFFFFF;
	(pc) =	sbr.abs _section_cstart, $3  }
0xc1: {  	[dreg:$0x1] =	wrdreg $0xFFFFFFFF  }
0xc2: {  	_ =	task.clear_ibuf [dreg:s7], $0x2FFFF;
	_ =	strace $0x9FFFFFFF  }
0xc3: {  	(tm) =	ssettm $0x7FFFFFFF  }
tec
execute0_lowered:
.L_overlay_start_1:
0x0: {  	(tag) =	ssettag $0x1  }
0x1: {  	s4 =	rddreg [dreg:$0x0]  }
0x2: {  	s7 =	rddreg [dreg:$0x1]  }
0x3: {  	s2 =	rddreg [dreg:$0x2]  }
0x4: {  	s0 =	rddreg [dreg:$0x3];
	s5 =	srdreg.scid  }
0x5: {  	s3 =	simm.s32 $0x0;
	s1 =	stileid.u32;
	s5 =	sand.u32 $0x1, s5  }
0x6: {  	[smem:$0x7FF] =	sst s3;
	s6 =	smul.u32 $0x1880, s1;
	s9 =	sadd.s32 $0x1E00, s4  }
0x7: {  	s13 =	smul.u32 $0xC350, s1;
	s14 =	sshll.u32 s1, $0x6;
	s8 =	sshll.u32 s5, $0x4  }
0x8: {  	_ =	strace $0x80000047;
	s11 =	ssub.s32 $0x2, s5;
	s12 =	smul.u32 $0xC3500, s5  }
0x9: {  	s15 =	smul.u32 $0x18800, s5;
	s5 =	sor.u32 $0x1C03, s14;
	s14 =	simm.s32 $0x7D0  }
0xa: {  	s8 =	sor.u32 s1, s8;
	s10 =	sshrl.u32 s6, $0x3;
	s28 =	sshrl.u32 s11, $0x1  }
0xb: {  	s29 =	sadd.s32 s6, s2;
	s8 =	smul.u32 $0xC350, s8;
	s4 =	sadd.s32 s10, s4  }
0xc: {  	s10 =	ssub.s32 s11, s28;
	s12 =	sadd.s32 s13, s12;
	s30 =	sadd.s32 s6, s15  }
0xd: {  	s11 =	simm.s32 $0x3;
	s13 =	simm.s32 $0x3E8;
	s15 =	simm.s32 $0x4  }
0xe: {  	s4 =	sadd.s32 $0x63A00, s4;
	s12 =	sadd.s32 $0x186DE8, s12;
	s31 =	sshrl.u32 s30, $0x3  }
0xf: {  	s8 =	sshrl.u32 s8, $0x3;
	s12 =	sshrl.u32 s12, $0x3;
	s7 =	sadd.s32 s7, s31  }
0x10: {  	s8 =	sadd.s32 s9, s8;
	s9 =	sadd.s32 s12, s9;
	s12 =	simm.s32 $0x2  }
0x11: {  	v0 =	vimm.f32 $1.000000000e+00;
	s6 =	sadd.s32 $0x30D40, s8;
	s8 =	smax.u32 s10, $0x1;
	s10 =	sshrl.u32 s29, $0x3  }
.LBB2_1:
0x12: {  	s16 =	simm.s32 $0x40;
	s17 =	simm.s32 $0x0  }
.LBB2_2:
0x13: {  	p0 =	sne.s32 s16, $0xF40;
	[tilespmem:s17+$0x7D0] =	vst v0;
	s17 =	smov.u32 s16;
	s16 =	sadd.s32 $0x40, s16  }
.Ltmp0:
0x14: {  	(pc) =	sbr.rel @p0 .LBB2_2-.Ltmp0, $2  }
0x15: {  	_ =	sdelay $0x2  }
0x16: {  	s17 =	sshra.s32 s17, $0x2  }
0x17: {  	[tilespmem:s17+$0x7D0] =	vst v0  }
0x18: {  	[spmem:s10], [sflag:s5] =	dma.local [hbm:s4], $0x310  }
0x19: {  	_ =	swait.ge [sflag:s11], $0x310  }
0x1a: {  	[sflag:s11] =	ssyncset.done $0x0  }
0x1b: {  	[sflag:s11] =	ssyncadd.s32 $0xFFFFFCF0  }
0x1c: {  	s16 =	simm.s32 $0x0;
	[bflag:$0x0] =	sbarrier.arrive $0xFFFF  }
0x1d: {  	[tilespmem:s16], [sflag:$0x1] =	stream.linear.gather [hbm4b:s6+s16], $0x3E8, $0x38;
	[tilespmem:$0x2438] =	vst v63  }
0x1e: {  	s16 =	sand.u32 $0x1, s16  }
0x1f: {  	p0 =	seq.s32 s16, $0x1  }
0x20: {  	s16 =	simm.s32 @p0 $0x0;
	s17 =	simm.s32 @p0 $0x2  }
0x21: {  	[tilespmem:s16], [sflag:$0x1] =	stream.linear.gather @p0 [hbm4b:s9+s16], $0x3E8, $0x38;
	[tilespmem:$0x2438] =	vst v63  }
0x22: {  	_ =	swait.ge @p0 [sflag:s17], $0x3E8  }
0x23: {  	[sflag:s17] =	ssyncset.done @p0 $0x0  }
0x24: {  	s18 =	simm.s32 @p0 $0x7D0;
	s16 =	simm.s32 @p0 $0x3E8;
	[sflag:s17] =	ssyncadd.s32 @p0 $0xFFFFFC18  }
0x25: {  	[spmem:s2] =	stream.indirect.scatter.add.f32 @p0 [tilespmem:s18], [sflag:$0x4], $0x1, s16, s16, $0xb8;
	[tilespmem:$0x2438] =	vst v63  }
0x26: {  	s19 =	simm.s32 @!p0 $0x1;
	s17 =	simm.s32 @!p0 $0x3E8;
	s16 =	simm.s32 @!p0 $0x0  }
0x27: {  	[tilespmem:s17], [sflag:$0x2] =	stream.linear.gather @!p0 [hbm4b:s9+s16], $0x3E8, $0x38;
	[tilespmem:$0x2438] =	vst v63  }
0x28: {  	_ =	swait.ge @!p0 [sflag:s19], $0x3E8  }
0x29: {  	s20 =	simm.s32 $0x1;
	[sflag:s19] =	ssyncset.done @!p0 $0x0  }
0x2a: {  	s21 =	simm.s32 @!p0 $0x7D0;
	s18 =	simm.s32 @!p0 $0x3;
	[sflag:s19] =	ssyncadd.s32 @!p0 $0xFFFFFC18  }
0x2b: {  	[spmem:s2] =	stream.indirect.scatter.add.f32 @!p0 [tilespmem:s21], [sflag:$0x3], $0x1, s16, s17, $0xb8;
	[tilespmem:$0x2438] =	vst v63  }
0x2c: {  	s31 =	sand.u32 $0x1, s20;
	s18 =	simm.s32 @p0 $0x4;
	s17 =	simm.s32 $0x2  }
0x2d: {  	p0 =	seq.s32 s31, $0x1;
	s16 =	sadd.s32 $0x7D, s9;
	_ =	swait.ge [sflag:s18], $0x3E8  }
.LBB2_4:
0x2e: {  	s19 =	simm.s32 @p0 $0x0;
	s20 =	simm.s32 @p0 $0x2;
	[sflag:s18] =	ssyncset.done $0x0  }
0x2f: {  	s21 =	smov.u32 s17;
	s17 =	sadd.s32 $0x1, s17;
	[sflag:s18] =	ssyncadd.s32 $0xFFFFFC18  }
0x30: {  	[tilespmem:s19], [sflag:$0x1] =	stream.linear.gather @p0 [hbm4b:s16+s19], $0x3E8, $0x38;
	[tilespmem:$0x2438] =	vst v63  }
0x31: {  	p1 =	sne.s32 s17, $0x31;
	_ =	swait.ge @p0 [sflag:s20], $0x3E8  }
0x32: {  	s18 =	simm.s32 @p0 $0x3E8;
	s19 =	simm.s32 @p0 $0x7D0;
	[sflag:s20] =	ssyncset.done @p0 $0x0  }
0x33: {  	[sflag:s20] =	ssyncadd.s32 @p0 $0xFFFFFC18  }
0x34: {  	[spmem:s2] =	stream.indirect.scatter.add.f32 @p0 [tilespmem:s19], [sflag:$0x4], $0x1, s18, s18, $0xb8;
	[tilespmem:$0x2438] =	vst v63  }
0x35: {  	s22 =	simm.s32 @!p0 $0x1;
	s20 =	simm.s32 @!p0 $0x3E8;
	s19 =	simm.s32 @!p0 $0x0  }
0x36: {  	[tilespmem:s20], [sflag:$0x2] =	stream.linear.gather @!p0 [hbm4b:s16+s19], $0x3E8, $0x38;
	[tilespmem:$0x2438] =	vst v63  }
.Ltmp1:
0x37: {  	_ =	swait.ge @!p0 [sflag:s22], $0x3E8;
	(pc) =	sbr.rel @p1 .LBB2_4-.Ltmp1, $4  }
0x38: {  	s23 =	simm.s32 @!p0 $0x7D0;
	s18 =	simm.s32 @!p0 $0x3;
	[sflag:s22] =	ssyncset.done @!p0 $0x0  }
0x39: {  	s21 =	sand.u32 $0x1, s21;
	s18 =	simm.s32 @p0 $0x4;
	[sflag:s22] =	ssyncadd.s32 @!p0 $0xFFFFFC18  }
0x3a: {  	[spmem:s2] =	stream.indirect.scatter.add.f32 @!p0 [tilespmem:s23], [sflag:$0x3], $0x1, s19, s20, $0xb8;
	[tilespmem:$0x2438] =	vst v63  }
0x3b: {  	s16 =	sadd.s32 $0x7D, s16;
	p0 =	seq.s32 s21, $0x1;
	_ =	swait.ge [sflag:s18], $0x3E8  }
0x3c: {  	[sflag:s18] =	ssyncset.done $0x0  }
0x3d: {  	s17 =	simm.s32 @p0 $0x0;
	s19 =	simm.s32 @p0 $0x2;
	[sflag:s18] =	ssyncadd.s32 $0xFFFFFC18  }
0x3e: {  	[tilespmem:s17], [sflag:$0x1] =	stream.linear.gather @p0 [hbm4b:s16+s17], $0x3E8, $0x38;
	[tilespmem:$0x2438] =	vst v63  }
0x3f: {  	_ =	swait.ge @p0 [sflag:s19], $0x3E8  }
0x40: {  	[sflag:s19] =	ssyncset.done @p0 $0x0  }
0x41: {  	s18 =	simm.s32 @p0 $0x7D0;
	s17 =	simm.s32 @p0 $0x3E8;
	[sflag:s19] =	ssyncadd.s32 @p0 $0xFFFFFC18  }
0x42: {  	[spmem:s2] =	stream.indirect.scatter.add.f32 @p0 [tilespmem:s18], [sflag:$0x4], $0x1, s17, s17, $0xb8;
	[tilespmem:$0x2438] =	vst v63  }
0x43: {  	s19 =	simm.s32 @!p0 $0x1;
	s17 =	simm.s32 @!p0 $0x0;
	s18 =	simm.s32 @!p0 $0x3E8  }
0x44: {  	[tilespmem:s18], [sflag:$0x2] =	stream.linear.gather @!p0 [hbm4b:s16+s17], $0x3E8, $0x38;
	[tilespmem:$0x2438] =	vst v63  }
0x45: {  	_ =	swait.ge @!p0 [sflag:s19], $0x3E8  }
0x46: {  	s16 =	simm.s32 @!p0 $0x3;
	[sflag:s19] =	ssyncset.done @!p0 $0x0  }
0x47: {  	s20 =	simm.s32 @!p0 $0x7D0;
	s16 =	simm.s32 @p0 $0x4;
	[sflag:s19] =	ssyncadd.s32 @!p0 $0xFFFFFC18  }
0x48: {  	[spmem:s2] =	stream.indirect.scatter.add.f32 @!p0 [tilespmem:s20], [sflag:$0x3], $0x1, s17, s18, $0xb8;
	[tilespmem:$0x2438] =	vst v63  }
0x49: {  	_ =	swait.ge [sflag:s16], $0x3E8  }
0x4a: {  	[sflag:s16] =	ssyncset.done $0x0  }
0x4b: {  	[sflag:s16] =	ssyncadd.s32 $0xFFFFFC18  }
0x4c: {  	_ =	swait.ge [sflag:s12], $0x3E8  }
0x4d: {  	[sflag:s12] =	ssyncset.done $0x0  }
0x4e: {  	[sflag:s12] =	ssyncadd.s32 $0xFFFFFC18  }
0x4f: {  	[spmem:s2] =	stream.indirect.scatter.add.f32 [tilespmem:s14], [sflag:$0x4], $0x1, s13, s13, $0xb8;
	[tilespmem:$0x2438] =	vst v63  }
0x50: {  	_ =	swait.ge [sflag:s15], $0x3E8  }
0x51: {  	s3 =	sadd.s32 $0x1, s3;
	[sflag:s15] =	ssyncset.done $0x0  }
0x52: {  	p0 =	sne.s32 s3, s8;
	[sflag:s15] =	ssyncadd.s32 $0xFFFFFC18  }
.Ltmp2:
0x53: {  	[bflag:$0x0] =	sbarrier.arrive $0xFFFF;
	(pc) =	sbr.rel @p0 .LBB2_1-.Ltmp2, $4  }
0x54: {  	[hbm:s7], [sflag:s5] =	dma.local [spmem:s10], $0x310  }
0x55: {  	_ =	swait.ge [sflag:s11], $0x310  }
0x56: {  	[sflag:s11] =	ssyncset.done $0x0  }
0x57: {  	[sflag:s11] =	ssyncadd.s32 $0xFFFFFCF0  }
0x58: {  	_ =	sfence.sel $0x180000  }
0x59: {  	[bflag:$0x0] =	sbarrier.arrive $0xFFFF  }
0x5a: {  	p0 =	sne.s32 s1, $0x0;
	_ =	strace $0x90000047  }
0x5b: {  	s0 =	sadd.s32 @!p0 $0x100000, s0;
	[bflag:$0x2] =	sbarrier.arrive $0xFFFF  }
0x5c: {  	[sflag:s0] =	ssyncadd.tile.s32 @!p0 $0x1;
	_ =	shalt  }
.Lfunc_end2:
_tile_overlayer_lowered:
.L_overlay_start_2:
0x5d: {  	(tag) =	ssettag $0x2  }
0x5e: {  	s0 =	rddreg [dreg:$0x0];
	s2 =	stileid.u32  }
0x5f: {  	s1 =	rddreg [dreg:$0x1];
	p0 =	sne.s32 s2, $0x0  }
0x60: {  	s3 =	rddreg [dreg:$0x2];
	[bflag:$0x3] =	sbarrier.arrive $0xFFFF;
	s2 =	simm.s32 @!p0 $0x1C03  }
0x61: {  	[timem:s3], [sflag:s2] =	dma.local @!p0 [hbm:s0], s1  }
0x62: {  	s0 =	simm.s32 @!p0 $0x3  }
0x63: {  	_ =	swait.ge @!p0 [sflag:s0], s1  }
0x64: {  	s1 =	ssub.s32 @!p0 $0x0, s1;
	[sflag:s0] =	ssyncset.done @!p0 $0x0  }
0x65: {  	[sflag:s0] =	ssyncadd.s32 @!p0 s1  }
0x66: {  	[bflag:$0x3] =	sbarrier.arrive $0xFFFF  }
0x67: {  	_ =	shalt  }

</sc_bundles>
